<compile_context>
chip_gen: v7x
topology: tpu7x:2x2x1
jax: 0.10.2.dev20260603
libtpu: 0.0.44.dev20260713+nightly
codegen_flags: <defaults>
</compile_context>

<pallas_src>
import jax
import jax.numpy as jnp
from jax import lax
from jax.experimental import pallas as pl
from jax.experimental.pallas import tpu as pltpu
from jax.experimental.pallas import tpu_sc as plsc

_N = 10000
_D = 256
_NET = 4
_STEPS = 4
_BN = 2000
_NB = _N // _BN
_NPAD = 10112
_CH = 96
_NCH = 105
_EPW = _NCH * _CH
_NSUB = 16
_EPAD = _NSUB * _EPW
_TROWS = 2 * _NET * _N
_RPS = _NPAD // _NSUB
_PREC = lax.Precision.DEFAULT



def _init_body(x_ref, w_ref, b_ref, o_ref):
    o_ref[...] = lax.dot_general(
        x_ref[...], w_ref[...], (((1,), (1,)), ((), ())),
        precision=_PREC, preferred_element_type=jnp.float32) + b_ref[...]


def _proj_body(h_ref, w_ref, b_ref, o_ref):
    e = pl.program_id(1)
    hf = pl.program_id(2)
    b8 = b_ref[...]
    rowid = lax.broadcasted_iota(jnp.int32, (2 * _NET, 128), 0)
    b = jnp.sum(jnp.where(rowid == e * 2 + hf, b8, 0.0), axis=0, keepdims=True)
    o_ref[...] = lax.dot_general(
        h_ref[...], w_ref[0], (((1,), (1,)), ((), ())),
        precision=_PREC, preferred_element_type=jnp.float32) + b


def _gru_body(h_ref, alo_ref, ahi_ref, wih_ref, whh_ref, bih_ref, bhh_ref,
              o_ref):
    h = h_ref[...]
    a = jnp.concatenate([alo_ref[...], ahi_ref[...]], axis=1)
    gi = lax.dot_general(a, wih_ref[...], (((1,), (1,)), ((), ())),
                         precision=_PREC,
                         preferred_element_type=jnp.float32) + bih_ref[...]
    gh = lax.dot_general(h, whh_ref[...], (((1,), (1,)), ((), ())),
                         precision=_PREC,
                         preferred_element_type=jnp.float32) + bhh_ref[...]
    r = jax.nn.sigmoid(gi[:, :_D] + gh[:, :_D])
    z = jax.nn.sigmoid(gi[:, _D:2 * _D] + gh[:, _D:2 * _D])
    n = jnp.tanh(gi[:, 2 * _D:] + r * gh[:, 2 * _D:])
    o_ref[...] = (1.0 - z) * n + z * h


def _pool_body(h_ref, gw_ref, cw_ref, cb_ref, o_ref, m_s, s_s, v_s):
    i = pl.program_id(0)
    h = h_ref[...]
    g = lax.dot_general(h, gw_ref[...], (((1,), (1,)), ((), ())),
                        precision=_PREC, preferred_element_type=jnp.float32)
    first = i == 0
    m_old = jnp.where(first, -jnp.inf, m_s[0, 0])
    s_old = jnp.where(first, 0.0, s_s[0, 0])
    v_old = jnp.where(first, jnp.zeros((1, _D), jnp.float32), v_s[...])
    bm = jnp.max(g)
    m_new = jnp.maximum(m_old, bm)
    corr = jnp.exp(m_old - m_new)
    p = jnp.exp(g - m_new)
    s_new = s_old * corr + jnp.sum(p)
    pv = lax.dot_general(p, h, (((0,), (0,)), ((), ())),
                         precision=_PREC,
                         preferred_element_type=jnp.float32)
    v_new = v_old * corr + pv
    m_s[0, 0] = m_new
    s_s[0, 0] = s_new
    v_s[...] = v_new

    @pl.when(i == _NB - 1)
    def _():
        readout = v_new / s_new
        o_ref[...] = lax.dot_general(
            readout, cw_ref[...], (((1,), (1,)), ((), ())),
            precision=_PREC, preferred_element_type=jnp.float32) + cb_ref[...]


def _etype_bias(b_ref, e, hf):
    rowid = lax.broadcasted_iota(jnp.int32, (2 * _NET, 128), 0)
    return jnp.sum(jnp.where(rowid == e * 2 + hf, b_ref[...], 0.0), axis=0,
                   keepdims=True)


def _gru_math(h, a, wih_ref, whh_ref, bih_ref, bhh_ref):
    gi = lax.dot_general(a, wih_ref[...], (((1,), (1,)), ((), ())),
                         precision=_PREC,
                         preferred_element_type=jnp.float32) + bih_ref[...]
    gh = lax.dot_general(h, whh_ref[...], (((1,), (1,)), ((), ())),
                         precision=_PREC,
                         preferred_element_type=jnp.float32) + bhh_ref[...]
    r = jax.nn.sigmoid(gi[:, :_D] + gh[:, :_D])
    z = jax.nn.sigmoid(gi[:, _D:2 * _D] + gh[:, _D:2 * _D])
    n = jnp.tanh(gi[:, 2 * _D:] + r * gh[:, 2 * _D:])
    return (1.0 - z) * n + z * h


def _initproj_body(x_ref, wl_ref, bl_ref, wet_ref, bet_ref, tab_ref, h_ref,
                   hs_v):
    e = pl.program_id(1)
    hf = pl.program_id(2)

    @pl.when((e == 0) & (hf == 0))
    def _():
        h = lax.dot_general(
            x_ref[...], wl_ref[...], (((1,), (1,)), ((), ())),
            precision=_PREC, preferred_element_type=jnp.float32) + bl_ref[...]
        hs_v[...] = h
        h_ref[...] = h

    tab_ref[...] = lax.dot_general(
        hs_v[...], wet_ref[0], (((1,), (1,)), ((), ())),
        precision=_PREC,
        preferred_element_type=jnp.float32) + _etype_bias(bet_ref, e, hf)


def _gruproj_body(h_ref, alo_ref, ahi_ref, wih_ref, whh_ref, bih_ref,
                  bhh_ref, wet_ref, bet_ref, tab_ref, hn_ref, hs_v):
    e = pl.program_id(1)
    hf = pl.program_id(2)

    @pl.when((e == 0) & (hf == 0))
    def _():
        a = jnp.concatenate([alo_ref[...], ahi_ref[...]], axis=1)
        hn = _gru_math(h_ref[...], a, wih_ref, whh_ref, bih_ref, bhh_ref)
        hs_v[...] = hn
        hn_ref[...] = hn

    tab_ref[...] = lax.dot_general(
        hs_v[...], wet_ref[0], (((1,), (1,)), ((), ())),
        precision=_PREC,
        preferred_element_type=jnp.float32) + _etype_bias(bet_ref, e, hf)


def _grupool_body(h_ref, alo_ref, ahi_ref, wih_ref, whh_ref, bih_ref,
                  bhh_ref, gw_ref, cw_ref, cb_ref, o_ref, m_s, s_s, v_s):
    i = pl.program_id(0)
    a = jnp.concatenate([alo_ref[...], ahi_ref[...]], axis=1)
    h = _gru_math(h_ref[...], a, wih_ref, whh_ref, bih_ref, bhh_ref)
    g = lax.dot_general(h, gw_ref[...], (((1,), (1,)), ((), ())),
                        precision=_PREC, preferred_element_type=jnp.float32)
    first = i == 0
    m_old = jnp.where(first, -jnp.inf, m_s[0, 0])
    s_old = jnp.where(first, 0.0, s_s[0, 0])
    v_old = jnp.where(first, jnp.zeros((1, _D), jnp.float32), v_s[...])
    bm = jnp.max(g)
    m_new = jnp.maximum(m_old, bm)
    corr = jnp.exp(m_old - m_new)
    p = jnp.exp(g - m_new)
    s_new = s_old * corr + jnp.sum(p)
    pv = lax.dot_general(p, h, (((0,), (0,)), ((), ())),
                         precision=_PREC, preferred_element_type=jnp.float32)
    v_new = v_old * corr + pv
    m_s[0, 0] = m_new
    s_s[0, 0] = s_new
    v_s[...] = v_new

    @pl.when(i == _NB - 1)
    def _():
        readout = v_new / s_new
        o_ref[...] = lax.dot_general(
            readout, cw_ref[...], (((1,), (1,)), ((), ())),
            precision=_PREC, preferred_element_type=jnp.float32) + cb_ref[...]



def _sc_agg_body(tab_hbm, comb_hbm, zeros_hbm, out0_hbm, out1_hbm,
                 comb_v, g0_v, g1_v, g2_v, d_v, buf0, buf1, buf2, acc,
                 gs0, gs1, gs2):
    c = lax.axis_index("c")
    s = lax.axis_index("s")
    bufs = (buf0, buf1, buf2)
    gvs = (g0_v, g1_v, g2_v)
    gss = (gs0, gs1, gs2)
    pltpu.sync_copy(zeros_hbm, acc.at[pl.ds(s * _RPS, _RPS)])
    pltpu.sync_copy(comb_hbm.at[pl.ds(s * _EPW, _EPW)], comb_v)
    toff = c * (_NET * _N)

    def unpack_gather_idx(j, g_ref):
        @pl.loop(0, _CH, step=16)
        def _(k):
            g_ref[pl.ds(k, 16)] = (comb_v[pl.ds(j * _CH + k, 16)]
                                   & 0x1FFFF) + toff

    def unpack_dst_idx(j):
        @pl.loop(0, _CH, step=16)
        def _(k):
            d_v[pl.ds(k, 16)] = lax.shift_right_logical(
                comb_v[pl.ds(j * _CH + k, 16)], 17)

    plsc.subcore_barrier()

    unpack_gather_idx(0, g0_v)
    pltpu.async_copy(tab_hbm.at[g0_v], buf0, gs0)
    unpack_gather_idx(1, g1_v)
    pltpu.async_copy(tab_hbm.at[g1_v], buf1, gs1)

    @pl.loop(0, _NCH, step=3)
    def _(j):
        for b in range(3):
            jj = j + b
            b2 = (b + 2) % 3

            @pl.when(jj + 2 < _NCH)
            def _():
                unpack_gather_idx(jj + 2, gvs[b2])
                pltpu.async_copy(tab_hbm.at[gvs[b2]], bufs[b2], gss[b2])

            pltpu.make_async_copy(tab_hbm.at[gvs[b]], bufs[b], gss[b]).wait()
            unpack_dst_idx(jj)
            pltpu.sync_copy(bufs[b], acc.at[d_v], add=True)

    plsc.subcore_barrier()

    @pl.when(c == 0)
    def _():
        pltpu.sync_copy(acc.at[pl.ds(s * _RPS, _RPS)],
                        out0_hbm.at[pl.ds(s * _RPS, _RPS)])

    @pl.when(c == 1)
    def _():
        pltpu.sync_copy(acc.at[pl.ds(s * _RPS, _RPS)],
                        out1_hbm.at[pl.ds(s * _RPS, _RPS)])


def _sc_agg(tab, comb, zeros):
    f = pl.kernel(
        _sc_agg_body,
        out_type=(jax.ShapeDtypeStruct((_NPAD, 128), jnp.float32),
                  jax.ShapeDtypeStruct((_NPAD, 128), jnp.float32)),
        mesh=plsc.VectorSubcoreMesh(core_axis_name="c", subcore_axis_name="s"),
        scratch_types=[
            pltpu.VMEM((_EPW,), jnp.int32),
            pltpu.VMEM((_CH,), jnp.int32),
            pltpu.VMEM((_CH,), jnp.int32),
            pltpu.VMEM((_CH,), jnp.int32),
            pltpu.VMEM((_CH,), jnp.int32),
            pltpu.VMEM((_CH, 128), jnp.float32),
            pltpu.VMEM((_CH, 128), jnp.float32),
            pltpu.VMEM((_CH, 128), jnp.float32),
            pltpu.VMEM_SHARED((_NPAD, 128), jnp.float32),
            pltpu.SemaphoreType.DMA,
            pltpu.SemaphoreType.DMA,
            pltpu.SemaphoreType.DMA,
        ],
    )
    return f(tab, comb, zeros)



def kernel(x, edge_index, etype, W_lin, b_lin, W_et, b_et, gru_W_ih, gru_W_hh,
           gru_b_ih, gru_b_hh, gate_W, gate_b, cls_W, cls_b):
    E = edge_index.shape[1]
    pad = _EPAD - E
    comb = (edge_index[1].astype(jnp.int32) << 17) | (
        etype.astype(jnp.int32) * _N + edge_index[0].astype(jnp.int32))
    comb = jnp.concatenate([comb, jnp.full((pad,), _N << 17, jnp.int32)])
    zeros = jnp.zeros((_RPS, 128), jnp.float32)
    b_lin2 = b_lin.reshape(1, _D)
    b_et2 = b_et.reshape(2 * _NET, 128)
    bih2 = gru_b_ih.reshape(1, 3 * _D)
    bhh2 = gru_b_hh.reshape(1, 3 * _D)
    cb2 = cls_b.reshape(1, 2)
    del gate_b

    grid3 = (_NB, _NET, 2)
    tab_spec = pl.BlockSpec(
        (_BN, 128), lambda i, e, hf: (hf * (_NET * _NB) + e * _NB + i, 0))
    wet_spec = pl.BlockSpec((1, 128, _D), lambda i, e, hf: (e, hf, 0))
    bet_spec = pl.BlockSpec((2 * _NET, 128), lambda i, e, hf: (0, 0))
    hrow3 = pl.BlockSpec((_BN, _D), lambda i, e, hf: (i, 0))
    full3 = lambda shape: pl.BlockSpec(shape, lambda i, e, hf: tuple(
        0 for _ in shape))

    tab, h = pl.pallas_call(
        _initproj_body,
        grid=grid3,
        in_specs=[hrow3, full3((_D, _D)), full3((1, _D)), wet_spec, bet_spec],
        out_specs=(tab_spec, hrow3),
        out_shape=(jax.ShapeDtypeStruct((_TROWS, 128), jnp.float32),
                   jax.ShapeDtypeStruct((_N, _D), jnp.float32)),
        scratch_shapes=[pltpu.VMEM((_BN, _D), jnp.float32)],
    )(x, W_lin, b_lin2, W_et, b_et2)

    for step in range(_STEPS):
        a_lo, a_hi = _sc_agg(tab, comb, zeros)
        if step < _STEPS - 1:
            tab, h = pl.pallas_call(
                _gruproj_body,
                grid=grid3,
                in_specs=[
                    hrow3,
                    pl.BlockSpec((_BN, 128), lambda i, e, hf: (i, 0)),
                    pl.BlockSpec((_BN, 128), lambda i, e, hf: (i, 0)),
                    full3((3 * _D, _D)), full3((3 * _D, _D)),
                    full3((1, 3 * _D)), full3((1, 3 * _D)),
                    wet_spec, bet_spec,
                ],
                out_specs=(tab_spec, hrow3),
                out_shape=(jax.ShapeDtypeStruct((_TROWS, 128), jnp.float32),
                           jax.ShapeDtypeStruct((_N, _D), jnp.float32)),
                scratch_shapes=[pltpu.VMEM((_BN, _D), jnp.float32)],
            )(h, a_lo, a_hi, gru_W_ih, gru_W_hh, bih2, bhh2, W_et, b_et2)
        else:
            result = pl.pallas_call(
                _grupool_body,
                grid=(_NB,),
                in_specs=[
                    pl.BlockSpec((_BN, _D), lambda i: (i, 0)),
                    pl.BlockSpec((_BN, 128), lambda i: (i, 0)),
                    pl.BlockSpec((_BN, 128), lambda i: (i, 0)),
                    pl.BlockSpec((3 * _D, _D), lambda i: (0, 0)),
                    pl.BlockSpec((3 * _D, _D), lambda i: (0, 0)),
                    pl.BlockSpec((1, 3 * _D), lambda i: (0, 0)),
                    pl.BlockSpec((1, 3 * _D), lambda i: (0, 0)),
                    pl.BlockSpec((1, _D), lambda i: (0, 0)),
                    pl.BlockSpec((2, _D), lambda i: (0, 0)),
                    pl.BlockSpec((1, 2), lambda i: (0, 0)),
                ],
                out_specs=pl.BlockSpec((1, 2), lambda i: (0, 0)),
                out_shape=jax.ShapeDtypeStruct((1, 2), jnp.float32),
                scratch_shapes=[
                    pltpu.SMEM((1, 1), jnp.float32),
                    pltpu.SMEM((1, 1), jnp.float32),
                    pltpu.VMEM((1, _D), jnp.float32),
                ],
            )(h, a_lo, a_hi, gru_W_ih, gru_W_hh, bih2, bhh2, gate_W, cls_W,
              cb2)
    return result

# --- scband reference (transcript-rebuilt; emitter-appended) ---
"""Pipeline reference for scband-ggnngap-37941741093410 (READ-ONLY COPY).

The authoritative reference and input builder live on the scoring server;
editing this copy changes nothing except your own understanding.
"""

import jax, jax.numpy as jnp
import numpy as np

N = 10000
E = 160000
D = 256
NET = 4
STEPS = 4

def setup_inputs(seed: int = 0) -> dict:
    key = jax.random.key(seed)
    ks = jax.random.split(key, 16)
    s = 0.05
    inp = {}
    inp['x'] = jax.random.normal(ks[0], (N, D), dtype=jnp.float32)
    inp['edge_index'] = jax.random.randint(ks[1], (2, E), 0, N, dtype=jnp.int32)
    inp['etype'] = jax.random.randint(ks[2], (E,), 0, NET, dtype=jnp.int32)
    # learned parameters
    inp['W_lin'] = jax.random.normal(ks[3], (D, D), dtype=jnp.float32) * s
    inp['b_lin'] = jnp.zeros((D,), dtype=jnp.float32)
    inp['W_et'] = jax.random.normal(ks[4], (NET, D, D), dtype=jnp.float32) * s
    inp['b_et'] = jnp.zeros((NET, D), dtype=jnp.float32)
    inp['gru_W_ih'] = jax.random.normal(ks[5], (3 * D, D), dtype=jnp.float32) * s
    inp['gru_W_hh'] = jax.random.normal(ks[6], (3 * D, D), dtype=jnp.float32) * s
    inp['gru_b_ih'] = jnp.zeros((3 * D,), dtype=jnp.float32)
    inp['gru_b_hh'] = jnp.zeros((3 * D,), dtype=jnp.float32)
    inp['gate_W'] = jax.random.normal(ks[7], (1, D), dtype=jnp.float32) * s
    inp['gate_b'] = jnp.zeros((1,), dtype=jnp.float32)
    inp['cls_W'] = jax.random.normal(ks[8], (2, D), dtype=jnp.float32) * s
    inp['cls_b'] = jnp.zeros((2,), dtype=jnp.float32)
    return inp

def reference(x, edge_index, etype, W_lin, b_lin, W_et, b_et, gru_W_ih, gru_W_hh, gru_b_ih, gru_b_hh, gate_W, gate_b, cls_W, cls_b):
    # initial linear projection (self.linear)
    h = x @ W_lin.T + b_lin
    src = edge_index[0]
    dst = edge_index[1]
    # GatedGraphConv: n_steps of per-etype message passing + GRUCell update
    for _ in range(STEPS):
        a = jnp.zeros_like(h)
        for e in range(NET):
            h_e = h @ W_et[e].T + b_et[e]
            msg = jnp.where((etype == e)[:, None], h_e[src], 0.0)
            a = a.at[dst].add(msg)
        gi = a @ gru_W_ih.T + gru_b_ih
        gh = h @ gru_W_hh.T + gru_b_hh
        i_r, i_z, i_n = jnp.split(gi, 3, axis=1)
        h_r, h_z, h_n = jnp.split(gh, 3, axis=1)
        r = jax.nn.sigmoid(i_r + h_r)
        z = jax.nn.sigmoid(i_z + h_z)
        n = jnp.tanh(i_n + r * h_n)
        h = (1.0 - z) * n + z * h
    # GlobalAttentionPooling over the single graph (softmax over all nodes)
    gate = h @ gate_W.T + gate_b
    gate = jax.nn.softmax(gate, axis=0)
    readout = jnp.sum(gate * h, axis=0, keepdims=True)
    # classifier
    result = readout @ cls_W.T + cls_b
    return result

if __name__ == "__main__":
    import jax
    _d = setup_inputs()
    print(jax.jit(kernel)(*tuple(_d.values())))

</pallas_src>

<mosaic_0001>
#map = affine_map<(d0, d1) -> (0, 0)>
#map1 = affine_map<(d0, d1) -> (0)>
module attributes {stable_mosaic.version = 14 : i64} {
  func.func @_sc_agg_body(%arg0: i32, %arg1: i32, %arg2: memref<80000x128xf32, #tpu.memory_space<hbm>>, %arg3: memref<161280xi32, #tpu.memory_space<hbm>>, %arg4: memref<632x128xf32, #tpu.memory_space<hbm>>, %arg5: memref<10112x128xf32, #tpu.memory_space<hbm>>, %arg6: memref<10112x128xf32, #tpu.memory_space<hbm>>, %arg7: memref<10080xi32, #tpu.memory_space<vmem>>, %arg8: memref<96xi32, #tpu.memory_space<vmem>>, %arg9: memref<96xi32, #tpu.memory_space<vmem>>, %arg10: memref<96xi32, #tpu.memory_space<vmem>>, %arg11: memref<96xi32, #tpu.memory_space<vmem>>, %arg12: memref<96x128xf32, #tpu.memory_space<vmem>>, %arg13: memref<96x128xf32, #tpu.memory_space<vmem>>, %arg14: memref<96x128xf32, #tpu.memory_space<vmem>>, %arg15: memref<10112x128xf32, #tpu.memory_space<vmem_shared>>, %arg16: memref<!tpu.dma_semaphore, #tpu.memory_space<semaphore_mem>>, %arg17: memref<!tpu.dma_semaphore, #tpu.memory_space<semaphore_mem>>, %arg18: memref<!tpu.dma_semaphore, #tpu.memory_space<semaphore_mem>>) attributes {dimension_semantics = [#tpu.dimension_semantics<core_parallel>, #tpu.dimension_semantics<subcore_parallel>], iteration_bounds = array<i64: 2, 16>, scalar_prefetch = 0 : i64, scratch_operands = 12 : i64, tpu.core_type = #tpu.core_type<sc_vector_subcore>, window_params = [{transform_indices = #map}, {transform_indices = #map1}, {transform_indices = #map}, {transform_indices = #map}, {transform_indices = #map}]} {
    %mul3A = arith.constant 632 : i32
    %mul3A_0 = arith.muli %arg1, %mul3A : i32
    "tpu.region"() ({
      %run_scoped3A = tpu.sem_alloc : memref<!tpu.dma_semaphore, #tpu.memory_space<semaphore_mem>>
      %dma_start3A_32 = arith.constant 0 : i32
      %dma_start3A_33 = tpu.memref_slice %arg15[%mul3A_0, %dma_start3A_32] : memref<10112x128xf32, #tpu.memory_space<vmem_shared>> -> memref<632x128xf32, #tpu.memory_space<vmem_shared>>
      tpu.enqueue_dma source(%arg4 : memref<632x128xf32, #tpu.memory_space<hbm>>) target(%dma_start3A_33 : memref<632x128xf32, #tpu.memory_space<vmem_shared>>) target_semaphore(%run_scoped3A : memref<!tpu.dma_semaphore, #tpu.memory_space<semaphore_mem>>)
      %dma_wait3A = arith.constant 0 : i32
      %dma_wait3A_34 = tpu.memref_slice %arg15[%mul3A_0, %dma_wait3A] : memref<10112x128xf32, #tpu.memory_space<vmem_shared>> -> memref<632x128xf32, #tpu.memory_space<vmem_shared>>
      tpu.wait_dma2 semaphore(%run_scoped3A : memref<!tpu.dma_semaphore, #tpu.memory_space<semaphore_mem>>) src(%arg4 : memref<632x128xf32, #tpu.memory_space<hbm>>) dst(%dma_wait3A_34 : memref<632x128xf32, #tpu.memory_space<vmem_shared>>)
      tpu.yield
    }) : () -> ()
    %mul3A_1 = arith.constant 10080 : i32
    %mul3A_2 = arith.muli %arg1, %mul3A_1 : i32
    "tpu.region"() ({
      %run_scoped3A = tpu.sem_alloc : memref<!tpu.dma_semaphore, #tpu.memory_space<semaphore_mem>>
      %dma_start3A_32 = tpu.memref_slice %arg3[%mul3A_2] : memref<161280xi32, #tpu.memory_space<hbm>> -> memref<10080xi32, #tpu.memory_space<hbm>>
      %dma_start3A_33 = tpu.memref_slice %arg3[%mul3A_2] : memref<161280xi32, #tpu.memory_space<hbm>> -> memref<10080xi32, #tpu.memory_space<hbm>>
      tpu.enqueue_dma source(%dma_start3A_33 : memref<10080xi32, #tpu.memory_space<hbm>>) target(%arg7 : memref<10080xi32, #tpu.memory_space<vmem>>) target_semaphore(%run_scoped3A : memref<!tpu.dma_semaphore, #tpu.memory_space<semaphore_mem>>)
      %dma_wait3A = tpu.memref_slice %arg3[%mul3A_2] : memref<161280xi32, #tpu.memory_space<hbm>> -> memref<10080xi32, #tpu.memory_space<hbm>>
      %dma_wait3A_34 = tpu.memref_slice %arg3[%mul3A_2] : memref<161280xi32, #tpu.memory_space<hbm>> -> memref<10080xi32, #tpu.memory_space<hbm>>
      tpu.wait_dma2 semaphore(%run_scoped3A : memref<!tpu.dma_semaphore, #tpu.memory_space<semaphore_mem>>) src(%dma_wait3A_34 : memref<10080xi32, #tpu.memory_space<hbm>>) dst(%arg7 : memref<10080xi32, #tpu.memory_space<vmem>>)
      tpu.yield
    }) : () -> ()
    %mul3A_3 = arith.constant 40000 : i32
    %mul3A_4 = arith.muli %arg0, %mul3A_3 : i32
    %barrier3A = arith.constant 0 : index
    tpu.barrier barrier_id(%barrier3A)
    %scan3A = arith.constant 0 : i32
    %scan3A_5 = arith.constant 6 : i32
    %scan3A_6 = arith.addi %scan3A, %scan3A_5 : i32
    %scan3A_7 = arith.constant 1 : i32
    scf.for %scan3A_32 = %scan3A to %scan3A_6 step %scan3A_7  : i32 {
      %mul3A_33 = arith.constant 16 : i32
      %mul3A_34 = arith.muli %scan3A_32, %mul3A_33 : i32
      %add3A = arith.constant 0 : i32
      %add3A_35 = arith.addi %add3A, %mul3A_34 : i32
      %add3A_36 = arith.constant 0 : i32
      %add3A_37 = arith.addi %add3A_36, %add3A_35 : i32
      %get3A = arith.index_cast %add3A_37 : i32 to index
      %get3A_38 = tpu.vector_load %arg7[%get3A] {strides = array<i32>} : memref<10080xi32, #tpu.memory_space<vmem>>, vector<16xi32>,
      %get3A_39 = vector.shape_cast %get3A_38 : vector<16xi32> to vector<16xi32>
      %and3A = arith.constant 131071 : i32
      %and3A_40 = vector.broadcast %and3A : i32 to vector<16xi32>
      %and3A_41 = arith.andi %get3A_39, %and3A_40 : vector<16xi32>
      %add3A_42 = vector.broadcast %mul3A_4 : i32 to vector<16xi32>
      %add3A_43 = arith.addi %and3A_41, %add3A_42 : vector<16xi32>
      %swap3A = arith.index_cast %add3A_35 : i32 to index
      %swap3A_44 = tpu.vector_load %arg8[%swap3A] {strides = array<i32>} : memref<96xi32, #tpu.memory_space<vmem>>, vector<16xi32>,
      %swap3A_45 = vector.shape_cast %swap3A_44 : vector<16xi32> to vector<16xi32>
      %swap3A_46 = vector.shape_cast %add3A_43 : vector<16xi32> to vector<16xi32>
      tpu.vector_store %arg8[%swap3A], %swap3A_46 {strides = array<i32>} : memref<96xi32, #tpu.memory_space<vmem>>, vector<16xi32>,
    }
    %scan3A_8 = arith.constant 6 : i32
    %dma_start3A = arith.constant 0 : i32
    %dma_start3A_9 = arith.constant 0 : i32
    %dma_start3A_10 = tpu.memref_slice %arg2[%dma_start3A, %dma_start3A_9] : memref<80000x128xf32, #tpu.memory_space<hbm>> -> memref<80000x128xf32, #tpu.memory_space<hbm>>
    tpu.enqueue_indirect_dma source(%dma_start3A_10 : memref<80000x128xf32, #tpu.memory_space<hbm>>) target(%arg12 : memref<96x128xf32, #tpu.memory_space<vmem>>) offsets(%arg8 : memref<96xi32, #tpu.memory_space<vmem>>) semaphore(%arg16 : memref<!tpu.dma_semaphore, #tpu.memory_space<semaphore_mem>>)
    %scan3A_11 = arith.constant 0 : i32
    %scan3A_12 = arith.constant 6 : i32
    %scan3A_13 = arith.addi %scan3A_11, %scan3A_12 : i32
    %scan3A_14 = arith.constant 1 : i32
    scf.for %scan3A_32 = %scan3A_11 to %scan3A_13 step %scan3A_14  : i32 {
      %mul3A_33 = arith.constant 16 : i32
      %mul3A_34 = arith.muli %scan3A_32, %mul3A_33 : i32
      %add3A = arith.constant 0 : i32
      %add3A_35 = arith.addi %add3A, %mul3A_34 : i32
      %add3A_36 = arith.constant 96 : i32
      %add3A_37 = arith.addi %add3A_36, %add3A_35 : i32
      %get3A = arith.index_cast %add3A_37 : i32 to index
      %get3A_38 = tpu.vector_load %arg7[%get3A] {strides = array<i32>} : memref<10080xi32, #tpu.memory_space<vmem>>, vector<16xi32>,
      %get3A_39 = vector.shape_cast %get3A_38 : vector<16xi32> to vector<16xi32>
      %and3A = arith.constant 131071 : i32
      %and3A_40 = vector.broadcast %and3A : i32 to vector<16xi32>
      %and3A_41 = arith.andi %get3A_39, %and3A_40 : vector<16xi32>
      %add3A_42 = vector.broadcast %mul3A_4 : i32 to vector<16xi32>
      %add3A_43 = arith.addi %and3A_41, %add3A_42 : vector<16xi32>
      %swap3A = arith.index_cast %add3A_35 : i32 to index
      %swap3A_44 = tpu.vector_load %arg9[%swap3A] {strides = array<i32>} : memref<96xi32, #tpu.memory_space<vmem>>, vector<16xi32>,
      %swap3A_45 = vector.shape_cast %swap3A_44 : vector<16xi32> to vector<16xi32>
      %swap3A_46 = vector.shape_cast %add3A_43 : vector<16xi32> to vector<16xi32>
      tpu.vector_store %arg9[%swap3A], %swap3A_46 {strides = array<i32>} : memref<96xi32, #tpu.memory_space<vmem>>, vector<16xi32>,
    }
    %scan3A_15 = arith.constant 6 : i32
    %dma_start3A_16 = arith.constant 0 : i32
    %dma_start3A_17 = arith.constant 0 : i32
    %dma_start3A_18 = tpu.memref_slice %arg2[%dma_start3A_16, %dma_start3A_17] : memref<80000x128xf32, #tpu.memory_space<hbm>> -> memref<80000x128xf32, #tpu.memory_space<hbm>>
    tpu.enqueue_indirect_dma source(%dma_start3A_18 : memref<80000x128xf32, #tpu.memory_space<hbm>>) target(%arg13 : memref<96x128xf32, #tpu.memory_space<vmem>>) offsets(%arg9 : memref<96xi32, #tpu.memory_space<vmem>>) semaphore(%arg17 : memref<!tpu.dma_semaphore, #tpu.memory_space<semaphore_mem>>)
    %scan3A_19 = arith.constant 0 : i32
    %scan3A_20 = arith.constant 35 : i32
    %scan3A_21 = arith.addi %scan3A_19, %scan3A_20 : i32
    %scan3A_22 = arith.constant 1 : i32
    scf.for %scan3A_32 = %scan3A_19 to %scan3A_21 step %scan3A_22  : i32 {
      %mul3A_33 = arith.constant 3 : i32
      %mul3A_34 = arith.muli %scan3A_32, %mul3A_33 : i32
      %add3A = arith.constant 0 : i32
      %add3A_35 = arith.addi %add3A, %mul3A_34 : i32
      %add3A_36 = arith.constant 0 : i32
      %add3A_37 = arith.addi %add3A_35, %add3A_36 : i32
      %add3A_38 = arith.constant 2 : i32
      %add3A_39 = arith.addi %add3A_37, %add3A_38 : i32
      %lt3A = arith.constant 105 : i32
      %lt3A_40 = arith.cmpi slt, %add3A_39, %lt3A : i32
      %convert_element_type3A_41 = arith.extui %lt3A_40 : i1 to i32
      %cond3A_42 = arith.constant 0 : i32
      %cond3A_43 = arith.cmpi ne, %convert_element_type3A_41, %cond3A_42 : i32
      scf.if %cond3A_43 {
        %add3A_85 = arith.constant 2 : i32
        %add3A_86 = arith.addi %add3A_37, %add3A_85 : i32
        %scan3A_87 = arith.constant 0 : i32
        %scan3A_88 = arith.constant 6 : i32
        %scan3A_89 = arith.addi %scan3A_87, %scan3A_88 : i32
        %scan3A_90 = arith.constant 1 : i32
        scf.for %scan3A_95 = %scan3A_87 to %scan3A_89 step %scan3A_90  : i32 {
          %mul3A_96 = arith.constant 16 : i32
          %mul3A_97 = arith.muli %scan3A_95, %mul3A_96 : i32
          %add3A_98 = arith.constant 0 : i32
          %add3A_99 = arith.addi %add3A_98, %mul3A_97 : i32
          %mul3A_100 = arith.constant 96 : i32
          %mul3A_101 = arith.muli %add3A_86, %mul3A_100 : i32
          %add3A_102 = arith.addi %mul3A_101, %add3A_99 : i32
          %get3A = arith.index_cast %add3A_102 : i32 to index
          %get3A_103 = tpu.vector_load %arg7[%get3A] {strides = array<i32>} : memref<10080xi32, #tpu.memory_space<vmem>>, vector<16xi32>,
          %get3A_104 = vector.shape_cast %get3A_103 : vector<16xi32> to vector<16xi32>
          %and3A = arith.constant 131071 : i32
          %and3A_105 = vector.broadcast %and3A : i32 to vector<16xi32>
          %and3A_106 = arith.andi %get3A_104, %and3A_105 : vector<16xi32>
          %add3A_107 = vector.broadcast %mul3A_4 : i32 to vector<16xi32>
          %add3A_108 = arith.addi %and3A_106, %add3A_107 : vector<16xi32>
          %swap3A = arith.index_cast %add3A_99 : i32 to index
          %swap3A_109 = tpu.vector_load %arg10[%swap3A] {strides = array<i32>} : memref<96xi32, #tpu.memory_space<vmem>>, vector<16xi32>,
          %swap3A_110 = vector.shape_cast %swap3A_109 : vector<16xi32> to vector<16xi32>
          %swap3A_111 = vector.shape_cast %add3A_108 : vector<16xi32> to vector<16xi32>
          tpu.vector_store %arg10[%swap3A], %swap3A_111 {strides = array<i32>} : memref<96xi32, #tpu.memory_space<vmem>>, vector<16xi32>,
        }
        %scan3A_91 = arith.constant 6 : i32
        %dma_start3A_92 = arith.constant 0 : i32
        %dma_start3A_93 = arith.constant 0 : i32
        %dma_start3A_94 = tpu.memref_slice %arg2[%dma_start3A_92, %dma_start3A_93] : memref<80000x128xf32, #tpu.memory_space<hbm>> -> memref<80000x128xf32, #tpu.memory_space<hbm>>
        tpu.enqueue_indirect_dma source(%dma_start3A_94 : memref<80000x128xf32, #tpu.memory_space<hbm>>) target(%arg14 : memref<96x128xf32, #tpu.memory_space<vmem>>) offsets(%arg10 : memref<96xi32, #tpu.memory_space<vmem>>) semaphore(%arg18 : memref<!tpu.dma_semaphore, #tpu.memory_space<semaphore_mem>>)
      } else {
      }
      %dma_wait3A = arith.constant 0 : i32
      %dma_wait3A_44 = arith.constant 0 : i32
      %dma_wait3A_45 = tpu.memref_slice %arg2[%dma_wait3A, %dma_wait3A_44] : memref<80000x128xf32, #tpu.memory_space<hbm>> -> memref<80000x128xf32, #tpu.memory_space<hbm>>
      tpu.wait_indirect_dma semaphore(%arg16 : memref<!tpu.dma_semaphore, #tpu.memory_space<semaphore_mem>>) src(%dma_wait3A_45 : memref<80000x128xf32, #tpu.memory_space<hbm>>) dst(%arg12 : memref<96x128xf32, #tpu.memory_space<vmem>>)
      %scan3A_46 = arith.constant 0 : i32
      %scan3A_47 = arith.constant 6 : i32
      %scan3A_48 = arith.addi %scan3A_46, %scan3A_47 : i32
      %scan3A_49 = arith.constant 1 : i32
      scf.for %scan3A_85 = %scan3A_46 to %scan3A_48 step %scan3A_49  : i32 {
        %mul3A_86 = arith.constant 16 : i32
        %mul3A_87 = arith.muli %scan3A_85, %mul3A_86 : i32
        %add3A_88 = arith.constant 0 : i32
        %add3A_89 = arith.addi %add3A_88, %mul3A_87 : i32
        %mul3A_90 = arith.constant 96 : i32
        %mul3A_91 = arith.muli %add3A_37, %mul3A_90 : i32
        %add3A_92 = arith.addi %mul3A_91, %add3A_89 : i32
        %get3A = arith.index_cast %add3A_92 : i32 to index
        %get3A_93 = tpu.vector_load %arg7[%get3A] {strides = array<i32>} : memref<10080xi32, #tpu.memory_space<vmem>>, vector<16xi32>,
        %get3A_94 = vector.shape_cast %get3A_93 : vector<16xi32> to vector<16xi32>
        %shift_right_logical3A = arith.constant 17 : i32
        %shift_right_logical3A_95 = vector.broadcast %shift_right_logical3A : i32 to vector<16xi32>
        %shift_right_logical3A_96 = arith.shrui %get3A_94, %shift_right_logical3A_95 : vector<16xi32>
        %swap3A = arith.index_cast %add3A_89 : i32 to index
        %swap3A_97 = tpu.vector_load %arg11[%swap3A] {strides = array<i32>} : memref<96xi32, #tpu.memory_space<vmem>>, vector<16xi32>,
        %swap3A_98 = vector.shape_cast %swap3A_97 : vector<16xi32> to vector<16xi32>
        %swap3A_99 = vector.shape_cast %shift_right_logical3A_96 : vector<16xi32> to vector<16xi32>
        tpu.vector_store %arg11[%swap3A], %swap3A_99 {strides = array<i32>} : memref<96xi32, #tpu.memory_space<vmem>>, vector<16xi32>,
      }
      %scan3A_50 = arith.constant 6 : i32
      "tpu.region"() ({
        %run_scoped3A = tpu.sem_alloc : memref<!tpu.dma_semaphore, #tpu.memory_space<semaphore_mem>>
        %dma_start3A_85 = arith.constant 0 : i32
        %dma_start3A_86 = arith.constant 0 : i32
        %dma_start3A_87 = tpu.memref_slice %arg15[%dma_start3A_85, %dma_start3A_86] : memref<10112x128xf32, #tpu.memory_space<vmem_shared>> -> memref<10112x128xf32, #tpu.memory_space<vmem_shared>>
        tpu.enqueue_indirect_dma source(%arg12 : memref<96x128xf32, #tpu.memory_space<vmem>>) target(%dma_start3A_87 : memref<10112x128xf32, #tpu.memory_space<vmem_shared>>) offsets(%arg11 : memref<96xi32, #tpu.memory_space<vmem>>) semaphore(%run_scoped3A : memref<!tpu.dma_semaphore, #tpu.memory_space<semaphore_mem>>) {add = true}
        %dma_wait3A_88 = arith.constant 0 : i32
        %dma_wait3A_89 = arith.constant 0 : i32
        %dma_wait3A_90 = tpu.memref_slice %arg15[%dma_wait3A_88, %dma_wait3A_89] : memref<10112x128xf32, #tpu.memory_space<vmem_shared>> -> memref<10112x128xf32, #tpu.memory_space<vmem_shared>>
        tpu.wait_indirect_dma semaphore(%run_scoped3A : memref<!tpu.dma_semaphore, #tpu.memory_space<semaphore_mem>>) src(%arg12 : memref<96x128xf32, #tpu.memory_space<vmem>>) dst(%dma_wait3A_90 : memref<10112x128xf32, #tpu.memory_space<vmem_shared>>)
        tpu.yield
      }) : () -> ()
      %add3A_51 = arith.constant 1 : i32
      %add3A_52 = arith.addi %add3A_35, %add3A_51 : i32
      %add3A_53 = arith.constant 2 : i32
      %add3A_54 = arith.addi %add3A_52, %add3A_53 : i32
      %lt3A_55 = arith.constant 105 : i32
      %lt3A_56 = arith.cmpi slt, %add3A_54, %lt3A_55 : i32
      %convert_element_type3A_57 = arith.extui %lt3A_56 : i1 to i32
      %cond3A_58 = arith.constant 0 : i32
      %cond3A_59 = arith.cmpi ne, %convert_element_type3A_57, %cond3A_58 : i32
      scf.if %cond3A_59 {
        %add3A_85 = arith.constant 2 : i32
        %add3A_86 = arith.addi %add3A_52, %add3A_85 : i32
        %scan3A_87 = arith.constant 0 : i32
        %scan3A_88 = arith.constant 6 : i32
        %scan3A_89 = arith.addi %scan3A_87, %scan3A_88 : i32
        %scan3A_90 = arith.constant 1 : i32
        scf.for %scan3A_95 = %scan3A_87 to %scan3A_89 step %scan3A_90  : i32 {
          %mul3A_96 = arith.constant 16 : i32
          %mul3A_97 = arith.muli %scan3A_95, %mul3A_96 : i32
          %add3A_98 = arith.constant 0 : i32
          %add3A_99 = arith.addi %add3A_98, %mul3A_97 : i32
          %mul3A_100 = arith.constant 96 : i32
          %mul3A_101 = arith.muli %add3A_86, %mul3A_100 : i32
          %add3A_102 = arith.addi %mul3A_101, %add3A_99 : i32
          %get3A = arith.index_cast %add3A_102 : i32 to index
          %get3A_103 = tpu.vector_load %arg7[%get3A] {strides = array<i32>} : memref<10080xi32, #tpu.memory_space<vmem>>, vector<16xi32>,
          %get3A_104 = vector.shape_cast %get3A_103 : vector<16xi32> to vector<16xi32>
          %and3A = arith.constant 131071 : i32
          %and3A_105 = vector.broadcast %and3A : i32 to vector<16xi32>
          %and3A_106 = arith.andi %get3A_104, %and3A_105 : vector<16xi32>
          %add3A_107 = vector.broadcast %mul3A_4 : i32 to vector<16xi32>
          %add3A_108 = arith.addi %and3A_106, %add3A_107 : vector<16xi32>
          %swap3A = arith.index_cast %add3A_99 : i32 to index
          %swap3A_109 = tpu.vector_load %arg8[%swap3A] {strides = array<i32>} : memref<96xi32, #tpu.memory_space<vmem>>, vector<16xi32>,
          %swap3A_110 = vector.shape_cast %swap3A_109 : vector<16xi32> to vector<16xi32>
          %swap3A_111 = vector.shape_cast %add3A_108 : vector<16xi32> to vector<16xi32>
          tpu.vector_store %arg8[%swap3A], %swap3A_111 {strides = array<i32>} : memref<96xi32, #tpu.memory_space<vmem>>, vector<16xi32>,
        }
        %scan3A_91 = arith.constant 6 : i32
        %dma_start3A_92 = arith.constant 0 : i32
        %dma_start3A_93 = arith.constant 0 : i32
        %dma_start3A_94 = tpu.memref_slice %arg2[%dma_start3A_92, %dma_start3A_93] : memref<80000x128xf32, #tpu.memory_space<hbm>> -> memref<80000x128xf32, #tpu.memory_space<hbm>>
        tpu.enqueue_indirect_dma source(%dma_start3A_94 : memref<80000x128xf32, #tpu.memory_space<hbm>>) target(%arg12 : memref<96x128xf32, #tpu.memory_space<vmem>>) offsets(%arg8 : memref<96xi32, #tpu.memory_space<vmem>>) semaphore(%arg16 : memref<!tpu.dma_semaphore, #tpu.memory_space<semaphore_mem>>)
      } else {
      }
      %dma_wait3A_60 = arith.constant 0 : i32
      %dma_wait3A_61 = arith.constant 0 : i32
      %dma_wait3A_62 = tpu.memref_slice %arg2[%dma_wait3A_60, %dma_wait3A_61] : memref<80000x128xf32, #tpu.memory_space<hbm>> -> memref<80000x128xf32, #tpu.memory_space<hbm>>
      tpu.wait_indirect_dma semaphore(%arg17 : memref<!tpu.dma_semaphore, #tpu.memory_space<semaphore_mem>>) src(%dma_wait3A_62 : memref<80000x128xf32, #tpu.memory_space<hbm>>) dst(%arg13 : memref<96x128xf32, #tpu.memory_space<vmem>>)
      %scan3A_63 = arith.constant 0 : i32
      %scan3A_64 = arith.constant 6 : i32
      %scan3A_65 = arith.addi %scan3A_63, %scan3A_64 : i32
      %scan3A_66 = arith.constant 1 : i32
      scf.for %scan3A_85 = %scan3A_63 to %scan3A_65 step %scan3A_66  : i32 {
        %mul3A_86 = arith.constant 16 : i32
        %mul3A_87 = arith.muli %scan3A_85, %mul3A_86 : i32
        %add3A_88 = arith.constant 0 : i32
        %add3A_89 = arith.addi %add3A_88, %mul3A_87 : i32
        %mul3A_90 = arith.constant 96 : i32
        %mul3A_91 = arith.muli %add3A_52, %mul3A_90 : i32
        %add3A_92 = arith.addi %mul3A_91, %add3A_89 : i32
        %get3A = arith.index_cast %add3A_92 : i32 to index
        %get3A_93 = tpu.vector_load %arg7[%get3A] {strides = array<i32>} : memref<10080xi32, #tpu.memory_space<vmem>>, vector<16xi32>,
        %get3A_94 = vector.shape_cast %get3A_93 : vector<16xi32> to vector<16xi32>
        %shift_right_logical3A = arith.constant 17 : i32
        %shift_right_logical3A_95 = vector.broadcast %shift_right_logical3A : i32 to vector<16xi32>
        %shift_right_logical3A_96 = arith.shrui %get3A_94, %shift_right_logical3A_95 : vector<16xi32>
        %swap3A = arith.index_cast %add3A_89 : i32 to index
        %swap3A_97 = tpu.vector_load %arg11[%swap3A] {strides = array<i32>} : memref<96xi32, #tpu.memory_space<vmem>>, vector<16xi32>,
        %swap3A_98 = vector.shape_cast %swap3A_97 : vector<16xi32> to vector<16xi32>
        %swap3A_99 = vector.shape_cast %shift_right_logical3A_96 : vector<16xi32> to vector<16xi32>
        tpu.vector_store %arg11[%swap3A], %swap3A_99 {strides = array<i32>} : memref<96xi32, #tpu.memory_space<vmem>>, vector<16xi32>,
      }
      %scan3A_67 = arith.constant 6 : i32
      "tpu.region"() ({
        %run_scoped3A = tpu.sem_alloc : memref<!tpu.dma_semaphore, #tpu.memory_space<semaphore_mem>>
        %dma_start3A_85 = arith.constant 0 : i32
        %dma_start3A_86 = arith.constant 0 : i32
        %dma_start3A_87 = tpu.memref_slice %arg15[%dma_start3A_85, %dma_start3A_86] : memref<10112x128xf32, #tpu.memory_space<vmem_shared>> -> memref<10112x128xf32, #tpu.memory_space<vmem_shared>>
        tpu.enqueue_indirect_dma source(%arg13 : memref<96x128xf32, #tpu.memory_space<vmem>>) target(%dma_start3A_87 : memref<10112x128xf32, #tpu.memory_space<vmem_shared>>) offsets(%arg11 : memref<96xi32, #tpu.memory_space<vmem>>) semaphore(%run_scoped3A : memref<!tpu.dma_semaphore, #tpu.memory_space<semaphore_mem>>) {add = true}
        %dma_wait3A_88 = arith.constant 0 : i32
        %dma_wait3A_89 = arith.constant 0 : i32
        %dma_wait3A_90 = tpu.memref_slice %arg15[%dma_wait3A_88, %dma_wait3A_89] : memref<10112x128xf32, #tpu.memory_space<vmem_shared>> -> memref<10112x128xf32, #tpu.memory_space<vmem_shared>>
        tpu.wait_indirect_dma semaphore(%run_scoped3A : memref<!tpu.dma_semaphore, #tpu.memory_space<semaphore_mem>>) src(%arg13 : memref<96x128xf32, #tpu.memory_space<vmem>>) dst(%dma_wait3A_90 : memref<10112x128xf32, #tpu.memory_space<vmem_shared>>)
        tpu.yield
      }) : () -> ()
      %add3A_68 = arith.constant 2 : i32
      %add3A_69 = arith.addi %add3A_35, %add3A_68 : i32
      %add3A_70 = arith.constant 2 : i32
      %add3A_71 = arith.addi %add3A_69, %add3A_70 : i32
      %lt3A_72 = arith.constant 105 : i32
      %lt3A_73 = arith.cmpi slt, %add3A_71, %lt3A_72 : i32
      %convert_element_type3A_74 = arith.extui %lt3A_73 : i1 to i32
      %cond3A_75 = arith.constant 0 : i32
      %cond3A_76 = arith.cmpi ne, %convert_element_type3A_74, %cond3A_75 : i32
      scf.if %cond3A_76 {
        %add3A_85 = arith.constant 2 : i32
        %add3A_86 = arith.addi %add3A_69, %add3A_85 : i32
        %scan3A_87 = arith.constant 0 : i32
        %scan3A_88 = arith.constant 6 : i32
        %scan3A_89 = arith.addi %scan3A_87, %scan3A_88 : i32
        %scan3A_90 = arith.constant 1 : i32
        scf.for %scan3A_95 = %scan3A_87 to %scan3A_89 step %scan3A_90  : i32 {
          %mul3A_96 = arith.constant 16 : i32
          %mul3A_97 = arith.muli %scan3A_95, %mul3A_96 : i32
          %add3A_98 = arith.constant 0 : i32
          %add3A_99 = arith.addi %add3A_98, %mul3A_97 : i32
          %mul3A_100 = arith.constant 96 : i32
          %mul3A_101 = arith.muli %add3A_86, %mul3A_100 : i32
          %add3A_102 = arith.addi %mul3A_101, %add3A_99 : i32
          %get3A = arith.index_cast %add3A_102 : i32 to index
          %get3A_103 = tpu.vector_load %arg7[%get3A] {strides = array<i32>} : memref<10080xi32, #tpu.memory_space<vmem>>, vector<16xi32>,
          %get3A_104 = vector.shape_cast %get3A_103 : vector<16xi32> to vector<16xi32>
          %and3A = arith.constant 131071 : i32
          %and3A_105 = vector.broadcast %and3A : i32 to vector<16xi32>
          %and3A_106 = arith.andi %get3A_104, %and3A_105 : vector<16xi32>
          %add3A_107 = vector.broadcast %mul3A_4 : i32 to vector<16xi32>
          %add3A_108 = arith.addi %and3A_106, %add3A_107 : vector<16xi32>
          %swap3A = arith.index_cast %add3A_99 : i32 to index
          %swap3A_109 = tpu.vector_load %arg9[%swap3A] {strides = array<i32>} : memref<96xi32, #tpu.memory_space<vmem>>, vector<16xi32>,
          %swap3A_110 = vector.shape_cast %swap3A_109 : vector<16xi32> to vector<16xi32>
          %swap3A_111 = vector.shape_cast %add3A_108 : vector<16xi32> to vector<16xi32>
          tpu.vector_store %arg9[%swap3A], %swap3A_111 {strides = array<i32>} : memref<96xi32, #tpu.memory_space<vmem>>, vector<16xi32>,
        }
        %scan3A_91 = arith.constant 6 : i32
        %dma_start3A_92 = arith.constant 0 : i32
        %dma_start3A_93 = arith.constant 0 : i32
        %dma_start3A_94 = tpu.memref_slice %arg2[%dma_start3A_92, %dma_start3A_93] : memref<80000x128xf32, #tpu.memory_space<hbm>> -> memref<80000x128xf32, #tpu.memory_space<hbm>>
        tpu.enqueue_indirect_dma source(%dma_start3A_94 : memref<80000x128xf32, #tpu.memory_space<hbm>>) target(%arg13 : memref<96x128xf32, #tpu.memory_space<vmem>>) offsets(%arg9 : memref<96xi32, #tpu.memory_space<vmem>>) semaphore(%arg17 : memref<!tpu.dma_semaphore, #tpu.memory_space<semaphore_mem>>)
      } else {
      }
      %dma_wait3A_77 = arith.constant 0 : i32
      %dma_wait3A_78 = arith.constant 0 : i32
      %dma_wait3A_79 = tpu.memref_slice %arg2[%dma_wait3A_77, %dma_wait3A_78] : memref<80000x128xf32, #tpu.memory_space<hbm>> -> memref<80000x128xf32, #tpu.memory_space<hbm>>
      tpu.wait_indirect_dma semaphore(%arg18 : memref<!tpu.dma_semaphore, #tpu.memory_space<semaphore_mem>>) src(%dma_wait3A_79 : memref<80000x128xf32, #tpu.memory_space<hbm>>) dst(%arg14 : memref<96x128xf32, #tpu.memory_space<vmem>>)
      %scan3A_80 = arith.constant 0 : i32
      %scan3A_81 = arith.constant 6 : i32
      %scan3A_82 = arith.addi %scan3A_80, %scan3A_81 : i32
      %scan3A_83 = arith.constant 1 : i32
      scf.for %scan3A_85 = %scan3A_80 to %scan3A_82 step %scan3A_83  : i32 {
        %mul3A_86 = arith.constant 16 : i32
        %mul3A_87 = arith.muli %scan3A_85, %mul3A_86 : i32
        %add3A_88 = arith.constant 0 : i32
        %add3A_89 = arith.addi %add3A_88, %mul3A_87 : i32
        %mul3A_90 = arith.constant 96 : i32
        %mul3A_91 = arith.muli %add3A_69, %mul3A_90 : i32
        %add3A_92 = arith.addi %mul3A_91, %add3A_89 : i32
        %get3A = arith.index_cast %add3A_92 : i32 to index
        %get3A_93 = tpu.vector_load %arg7[%get3A] {strides = array<i32>} : memref<10080xi32, #tpu.memory_space<vmem>>, vector<16xi32>,
        %get3A_94 = vector.shape_cast %get3A_93 : vector<16xi32> to vector<16xi32>
        %shift_right_logical3A = arith.constant 17 : i32
        %shift_right_logical3A_95 = vector.broadcast %shift_right_logical3A : i32 to vector<16xi32>
        %shift_right_logical3A_96 = arith.shrui %get3A_94, %shift_right_logical3A_95 : vector<16xi32>
        %swap3A = arith.index_cast %add3A_89 : i32 to index
        %swap3A_97 = tpu.vector_load %arg11[%swap3A] {strides = array<i32>} : memref<96xi32, #tpu.memory_space<vmem>>, vector<16xi32>,
        %swap3A_98 = vector.shape_cast %swap3A_97 : vector<16xi32> to vector<16xi32>
        %swap3A_99 = vector.shape_cast %shift_right_logical3A_96 : vector<16xi32> to vector<16xi32>
        tpu.vector_store %arg11[%swap3A], %swap3A_99 {strides = array<i32>} : memref<96xi32, #tpu.memory_space<vmem>>, vector<16xi32>,
      }
      %scan3A_84 = arith.constant 6 : i32
      "tpu.region"() ({
        %run_scoped3A = tpu.sem_alloc : memref<!tpu.dma_semaphore, #tpu.memory_space<semaphore_mem>>
        %dma_start3A_85 = arith.constant 0 : i32
        %dma_start3A_86 = arith.constant 0 : i32
        %dma_start3A_87 = tpu.memref_slice %arg15[%dma_start3A_85, %dma_start3A_86] : memref<10112x128xf32, #tpu.memory_space<vmem_shared>> -> memref<10112x128xf32, #tpu.memory_space<vmem_shared>>
        tpu.enqueue_indirect_dma source(%arg14 : memref<96x128xf32, #tpu.memory_space<vmem>>) target(%dma_start3A_87 : memref<10112x128xf32, #tpu.memory_space<vmem_shared>>) offsets(%arg11 : memref<96xi32, #tpu.memory_space<vmem>>) semaphore(%run_scoped3A : memref<!tpu.dma_semaphore, #tpu.memory_space<semaphore_mem>>) {add = true}
        %dma_wait3A_88 = arith.constant 0 : i32
        %dma_wait3A_89 = arith.constant 0 : i32
        %dma_wait3A_90 = tpu.memref_slice %arg15[%dma_wait3A_88, %dma_wait3A_89] : memref<10112x128xf32, #tpu.memory_space<vmem_shared>> -> memref<10112x128xf32, #tpu.memory_space<vmem_shared>>
        tpu.wait_indirect_dma semaphore(%run_scoped3A : memref<!tpu.dma_semaphore, #tpu.memory_space<semaphore_mem>>) src(%arg14 : memref<96x128xf32, #tpu.memory_space<vmem>>) dst(%dma_wait3A_90 : memref<10112x128xf32, #tpu.memory_space<vmem_shared>>)
        tpu.yield
      }) : () -> ()
    }
    %scan3A_23 = arith.constant 35 : i32
    %barrier3A_24 = arith.constant 0 : index
    tpu.barrier barrier_id(%barrier3A_24)
    %eq3A = arith.constant 0 : i32
    %eq3A_25 = arith.cmpi eq, %arg0, %eq3A : i32
    %convert_element_type3A = arith.extui %eq3A_25 : i1 to i32
    %cond3A = arith.constant 0 : i32
    %cond3A_26 = arith.cmpi ne, %convert_element_type3A, %cond3A : i32
    scf.if %cond3A_26 {
      %mul3A_32 = arith.constant 632 : i32
      %mul3A_33 = arith.muli %arg1, %mul3A_32 : i32
      %mul3A_34 = arith.constant 632 : i32
      %mul3A_35 = arith.muli %arg1, %mul3A_34 : i32
      "tpu.region"() ({
        %run_scoped3A = tpu.sem_alloc : memref<!tpu.dma_semaphore, #tpu.memory_space<semaphore_mem>>
        %dma_start3A_36 = arith.constant 0 : i32
        %dma_start3A_37 = tpu.memref_slice %arg5[%mul3A_35, %dma_start3A_36] : memref<10112x128xf32, #tpu.memory_space<hbm>> -> memref<632x128xf32, #tpu.memory_space<hbm>>
        %dma_start3A_38 = arith.constant 0 : i32
        %dma_start3A_39 = tpu.memref_slice %arg15[%mul3A_33, %dma_start3A_38] : memref<10112x128xf32, #tpu.memory_space<vmem_shared>> -> memref<632x128xf32, #tpu.memory_space<vmem_shared>>
        tpu.enqueue_dma source(%dma_start3A_39 : memref<632x128xf32, #tpu.memory_space<vmem_shared>>) target(%dma_start3A_37 : memref<632x128xf32, #tpu.memory_space<hbm>>) target_semaphore(%run_scoped3A : memref<!tpu.dma_semaphore, #tpu.memory_space<semaphore_mem>>)
        %dma_wait3A = arith.constant 0 : i32
        %dma_wait3A_40 = tpu.memref_slice %arg5[%mul3A_35, %dma_wait3A] : memref<10112x128xf32, #tpu.memory_space<hbm>> -> memref<632x128xf32, #tpu.memory_space<hbm>>
        %dma_wait3A_41 = arith.constant 0 : i32
        %dma_wait3A_42 = tpu.memref_slice %arg15[%mul3A_33, %dma_wait3A_41] : memref<10112x128xf32, #tpu.memory_space<vmem_shared>> -> memref<632x128xf32, #tpu.memory_space<vmem_shared>>
        tpu.wait_dma2 semaphore(%run_scoped3A : memref<!tpu.dma_semaphore, #tpu.memory_space<semaphore_mem>>) src(%dma_wait3A_42 : memref<632x128xf32, #tpu.memory_space<vmem_shared>>) dst(%dma_wait3A_40 : memref<632x128xf32, #tpu.memory_space<hbm>>)
        tpu.yield
      }) : () -> ()
    } else {
    }
    %eq3A_27 = arith.constant 1 : i32
    %eq3A_28 = arith.cmpi eq, %arg0, %eq3A_27 : i32
    %convert_element_type3A_29 = arith.extui %eq3A_28 : i1 to i32
    %cond3A_30 = arith.constant 0 : i32
    %cond3A_31 = arith.cmpi ne, %convert_element_type3A_29, %cond3A_30 : i32
    scf.if %cond3A_31 {
      %mul3A_32 = arith.constant 632 : i32
      %mul3A_33 = arith.muli %arg1, %mul3A_32 : i32
      %mul3A_34 = arith.constant 632 : i32
      %mul3A_35 = arith.muli %arg1, %mul3A_34 : i32
      "tpu.region"() ({
        %run_scoped3A = tpu.sem_alloc : memref<!tpu.dma_semaphore, #tpu.memory_space<semaphore_mem>>
        %dma_start3A_36 = arith.constant 0 : i32
        %dma_start3A_37 = tpu.memref_slice %arg6[%mul3A_35, %dma_start3A_36] : memref<10112x128xf32, #tpu.memory_space<hbm>> -> memref<632x128xf32, #tpu.memory_space<hbm>>
        %dma_start3A_38 = arith.constant 0 : i32
        %dma_start3A_39 = tpu.memref_slice %arg15[%mul3A_33, %dma_start3A_38] : memref<10112x128xf32, #tpu.memory_space<vmem_shared>> -> memref<632x128xf32, #tpu.memory_space<vmem_shared>>
        tpu.enqueue_dma source(%dma_start3A_39 : memref<632x128xf32, #tpu.memory_space<vmem_shared>>) target(%dma_start3A_37 : memref<632x128xf32, #tpu.memory_space<hbm>>) target_semaphore(%run_scoped3A : memref<!tpu.dma_semaphore, #tpu.memory_space<semaphore_mem>>)
        %dma_wait3A = arith.constant 0 : i32
        %dma_wait3A_40 = tpu.memref_slice %arg6[%mul3A_35, %dma_wait3A] : memref<10112x128xf32, #tpu.memory_space<hbm>> -> memref<632x128xf32, #tpu.memory_space<hbm>>
        %dma_wait3A_41 = arith.constant 0 : i32
        %dma_wait3A_42 = tpu.memref_slice %arg15[%mul3A_33, %dma_wait3A_41] : memref<10112x128xf32, #tpu.memory_space<vmem_shared>> -> memref<632x128xf32, #tpu.memory_space<vmem_shared>>
        tpu.wait_dma2 semaphore(%run_scoped3A : memref<!tpu.dma_semaphore, #tpu.memory_space<semaphore_mem>>) src(%dma_wait3A_42 : memref<632x128xf32, #tpu.memory_space<vmem_shared>>) dst(%dma_wait3A_40 : memref<632x128xf32, #tpu.memory_space<hbm>>)
        tpu.yield
      }) : () -> ()
    } else {
    }
    return
  }
}

#map = affine_map<(d0, d1) -> (0, 0)>
#map1 = affine_map<(d0, d1) -> (0)>
module attributes {stable_mosaic.version = 14 : i64} {
  func.func @_sc_agg_body(%arg0: i32, %arg1: i32, %arg2: memref<80000x128xf32, #tpu.memory_space<hbm>>, %arg3: memref<161280xi32, #tpu.memory_space<hbm>>, %arg4: memref<632x128xf32, #tpu.memory_space<hbm>>, %arg5: memref<10112x128xf32, #tpu.memory_space<hbm>>, %arg6: memref<10112x128xf32, #tpu.memory_space<hbm>>, %arg7: memref<10080xi32, #tpu.memory_space<vmem>>, %arg8: memref<96xi32, #tpu.memory_space<vmem>>, %arg9: memref<96xi32, #tpu.memory_space<vmem>>, %arg10: memref<96xi32, #tpu.memory_space<vmem>>, %arg11: memref<96xi32, #tpu.memory_space<vmem>>, %arg12: memref<96x128xf32, #tpu.memory_space<vmem>>, %arg13: memref<96x128xf32, #tpu.memory_space<vmem>>, %arg14: memref<96x128xf32, #tpu.memory_space<vmem>>, %arg15: memref<10112x128xf32, #tpu.memory_space<vmem_shared>>, %arg16: memref<!tpu.dma_semaphore, #tpu.memory_space<semaphore_mem>>, %arg17: memref<!tpu.dma_semaphore, #tpu.memory_space<semaphore_mem>>, %arg18: memref<!tpu.dma_semaphore, #tpu.memory_space<semaphore_mem>>) attributes {dimension_semantics = [#tpu.dimension_semantics<core_parallel>, #tpu.dimension_semantics<subcore_parallel>], iteration_bounds = array<i64: 2, 16>, scalar_prefetch = 0 : i64, scratch_operands = 12 : i64, tpu.core_type = #tpu.core_type<sc_vector_subcore>, window_params = [{transform_indices = #map}, {transform_indices = #map1}, {transform_indices = #map}, {transform_indices = #map}, {transform_indices = #map}]} {
    %mul3A = arith.constant 632 : i32
    %mul3A_0 = arith.muli %arg1, %mul3A : i32
    "tpu.region"() ({
      %run_scoped3A = tpu.sem_alloc : memref<!tpu.dma_semaphore, #tpu.memory_space<semaphore_mem>>
      %dma_start3A_32 = arith.constant 0 : i32
      %dma_start3A_33 = tpu.memref_slice %arg15[%mul3A_0, %dma_start3A_32] : memref<10112x128xf32, #tpu.memory_space<vmem_shared>> -> memref<632x128xf32, #tpu.memory_space<vmem_shared>>
      tpu.enqueue_dma source(%arg4 : memref<632x128xf32, #tpu.memory_space<hbm>>) target(%dma_start3A_33 : memref<632x128xf32, #tpu.memory_space<vmem_shared>>) target_semaphore(%run_scoped3A : memref<!tpu.dma_semaphore, #tpu.memory_space<semaphore_mem>>)
      %dma_wait3A = arith.constant 0 : i32
      %dma_wait3A_34 = tpu.memref_slice %arg15[%mul3A_0, %dma_wait3A] : memref<10112x128xf32, #tpu.memory_space<vmem_shared>> -> memref<632x128xf32, #tpu.memory_space<vmem_shared>>
      tpu.wait_dma2 semaphore(%run_scoped3A : memref<!tpu.dma_semaphore, #tpu.memory_space<semaphore_mem>>) src(%arg4 : memref<632x128xf32, #tpu.memory_space<hbm>>) dst(%dma_wait3A_34 : memref<632x128xf32, #tpu.memory_space<vmem_shared>>)
      tpu.yield
    }) : () -> ()
    %mul3A_1 = arith.constant 10080 : i32
    %mul3A_2 = arith.muli %arg1, %mul3A_1 : i32
    "tpu.region"() ({
      %run_scoped3A = tpu.sem_alloc : memref<!tpu.dma_semaphore, #tpu.memory_space<semaphore_mem>>
      %dma_start3A_32 = tpu.memref_slice %arg3[%mul3A_2] : memref<161280xi32, #tpu.memory_space<hbm>> -> memref<10080xi32, #tpu.memory_space<hbm>>
      %dma_start3A_33 = tpu.memref_slice %arg3[%mul3A_2] : memref<161280xi32, #tpu.memory_space<hbm>> -> memref<10080xi32, #tpu.memory_space<hbm>>
      tpu.enqueue_dma source(%dma_start3A_33 : memref<10080xi32, #tpu.memory_space<hbm>>) target(%arg7 : memref<10080xi32, #tpu.memory_space<vmem>>) target_semaphore(%run_scoped3A : memref<!tpu.dma_semaphore, #tpu.memory_space<semaphore_mem>>)
      %dma_wait3A = tpu.memref_slice %arg3[%mul3A_2] : memref<161280xi32, #tpu.memory_space<hbm>> -> memref<10080xi32, #tpu.memory_space<hbm>>
      %dma_wait3A_34 = tpu.memref_slice %arg3[%mul3A_2] : memref<161280xi32, #tpu.memory_space<hbm>> -> memref<10080xi32, #tpu.memory_space<hbm>>
      tpu.wait_dma2 semaphore(%run_scoped3A : memref<!tpu.dma_semaphore, #tpu.memory_space<semaphore_mem>>) src(%dma_wait3A_34 : memref<10080xi32, #tpu.memory_space<hbm>>) dst(%arg7 : memref<10080xi32, #tpu.memory_space<vmem>>)
      tpu.yield
    }) : () -> ()
    %mul3A_3 = arith.constant 40000 : i32
    %mul3A_4 = arith.muli %arg0, %mul3A_3 : i32
    %barrier3A = arith.constant 0 : index
    tpu.barrier barrier_id(%barrier3A)
    %scan3A = arith.constant 0 : i32
    %scan3A_5 = arith.constant 6 : i32
    %scan3A_6 = arith.addi %scan3A, %scan3A_5 : i32
    %scan3A_7 = arith.constant 1 : i32
    scf.for %scan3A_32 = %scan3A to %scan3A_6 step %scan3A_7  : i32 {
      %mul3A_33 = arith.constant 16 : i32
      %mul3A_34 = arith.muli %scan3A_32, %mul3A_33 : i32
      %add3A = arith.constant 0 : i32
      %add3A_35 = arith.addi %add3A, %mul3A_34 : i32
      %add3A_36 = arith.constant 0 : i32
      %add3A_37 = arith.addi %add3A_36, %add3A_35 : i32
      %get3A = arith.index_cast %add3A_37 : i32 to index
      %get3A_38 = tpu.vector_load %arg7[%get3A] {strides = array<i32>} : memref<10080xi32, #tpu.memory_space<vmem>>, vector<16xi32>,
      %get3A_39 = vector.shape_cast %get3A_38 : vector<16xi32> to vector<16xi32>
      %and3A = arith.constant 131071 : i32
      %and3A_40 = vector.broadcast %and3A : i32 to vector<16xi32>
      %and3A_41 = arith.andi %get3A_39, %and3A_40 : vector<16xi32>
      %add3A_42 = vector.broadcast %mul3A_4 : i32 to vector<16xi32>
      %add3A_43 = arith.addi %and3A_41, %add3A_42 : vector<16xi32>
      %swap3A = arith.index_cast %add3A_35 : i32 to index
      %swap3A_44 = tpu.vector_load %arg8[%swap3A] {strides = array<i32>} : memref<96xi32, #tpu.memory_space<vmem>>, vector<16xi32>,
      %swap3A_45 = vector.shape_cast %swap3A_44 : vector<16xi32> to vector<16xi32>
      %swap3A_46 = vector.shape_cast %add3A_43 : vector<16xi32> to vector<16xi32>
      tpu.vector_store %arg8[%swap3A], %swap3A_46 {strides = array<i32>} : memref<96xi32, #tpu.memory_space<vmem>>, vector<16xi32>,
    }
    %scan3A_8 = arith.constant 6 : i32
    %dma_start3A = arith.constant 0 : i32
    %dma_start3A_9 = arith.constant 0 : i32
    %dma_start3A_10 = tpu.memref_slice %arg2[%dma_start3A, %dma_start3A_9] : memref<80000x128xf32, #tpu.memory_space<hbm>> -> memref<80000x128xf32, #tpu.memory_space<hbm>>
    tpu.enqueue_indirect_dma source(%dma_start3A_10 : memref<80000x128xf32, #tpu.memory_space<hbm>>) target(%arg12 : memref<96x128xf32, #tpu.memory_space<vmem>>) offsets(%arg8 : memref<96xi32, #tpu.memory_space<vmem>>) semaphore(%arg16 : memref<!tpu.dma_semaphore, #tpu.memory_space<semaphore_mem>>)
    %scan3A_11 = arith.constant 0 : i32
    %scan3A_12 = arith.constant 6 : i32
    %scan3A_13 = arith.addi %scan3A_11, %scan3A_12 : i32
    %scan3A_14 = arith.constant 1 : i32
    scf.for %scan3A_32 = %scan3A_11 to %scan3A_13 step %scan3A_14  : i32 {
      %mul3A_33 = arith.constant 16 : i32
      %mul3A_34 = arith.muli %scan3A_32, %mul3A_33 : i32
      %add3A = arith.constant 0 : i32
      %add3A_35 = arith.addi %add3A, %mul3A_34 : i32
      %add3A_36 = arith.constant 96 : i32
      %add3A_37 = arith.addi %add3A_36, %add3A_35 : i32
      %get3A = arith.index_cast %add3A_37 : i32 to index
      %get3A_38 = tpu.vector_load %arg7[%get3A] {strides = array<i32>} : memref<10080xi32, #tpu.memory_space<vmem>>, vector<16xi32>,
      %get3A_39 = vector.shape_cast %get3A_38 : vector<16xi32> to vector<16xi32>
      %and3A = arith.constant 131071 : i32
      %and3A_40 = vector.broadcast %and3A : i32 to vector<16xi32>
      %and3A_41 = arith.andi %get3A_39, %and3A_40 : vector<16xi32>
      %add3A_42 = vector.broadcast %mul3A_4 : i32 to vector<16xi32>
      %add3A_43 = arith.addi %and3A_41, %add3A_42 : vector<16xi32>
      %swap3A = arith.index_cast %add3A_35 : i32 to index
      %swap3A_44 = tpu.vector_load %arg9[%swap3A] {strides = array<i32>} : memref<96xi32, #tpu.memory_space<vmem>>, vector<16xi32>,
      %swap3A_45 = vector.shape_cast %swap3A_44 : vector<16xi32> to vector<16xi32>
      %swap3A_46 = vector.shape_cast %add3A_43 : vector<16xi32> to vector<16xi32>
      tpu.vector_store %arg9[%swap3A], %swap3A_46 {strides = array<i32>} : memref<96xi32, #tpu.memory_space<vmem>>, vector<16xi32>,
    }
    %scan3A_15 = arith.constant 6 : i32
    %dma_start3A_16 = arith.constant 0 : i32
    %dma_start3A_17 = arith.constant 0 : i32
    %dma_start3A_18 = tpu.memref_slice %arg2[%dma_start3A_16, %dma_start3A_17] : memref<80000x128xf32, #tpu.memory_space<hbm>> -> memref<80000x128xf32, #tpu.memory_space<hbm>>
    tpu.enqueue_indirect_dma source(%dma_start3A_18 : memref<80000x128xf32, #tpu.memory_space<hbm>>) target(%arg13 : memref<96x128xf32, #tpu.memory_space<vmem>>) offsets(%arg9 : memref<96xi32, #tpu.memory_space<vmem>>) semaphore(%arg17 : memref<!tpu.dma_semaphore, #tpu.memory_space<semaphore_mem>>)
    %scan3A_19 = arith.constant 0 : i32
    %scan3A_20 = arith.constant 35 : i32
    %scan3A_21 = arith.addi %scan3A_19, %scan3A_20 : i32
    %scan3A_22 = arith.constant 1 : i32
    scf.for %scan3A_32 = %scan3A_19 to %scan3A_21 step %scan3A_22  : i32 {
      %mul3A_33 = arith.constant 3 : i32
      %mul3A_34 = arith.muli %scan3A_32, %mul3A_33 : i32
      %add3A = arith.constant 0 : i32
      %add3A_35 = arith.addi %add3A, %mul3A_34 : i32
      %add3A_36 = arith.constant 0 : i32
      %add3A_37 = arith.addi %add3A_35, %add3A_36 : i32
      %add3A_38 = arith.constant 2 : i32
      %add3A_39 = arith.addi %add3A_37, %add3A_38 : i32
      %lt3A = arith.constant 105 : i32
      %lt3A_40 = arith.cmpi slt, %add3A_39, %lt3A : i32
      %convert_element_type3A_41 = arith.extui %lt3A_40 : i1 to i32
      %cond3A_42 = arith.constant 0 : i32
      %cond3A_43 = arith.cmpi ne, %convert_element_type3A_41, %cond3A_42 : i32
      scf.if %cond3A_43 {
        %add3A_85 = arith.constant 2 : i32
        %add3A_86 = arith.addi %add3A_37, %add3A_85 : i32
        %scan3A_87 = arith.constant 0 : i32
        %scan3A_88 = arith.constant 6 : i32
        %scan3A_89 = arith.addi %scan3A_87, %scan3A_88 : i32
        %scan3A_90 = arith.constant 1 : i32
        scf.for %scan3A_95 = %scan3A_87 to %scan3A_89 step %scan3A_90  : i32 {
          %mul3A_96 = arith.constant 16 : i32
          %mul3A_97 = arith.muli %scan3A_95, %mul3A_96 : i32
          %add3A_98 = arith.constant 0 : i32
          %add3A_99 = arith.addi %add3A_98, %mul3A_97 : i32
          %mul3A_100 = arith.constant 96 : i32
          %mul3A_101 = arith.muli %add3A_86, %mul3A_100 : i32
          %add3A_102 = arith.addi %mul3A_101, %add3A_99 : i32
          %get3A = arith.index_cast %add3A_102 : i32 to index
          %get3A_103 = tpu.vector_load %arg7[%get3A] {strides = array<i32>} : memref<10080xi32, #tpu.memory_space<vmem>>, vector<16xi32>,
          %get3A_104 = vector.shape_cast %get3A_103 : vector<16xi32> to vector<16xi32>
          %and3A = arith.constant 131071 : i32
          %and3A_105 = vector.broadcast %and3A : i32 to vector<16xi32>
          %and3A_106 = arith.andi %get3A_104, %and3A_105 : vector<16xi32>
          %add3A_107 = vector.broadcast %mul3A_4 : i32 to vector<16xi32>
          %add3A_108 = arith.addi %and3A_106, %add3A_107 : vector<16xi32>
          %swap3A = arith.index_cast %add3A_99 : i32 to index
          %swap3A_109 = tpu.vector_load %arg10[%swap3A] {strides = array<i32>} : memref<96xi32, #tpu.memory_space<vmem>>, vector<16xi32>,
          %swap3A_110 = vector.shape_cast %swap3A_109 : vector<16xi32> to vector<16xi32>
          %swap3A_111 = vector.shape_cast %add3A_108 : vector<16xi32> to vector<16xi32>
          tpu.vector_store %arg10[%swap3A], %swap3A_111 {strides = array<i32>} : memref<96xi32, #tpu.memory_space<vmem>>, vector<16xi32>,
        }
        %scan3A_91 = arith.constant 6 : i32
        %dma_start3A_92 = arith.constant 0 : i32
        %dma_start3A_93 = arith.constant 0 : i32
        %dma_start3A_94 = tpu.memref_slice %arg2[%dma_start3A_92, %dma_start3A_93] : memref<80000x128xf32, #tpu.memory_space<hbm>> -> memref<80000x128xf32, #tpu.memory_space<hbm>>
        tpu.enqueue_indirect_dma source(%dma_start3A_94 : memref<80000x128xf32, #tpu.memory_space<hbm>>) target(%arg14 : memref<96x128xf32, #tpu.memory_space<vmem>>) offsets(%arg10 : memref<96xi32, #tpu.memory_space<vmem>>) semaphore(%arg18 : memref<!tpu.dma_semaphore, #tpu.memory_space<semaphore_mem>>)
      } else {
      }
      %dma_wait3A = arith.constant 0 : i32
      %dma_wait3A_44 = arith.constant 0 : i32
      %dma_wait3A_45 = tpu.memref_slice %arg2[%dma_wait3A, %dma_wait3A_44] : memref<80000x128xf32, #tpu.memory_space<hbm>> -> memref<80000x128xf32, #tpu.memory_space<hbm>>
      tpu.wait_indirect_dma semaphore(%arg16 : memref<!tpu.dma_semaphore, #tpu.memory_space<semaphore_mem>>) src(%dma_wait3A_45 : memref<80000x128xf32, #tpu.memory_space<hbm>>) dst(%arg12 : memref<96x128xf32, #tpu.memory_space<vmem>>)
      %scan3A_46 = arith.constant 0 : i32
      %scan3A_47 = arith.constant 6 : i32
      %scan3A_48 = arith.addi %scan3A_46, %scan3A_47 : i32
      %scan3A_49 = arith.constant 1 : i32
      scf.for %scan3A_85 = %scan3A_46 to %scan3A_48 step %scan3A_49  : i32 {
        %mul3A_86 = arith.constant 16 : i32
        %mul3A_87 = arith.muli %scan3A_85, %mul3A_86 : i32
        %add3A_88 = arith.constant 0 : i32
        %add3A_89 = arith.addi %add3A_88, %mul3A_87 : i32
        %mul3A_90 = arith.constant 96 : i32
        %mul3A_91 = arith.muli %add3A_37, %mul3A_90 : i32
        %add3A_92 = arith.addi %mul3A_91, %add3A_89 : i32
        %get3A = arith.index_cast %add3A_92 : i32 to index
        %get3A_93 = tpu.vector_load %arg7[%get3A] {strides = array<i32>} : memref<10080xi32, #tpu.memory_space<vmem>>, vector<16xi32>,
        %get3A_94 = vector.shape_cast %get3A_93 : vector<16xi32> to vector<16xi32>
        %shift_right_logical3A = arith.constant 17 : i32
        %shift_right_logical3A_95 = vector.broadcast %shift_right_logical3A : i32 to vector<16xi32>
        %shift_right_logical3A_96 = arith.shrui %get3A_94, %shift_right_logical3A_95 : vector<16xi32>
        %swap3A = arith.index_cast %add3A_89 : i32 to index
        %swap3A_97 = tpu.vector_load %arg11[%swap3A] {strides = array<i32>} : memref<96xi32, #tpu.memory_space<vmem>>, vector<16xi32>,
        %swap3A_98 = vector.shape_cast %swap3A_97 : vector<16xi32> to vector<16xi32>
        %swap3A_99 = vector.shape_cast %shift_right_logical3A_96 : vector<16xi32> to vector<16xi32>
        tpu.vector_store %arg11[%swap3A], %swap3A_99 {strides = array<i32>} : memref<96xi32, #tpu.memory_space<vmem>>, vector<16xi32>,
      }
      %scan3A_50 = arith.constant 6 : i32
      "tpu.region"() ({
        %run_scoped3A = tpu.sem_alloc : memref<!tpu.dma_semaphore, #tpu.memory_space<semaphore_mem>>
        %dma_start3A_85 = arith.constant 0 : i32
        %dma_start3A_86 = arith.constant 0 : i32
        %dma_start3A_87 = tpu.memref_slice %arg15[%dma_start3A_85, %dma_start3A_86] : memref<10112x128xf32, #tpu.memory_space<vmem_shared>> -> memref<10112x128xf32, #tpu.memory_space<vmem_shared>>
        tpu.enqueue_indirect_dma source(%arg12 : memref<96x128xf32, #tpu.memory_space<vmem>>) target(%dma_start3A_87 : memref<10112x128xf32, #tpu.memory_space<vmem_shared>>) offsets(%arg11 : memref<96xi32, #tpu.memory_space<vmem>>) semaphore(%run_scoped3A : memref<!tpu.dma_semaphore, #tpu.memory_space<semaphore_mem>>) {add = true}
        %dma_wait3A_88 = arith.constant 0 : i32
        %dma_wait3A_89 = arith.constant 0 : i32
        %dma_wait3A_90 = tpu.memref_slice %arg15[%dma_wait3A_88, %dma_wait3A_89] : memref<10112x128xf32, #tpu.memory_space<vmem_shared>> -> memref<10112x128xf32, #tpu.memory_space<vmem_shared>>
        tpu.wait_indirect_dma semaphore(%run_scoped3A : memref<!tpu.dma_semaphore, #tpu.memory_space<semaphore_mem>>) src(%arg12 : memref<96x128xf32, #tpu.memory_space<vmem>>) dst(%dma_wait3A_90 : memref<10112x128xf32, #tpu.memory_space<vmem_shared>>)
        tpu.yield
      }) : () -> ()
      %add3A_51 = arith.constant 1 : i32
      %add3A_52 = arith.addi %add3A_35, %add3A_51 : i32
      %add3A_53 = arith.constant 2 : i32
      %add3A_54 = arith.addi %add3A_52, %add3A_53 : i32
      %lt3A_55 = arith.constant 105 : i32
      %lt3A_56 = arith.cmpi slt, %add3A_54, %lt3A_55 : i32
      %convert_element_type3A_57 = arith.extui %lt3A_56 : i1 to i32
      %cond3A_58 = arith.constant 0 : i32
      %cond3A_59 = arith.cmpi ne, %convert_element_type3A_57, %cond3A_58 : i32
      scf.if %cond3A_59 {
        %add3A_85 = arith.constant 2 : i32
        %add3A_86 = arith.addi %add3A_52, %add3A_85 : i32
        %scan3A_87 = arith.constant 0 : i32
        %scan3A_88 = arith.constant 6 : i32
        %scan3A_89 = arith.addi %scan3A_87, %scan3A_88 : i32
        %scan3A_90 = arith.constant 1 : i32
        scf.for %scan3A_95 = %scan3A_87 to %scan3A_89 step %scan3A_90  : i32 {
          %mul3A_96 = arith.constant 16 : i32
          %mul3A_97 = arith.muli %scan3A_95, %mul3A_96 : i32
          %add3A_98 = arith.constant 0 : i32
          %add3A_99 = arith.addi %add3A_98, %mul3A_97 : i32
          %mul3A_100 = arith.constant 96 : i32
          %mul3A_101 = arith.muli %add3A_86, %mul3A_100 : i32
          %add3A_102 = arith.addi %mul3A_101, %add3A_99 : i32
          %get3A = arith.index_cast %add3A_102 : i32 to index
          %get3A_103 = tpu.vector_load %arg7[%get3A] {strides = array<i32>} : memref<10080xi32, #tpu.memory_space<vmem>>, vector<16xi32>,
          %get3A_104 = vector.shape_cast %get3A_103 : vector<16xi32> to vector<16xi32>
          %and3A = arith.constant 131071 : i32
          %and3A_105 = vector.broadcast %and3A : i32 to vector<16xi32>
          %and3A_106 = arith.andi %get3A_104, %and3A_105 : vector<16xi32>
          %add3A_107 = vector.broadcast %mul3A_4 : i32 to vector<16xi32>
          %add3A_108 = arith.addi %and3A_106, %add3A_107 : vector<16xi32>
          %swap3A = arith.index_cast %add3A_99 : i32 to index
          %swap3A_109 = tpu.vector_load %arg8[%swap3A] {strides = array<i32>} : memref<96xi32, #tpu.memory_space<vmem>>, vector<16xi32>,
          %swap3A_110 = vector.shape_cast %swap3A_109 : vector<16xi32> to vector<16xi32>
          %swap3A_111 = vector.shape_cast %add3A_108 : vector<16xi32> to vector<16xi32>
          tpu.vector_store %arg8[%swap3A], %swap3A_111 {strides = array<i32>} : memref<96xi32, #tpu.memory_space<vmem>>, vector<16xi32>,
        }
        %scan3A_91 = arith.constant 6 : i32
        %dma_start3A_92 = arith.constant 0 : i32
        %dma_start3A_93 = arith.constant 0 : i32
        %dma_start3A_94 = tpu.memref_slice %arg2[%dma_start3A_92, %dma_start3A_93] : memref<80000x128xf32, #tpu.memory_space<hbm>> -> memref<80000x128xf32, #tpu.memory_space<hbm>>
        tpu.enqueue_indirect_dma source(%dma_start3A_94 : memref<80000x128xf32, #tpu.memory_space<hbm>>) target(%arg12 : memref<96x128xf32, #tpu.memory_space<vmem>>) offsets(%arg8 : memref<96xi32, #tpu.memory_space<vmem>>) semaphore(%arg16 : memref<!tpu.dma_semaphore, #tpu.memory_space<semaphore_mem>>)
      } else {
      }
      %dma_wait3A_60 = arith.constant 0 : i32
      %dma_wait3A_61 = arith.constant 0 : i32
      %dma_wait3A_62 = tpu.memref_slice %arg2[%dma_wait3A_60, %dma_wait3A_61] : memref<80000x128xf32, #tpu.memory_space<hbm>> -> memref<80000x128xf32, #tpu.memory_space<hbm>>
      tpu.wait_indirect_dma semaphore(%arg17 : memref<!tpu.dma_semaphore, #tpu.memory_space<semaphore_mem>>) src(%dma_wait3A_62 : memref<80000x128xf32, #tpu.memory_space<hbm>>) dst(%arg13 : memref<96x128xf32, #tpu.memory_space<vmem>>)
      %scan3A_63 = arith.constant 0 : i32
      %scan3A_64 = arith.constant 6 : i32
      %scan3A_65 = arith.addi %scan3A_63, %scan3A_64 : i32
      %scan3A_66 = arith.constant 1 : i32
      scf.for %scan3A_85 = %scan3A_63 to %scan3A_65 step %scan3A_66  : i32 {
        %mul3A_86 = arith.constant 16 : i32
        %mul3A_87 = arith.muli %scan3A_85, %mul3A_86 : i32
        %add3A_88 = arith.constant 0 : i32
        %add3A_89 = arith.addi %add3A_88, %mul3A_87 : i32
        %mul3A_90 = arith.constant 96 : i32
        %mul3A_91 = arith.muli %add3A_52, %mul3A_90 : i32
        %add3A_92 = arith.addi %mul3A_91, %add3A_89 : i32
        %get3A = arith.index_cast %add3A_92 : i32 to index
        %get3A_93 = tpu.vector_load %arg7[%get3A] {strides = array<i32>} : memref<10080xi32, #tpu.memory_space<vmem>>, vector<16xi32>,
        %get3A_94 = vector.shape_cast %get3A_93 : vector<16xi32> to vector<16xi32>
        %shift_right_logical3A = arith.constant 17 : i32
        %shift_right_logical3A_95 = vector.broadcast %shift_right_logical3A : i32 to vector<16xi32>
        %shift_right_logical3A_96 = arith.shrui %get3A_94, %shift_right_logical3A_95 : vector<16xi32>
        %swap3A = arith.index_cast %add3A_89 : i32 to index
        %swap3A_97 = tpu.vector_load %arg11[%swap3A] {strides = array<i32>} : memref<96xi32, #tpu.memory_space<vmem>>, vector<16xi32>,
        %swap3A_98 = vector.shape_cast %swap3A_97 : vector<16xi32> to vector<16xi32>
        %swap3A_99 = vector.shape_cast %shift_right_logical3A_96 : vector<16xi32> to vector<16xi32>
        tpu.vector_store %arg11[%swap3A], %swap3A_99 {strides = array<i32>} : memref<96xi32, #tpu.memory_space<vmem>>, vector<16xi32>,
      }
      %scan3A_67 = arith.constant 6 : i32
      "tpu.region"() ({
        %run_scoped3A = tpu.sem_alloc : memref<!tpu.dma_semaphore, #tpu.memory_space<semaphore_mem>>
        %dma_start3A_85 = arith.constant 0 : i32
        %dma_start3A_86 = arith.constant 0 : i32
        %dma_start3A_87 = tpu.memref_slice %arg15[%dma_start3A_85, %dma_start3A_86] : memref<10112x128xf32, #tpu.memory_space<vmem_shared>> -> memref<10112x128xf32, #tpu.memory_space<vmem_shared>>
        tpu.enqueue_indirect_dma source(%arg13 : memref<96x128xf32, #tpu.memory_space<vmem>>) target(%dma_start3A_87 : memref<10112x128xf32, #tpu.memory_space<vmem_shared>>) offsets(%arg11 : memref<96xi32, #tpu.memory_space<vmem>>) semaphore(%run_scoped3A : memref<!tpu.dma_semaphore, #tpu.memory_space<semaphore_mem>>) {add = true}
        %dma_wait3A_88 = arith.constant 0 : i32
        %dma_wait3A_89 = arith.constant 0 : i32
        %dma_wait3A_90 = tpu.memref_slice %arg15[%dma_wait3A_88, %dma_wait3A_89] : memref<10112x128xf32, #tpu.memory_space<vmem_shared>> -> memref<10112x128xf32, #tpu.memory_space<vmem_shared>>
        tpu.wait_indirect_dma semaphore(%run_scoped3A : memref<!tpu.dma_semaphore, #tpu.memory_space<semaphore_mem>>) src(%arg13 : memref<96x128xf32, #tpu.memory_space<vmem>>) dst(%dma_wait3A_90 : memref<10112x128xf32, #tpu.memory_space<vmem_shared>>)
        tpu.yield
      }) : () -> ()
      %add3A_68 = arith.constant 2 : i32
      %add3A_69 = arith.addi %add3A_35, %add3A_68 : i32
      %add3A_70 = arith.constant 2 : i32
      %add3A_71 = arith.addi %add3A_69, %add3A_70 : i32
      %lt3A_72 = arith.constant 105 : i32
      %lt3A_73 = arith.cmpi slt, %add3A_71, %lt3A_72 : i32
      %convert_element_type3A_74 = arith.extui %lt3A_73 : i1 to i32
      %cond3A_75 = arith.constant 0 : i32
      %cond3A_76 = arith.cmpi ne, %convert_element_type3A_74, %cond3A_75 : i32
      scf.if %cond3A_76 {
        %add3A_85 = arith.constant 2 : i32
        %add3A_86 = arith.addi %add3A_69, %add3A_85 : i32
        %scan3A_87 = arith.constant 0 : i32
        %scan3A_88 = arith.constant 6 : i32
        %scan3A_89 = arith.addi %scan3A_87, %scan3A_88 : i32
        %scan3A_90 = arith.constant 1 : i32
        scf.for %scan3A_95 = %scan3A_87 to %scan3A_89 step %scan3A_90  : i32 {
          %mul3A_96 = arith.constant 16 : i32
          %mul3A_97 = arith.muli %scan3A_95, %mul3A_96 : i32
          %add3A_98 = arith.constant 0 : i32
          %add3A_99 = arith.addi %add3A_98, %mul3A_97 : i32
          %mul3A_100 = arith.constant 96 : i32
          %mul3A_101 = arith.muli %add3A_86, %mul3A_100 : i32
          %add3A_102 = arith.addi %mul3A_101, %add3A_99 : i32
          %get3A = arith.index_cast %add3A_102 : i32 to index
          %get3A_103 = tpu.vector_load %arg7[%get3A] {strides = array<i32>} : memref<10080xi32, #tpu.memory_space<vmem>>, vector<16xi32>,
          %get3A_104 = vector.shape_cast %get3A_103 : vector<16xi32> to vector<16xi32>
          %and3A = arith.constant 131071 : i32
          %and3A_105 = vector.broadcast %and3A : i32 to vector<16xi32>
          %and3A_106 = arith.andi %get3A_104, %and3A_105 : vector<16xi32>
          %add3A_107 = vector.broadcast %mul3A_4 : i32 to vector<16xi32>
          %add3A_108 = arith.addi %and3A_106, %add3A_107 : vector<16xi32>
          %swap3A = arith.index_cast %add3A_99 : i32 to index
          %swap3A_109 = tpu.vector_load %arg9[%swap3A] {strides = array<i32>} : memref<96xi32, #tpu.memory_space<vmem>>, vector<16xi32>,
          %swap3A_110 = vector.shape_cast %swap3A_109 : vector<16xi32> to vector<16xi32>
          %swap3A_111 = vector.shape_cast %add3A_108 : vector<16xi32> to vector<16xi32>
          tpu.vector_store %arg9[%swap3A], %swap3A_111 {strides = array<i32>} : memref<96xi32, #tpu.memory_space<vmem>>, vector<16xi32>,
        }
        %scan3A_91 = arith.constant 6 : i32
        %dma_start3A_92 = arith.constant 0 : i32
        %dma_start3A_93 = arith.constant 0 : i32
        %dma_start3A_94 = tpu.memref_slice %arg2[%dma_start3A_92, %dma_start3A_93] : memref<80000x128xf32, #tpu.memory_space<hbm>> -> memref<80000x128xf32, #tpu.memory_space<hbm>>
        tpu.enqueue_indirect_dma source(%dma_start3A_94 : memref<80000x128xf32, #tpu.memory_space<hbm>>) target(%arg13 : memref<96x128xf32, #tpu.memory_space<vmem>>) offsets(%arg9 : memref<96xi32, #tpu.memory_space<vmem>>) semaphore(%arg17 : memref<!tpu.dma_semaphore, #tpu.memory_space<semaphore_mem>>)
      } else {
      }
      %dma_wait3A_77 = arith.constant 0 : i32
      %dma_wait3A_78 = arith.constant 0 : i32
      %dma_wait3A_79 = tpu.memref_slice %arg2[%dma_wait3A_77, %dma_wait3A_78] : memref<80000x128xf32, #tpu.memory_space<hbm>> -> memref<80000x128xf32, #tpu.memory_space<hbm>>
      tpu.wait_indirect_dma semaphore(%arg18 : memref<!tpu.dma_semaphore, #tpu.memory_space<semaphore_mem>>) src(%dma_wait3A_79 : memref<80000x128xf32, #tpu.memory_space<hbm>>) dst(%arg14 : memref<96x128xf32, #tpu.memory_space<vmem>>)
      %scan3A_80 = arith.constant 0 : i32
      %scan3A_81 = arith.constant 6 : i32
      %scan3A_82 = arith.addi %scan3A_80, %scan3A_81 : i32
      %scan3A_83 = arith.constant 1 : i32
      scf.for %scan3A_85 = %scan3A_80 to %scan3A_82 step %scan3A_83  : i32 {
        %mul3A_86 = arith.constant 16 : i32
        %mul3A_87 = arith.muli %scan3A_85, %mul3A_86 : i32
        %add3A_88 = arith.constant 0 : i32
        %add3A_89 = arith.addi %add3A_88, %mul3A_87 : i32
        %mul3A_90 = arith.constant 96 : i32
        %mul3A_91 = arith.muli %add3A_69, %mul3A_90 : i32
        %add3A_92 = arith.addi %mul3A_91, %add3A_89 : i32
        %get3A = arith.index_cast %add3A_92 : i32 to index
        %get3A_93 = tpu.vector_load %arg7[%get3A] {strides = array<i32>} : memref<10080xi32, #tpu.memory_space<vmem>>, vector<16xi32>,
        %get3A_94 = vector.shape_cast %get3A_93 : vector<16xi32> to vector<16xi32>
        %shift_right_logical3A = arith.constant 17 : i32
        %shift_right_logical3A_95 = vector.broadcast %shift_right_logical3A : i32 to vector<16xi32>
        %shift_right_logical3A_96 = arith.shrui %get3A_94, %shift_right_logical3A_95 : vector<16xi32>
        %swap3A = arith.index_cast %add3A_89 : i32 to index
        %swap3A_97 = tpu.vector_load %arg11[%swap3A] {strides = array<i32>} : memref<96xi32, #tpu.memory_space<vmem>>, vector<16xi32>,
        %swap3A_98 = vector.shape_cast %swap3A_97 : vector<16xi32> to vector<16xi32>
        %swap3A_99 = vector.shape_cast %shift_right_logical3A_96 : vector<16xi32> to vector<16xi32>
        tpu.vector_store %arg11[%swap3A], %swap3A_99 {strides = array<i32>} : memref<96xi32, #tpu.memory_space<vmem>>, vector<16xi32>,
      }
      %scan3A_84 = arith.constant 6 : i32
      "tpu.region"() ({
        %run_scoped3A = tpu.sem_alloc : memref<!tpu.dma_semaphore, #tpu.memory_space<semaphore_mem>>
        %dma_start3A_85 = arith.constant 0 : i32
        %dma_start3A_86 = arith.constant 0 : i32
        %dma_start3A_87 = tpu.memref_slice %arg15[%dma_start3A_85, %dma_start3A_86] : memref<10112x128xf32, #tpu.memory_space<vmem_shared>> -> memref<10112x128xf32, #tpu.memory_space<vmem_shared>>
        tpu.enqueue_indirect_dma source(%arg14 : memref<96x128xf32, #tpu.memory_space<vmem>>) target(%dma_start3A_87 : memref<10112x128xf32, #tpu.memory_space<vmem_shared>>) offsets(%arg11 : memref<96xi32, #tpu.memory_space<vmem>>) semaphore(%run_scoped3A : memref<!tpu.dma_semaphore, #tpu.memory_space<semaphore_mem>>) {add = true}
        %dma_wait3A_88 = arith.constant 0 : i32
        %dma_wait3A_89 = arith.constant 0 : i32
        %dma_wait3A_90 = tpu.memref_slice %arg15[%dma_wait3A_88, %dma_wait3A_89] : memref<10112x128xf32, #tpu.memory_space<vmem_shared>> -> memref<10112x128xf32, #tpu.memory_space<vmem_shared>>
        tpu.wait_indirect_dma semaphore(%run_scoped3A : memref<!tpu.dma_semaphore, #tpu.memory_space<semaphore_mem>>) src(%arg14 : memref<96x128xf32, #tpu.memory_space<vmem>>) dst(%dma_wait3A_90 : memref<10112x128xf32, #tpu.memory_space<vmem_shared>>)
        tpu.yield
      }) : () -> ()
    }
    %scan3A_23 = arith.constant 35 : i32
    %barrier3A_24 = arith.constant 0 : index
    tpu.barrier barrier_id(%barrier3A_24)
    %eq3A = arith.constant 0 : i32
    %eq3A_25 = arith.cmpi eq, %arg0, %eq3A : i32
    %convert_element_type3A = arith.extui %eq3A_25 : i1 to i32
    %cond3A = arith.constant 0 : i32
    %cond3A_26 = arith.cmpi ne, %convert_element_type3A, %cond3A : i32
    scf.if %cond3A_26 {
      %mul3A_32 = arith.constant 632 : i32
      %mul3A_33 = arith.muli %arg1, %mul3A_32 : i32
      %mul3A_34 = arith.constant 632 : i32
      %mul3A_35 = arith.muli %arg1, %mul3A_34 : i32
      "tpu.region"() ({
        %run_scoped3A = tpu.sem_alloc : memref<!tpu.dma_semaphore, #tpu.memory_space<semaphore_mem>>
        %dma_start3A_36 = arith.constant 0 : i32
        %dma_start3A_37 = tpu.memref_slice %arg5[%mul3A_35, %dma_start3A_36] : memref<10112x128xf32, #tpu.memory_space<hbm>> -> memref<632x128xf32, #tpu.memory_space<hbm>>
        %dma_start3A_38 = arith.constant 0 : i32
        %dma_start3A_39 = tpu.memref_slice %arg15[%mul3A_33, %dma_start3A_38] : memref<10112x128xf32, #tpu.memory_space<vmem_shared>> -> memref<632x128xf32, #tpu.memory_space<vmem_shared>>
        tpu.enqueue_dma source(%dma_start3A_39 : memref<632x128xf32, #tpu.memory_space<vmem_shared>>) target(%dma_start3A_37 : memref<632x128xf32, #tpu.memory_space<hbm>>) target_semaphore(%run_scoped3A : memref<!tpu.dma_semaphore, #tpu.memory_space<semaphore_mem>>)
        %dma_wait3A = arith.constant 0 : i32
        %dma_wait3A_40 = tpu.memref_slice %arg5[%mul3A_35, %dma_wait3A] : memref<10112x128xf32, #tpu.memory_space<hbm>> -> memref<632x128xf32, #tpu.memory_space<hbm>>
        %dma_wait3A_41 = arith.constant 0 : i32
        %dma_wait3A_42 = tpu.memref_slice %arg15[%mul3A_33, %dma_wait3A_41] : memref<10112x128xf32, #tpu.memory_space<vmem_shared>> -> memref<632x128xf32, #tpu.memory_space<vmem_shared>>
        tpu.wait_dma2 semaphore(%run_scoped3A : memref<!tpu.dma_semaphore, #tpu.memory_space<semaphore_mem>>) src(%dma_wait3A_42 : memref<632x128xf32, #tpu.memory_space<vmem_shared>>) dst(%dma_wait3A_40 : memref<632x128xf32, #tpu.memory_space<hbm>>)
        tpu.yield
      }) : () -> ()
    } else {
    }
    %eq3A_27 = arith.constant 1 : i32
    %eq3A_28 = arith.cmpi eq, %arg0, %eq3A_27 : i32
    %convert_element_type3A_29 = arith.extui %eq3A_28 : i1 to i32
    %cond3A_30 = arith.constant 0 : i32
    %cond3A_31 = arith.cmpi ne, %convert_element_type3A_29, %cond3A_30 : i32
    scf.if %cond3A_31 {
      %mul3A_32 = arith.constant 632 : i32
      %mul3A_33 = arith.muli %arg1, %mul3A_32 : i32
      %mul3A_34 = arith.constant 632 : i32
      %mul3A_35 = arith.muli %arg1, %mul3A_34 : i32
      "tpu.region"() ({
        %run_scoped3A = tpu.sem_alloc : memref<!tpu.dma_semaphore, #tpu.memory_space<semaphore_mem>>
        %dma_start3A_36 = arith.constant 0 : i32
        %dma_start3A_37 = tpu.memref_slice %arg6[%mul3A_35, %dma_start3A_36] : memref<10112x128xf32, #tpu.memory_space<hbm>> -> memref<632x128xf32, #tpu.memory_space<hbm>>
        %dma_start3A_38 = arith.constant 0 : i32
        %dma_start3A_39 = tpu.memref_slice %arg15[%mul3A_33, %dma_start3A_38] : memref<10112x128xf32, #tpu.memory_space<vmem_shared>> -> memref<632x128xf32, #tpu.memory_space<vmem_shared>>
        tpu.enqueue_dma source(%dma_start3A_39 : memref<632x128xf32, #tpu.memory_space<vmem_shared>>) target(%dma_start3A_37 : memref<632x128xf32, #tpu.memory_space<hbm>>) target_semaphore(%run_scoped3A : memref<!tpu.dma_semaphore, #tpu.memory_space<semaphore_mem>>)
        %dma_wait3A = arith.constant 0 : i32
        %dma_wait3A_40 = tpu.memref_slice %arg6[%mul3A_35, %dma_wait3A] : memref<10112x128xf32, #tpu.memory_space<hbm>> -> memref<632x128xf32, #tpu.memory_space<hbm>>
        %dma_wait3A_41 = arith.constant 0 : i32
        %dma_wait3A_42 = tpu.memref_slice %arg15[%mul3A_33, %dma_wait3A_41] : memref<10112x128xf32, #tpu.memory_space<vmem_shared>> -> memref<632x128xf32, #tpu.memory_space<vmem_shared>>
        tpu.wait_dma2 semaphore(%run_scoped3A : memref<!tpu.dma_semaphore, #tpu.memory_space<semaphore_mem>>) src(%dma_wait3A_42 : memref<632x128xf32, #tpu.memory_space<vmem_shared>>) dst(%dma_wait3A_40 : memref<632x128xf32, #tpu.memory_space<hbm>>)
        tpu.yield
      }) : () -> ()
    } else {
    }
    return
  }
}

#map = affine_map<(d0, d1) -> (0, 0)>
#map1 = affine_map<(d0, d1) -> (0)>
module attributes {stable_mosaic.version = 14 : i64} {
  func.func @_sc_agg_body(%arg0: i32, %arg1: i32, %arg2: memref<80000x128xf32, #tpu.memory_space<hbm>>, %arg3: memref<161280xi32, #tpu.memory_space<hbm>>, %arg4: memref<632x128xf32, #tpu.memory_space<hbm>>, %arg5: memref<10112x128xf32, #tpu.memory_space<hbm>>, %arg6: memref<10112x128xf32, #tpu.memory_space<hbm>>, %arg7: memref<10080xi32, #tpu.memory_space<vmem>>, %arg8: memref<96xi32, #tpu.memory_space<vmem>>, %arg9: memref<96xi32, #tpu.memory_space<vmem>>, %arg10: memref<96xi32, #tpu.memory_space<vmem>>, %arg11: memref<96xi32, #tpu.memory_space<vmem>>, %arg12: memref<96x128xf32, #tpu.memory_space<vmem>>, %arg13: memref<96x128xf32, #tpu.memory_space<vmem>>, %arg14: memref<96x128xf32, #tpu.memory_space<vmem>>, %arg15: memref<10112x128xf32, #tpu.memory_space<vmem_shared>>, %arg16: memref<!tpu.dma_semaphore, #tpu.memory_space<semaphore_mem>>, %arg17: memref<!tpu.dma_semaphore, #tpu.memory_space<semaphore_mem>>, %arg18: memref<!tpu.dma_semaphore, #tpu.memory_space<semaphore_mem>>) attributes {dimension_semantics = [#tpu.dimension_semantics<core_parallel>, #tpu.dimension_semantics<subcore_parallel>], iteration_bounds = array<i64: 2, 16>, scalar_prefetch = 0 : i64, scratch_operands = 12 : i64, tpu.core_type = #tpu.core_type<sc_vector_subcore>, window_params = [{transform_indices = #map}, {transform_indices = #map1}, {transform_indices = #map}, {transform_indices = #map}, {transform_indices = #map}]} {
    %mul3A = arith.constant 632 : i32
    %mul3A_0 = arith.muli %arg1, %mul3A : i32
    "tpu.region"() ({
      %run_scoped3A = tpu.sem_alloc : memref<!tpu.dma_semaphore, #tpu.memory_space<semaphore_mem>>
      %dma_start3A_32 = arith.constant 0 : i32
      %dma_start3A_33 = tpu.memref_slice %arg15[%mul3A_0, %dma_start3A_32] : memref<10112x128xf32, #tpu.memory_space<vmem_shared>> -> memref<632x128xf32, #tpu.memory_space<vmem_shared>>
      tpu.enqueue_dma source(%arg4 : memref<632x128xf32, #tpu.memory_space<hbm>>) target(%dma_start3A_33 : memref<632x128xf32, #tpu.memory_space<vmem_shared>>) target_semaphore(%run_scoped3A : memref<!tpu.dma_semaphore, #tpu.memory_space<semaphore_mem>>)
      %dma_wait3A = arith.constant 0 : i32
      %dma_wait3A_34 = tpu.memref_slice %arg15[%mul3A_0, %dma_wait3A] : memref<10112x128xf32, #tpu.memory_space<vmem_shared>> -> memref<632x128xf32, #tpu.memory_space<vmem_shared>>
      tpu.wait_dma2 semaphore(%run_scoped3A : memref<!tpu.dma_semaphore, #tpu.memory_space<semaphore_mem>>) src(%arg4 : memref<632x128xf32, #tpu.memory_space<hbm>>) dst(%dma_wait3A_34 : memref<632x128xf32, #tpu.memory_space<vmem_shared>>)
      tpu.yield
    }) : () -> ()
    %mul3A_1 = arith.constant 10080 : i32
    %mul3A_2 = arith.muli %arg1, %mul3A_1 : i32
    "tpu.region"() ({
      %run_scoped3A = tpu.sem_alloc : memref<!tpu.dma_semaphore, #tpu.memory_space<semaphore_mem>>
      %dma_start3A_32 = tpu.memref_slice %arg3[%mul3A_2] : memref<161280xi32, #tpu.memory_space<hbm>> -> memref<10080xi32, #tpu.memory_space<hbm>>
      %dma_start3A_33 = tpu.memref_slice %arg3[%mul3A_2] : memref<161280xi32, #tpu.memory_space<hbm>> -> memref<10080xi32, #tpu.memory_space<hbm>>
      tpu.enqueue_dma source(%dma_start3A_33 : memref<10080xi32, #tpu.memory_space<hbm>>) target(%arg7 : memref<10080xi32, #tpu.memory_space<vmem>>) target_semaphore(%run_scoped3A : memref<!tpu.dma_semaphore, #tpu.memory_space<semaphore_mem>>)
      %dma_wait3A = tpu.memref_slice %arg3[%mul3A_2] : memref<161280xi32, #tpu.memory_space<hbm>> -> memref<10080xi32, #tpu.memory_space<hbm>>
      %dma_wait3A_34 = tpu.memref_slice %arg3[%mul3A_2] : memref<161280xi32, #tpu.memory_space<hbm>> -> memref<10080xi32, #tpu.memory_space<hbm>>
      tpu.wait_dma2 semaphore(%run_scoped3A : memref<!tpu.dma_semaphore, #tpu.memory_space<semaphore_mem>>) src(%dma_wait3A_34 : memref<10080xi32, #tpu.memory_space<hbm>>) dst(%arg7 : memref<10080xi32, #tpu.memory_space<vmem>>)
      tpu.yield
    }) : () -> ()
    %mul3A_3 = arith.constant 40000 : i32
    %mul3A_4 = arith.muli %arg0, %mul3A_3 : i32
    %barrier3A = arith.constant 0 : index
    tpu.barrier barrier_id(%barrier3A)
    %scan3A = arith.constant 0 : i32
    %scan3A_5 = arith.constant 6 : i32
    %scan3A_6 = arith.addi %scan3A, %scan3A_5 : i32
    %scan3A_7 = arith.constant 1 : i32
    scf.for %scan3A_32 = %scan3A to %scan3A_6 step %scan3A_7  : i32 {
      %mul3A_33 = arith.constant 16 : i32
      %mul3A_34 = arith.muli %scan3A_32, %mul3A_33 : i32
      %add3A = arith.constant 0 : i32
      %add3A_35 = arith.addi %add3A, %mul3A_34 : i32
      %add3A_36 = arith.constant 0 : i32
      %add3A_37 = arith.addi %add3A_36, %add3A_35 : i32
      %get3A = arith.index_cast %add3A_37 : i32 to index
      %get3A_38 = tpu.vector_load %arg7[%get3A] {strides = array<i32>} : memref<10080xi32, #tpu.memory_space<vmem>>, vector<16xi32>,
      %get3A_39 = vector.shape_cast %get3A_38 : vector<16xi32> to vector<16xi32>
      %and3A = arith.constant 131071 : i32
      %and3A_40 = vector.broadcast %and3A : i32 to vector<16xi32>
      %and3A_41 = arith.andi %get3A_39, %and3A_40 : vector<16xi32>
      %add3A_42 = vector.broadcast %mul3A_4 : i32 to vector<16xi32>
      %add3A_43 = arith.addi %and3A_41, %add3A_42 : vector<16xi32>
      %swap3A = arith.index_cast %add3A_35 : i32 to index
      %swap3A_44 = tpu.vector_load %arg8[%swap3A] {strides = array<i32>} : memref<96xi32, #tpu.memory_space<vmem>>, vector<16xi32>,
      %swap3A_45 = vector.shape_cast %swap3A_44 : vector<16xi32> to vector<16xi32>
      %swap3A_46 = vector.shape_cast %add3A_43 : vector<16xi32> to vector<16xi32>
      tpu.vector_store %arg8[%swap3A], %swap3A_46 {strides = array<i32>} : memref<96xi32, #tpu.memory_space<vmem>>, vector<16xi32>,
    }
    %scan3A_8 = arith.constant 6 : i32
    %dma_start3A = arith.constant 0 : i32
    %dma_start3A_9 = arith.constant 0 : i32
    %dma_start3A_10 = tpu.memref_slice %arg2[%dma_start3A, %dma_start3A_9] : memref<80000x128xf32, #tpu.memory_space<hbm>> -> memref<80000x128xf32, #tpu.memory_space<hbm>>
    tpu.enqueue_indirect_dma source(%dma_start3A_10 : memref<80000x128xf32, #tpu.memory_space<hbm>>) target(%arg12 : memref<96x128xf32, #tpu.memory_space<vmem>>) offsets(%arg8 : memref<96xi32, #tpu.memory_space<vmem>>) semaphore(%arg16 : memref<!tpu.dma_semaphore, #tpu.memory_space<semaphore_mem>>)
    %scan3A_11 = arith.constant 0 : i32
    %scan3A_12 = arith.constant 6 : i32
    %scan3A_13 = arith.addi %scan3A_11, %scan3A_12 : i32
    %scan3A_14 = arith.constant 1 : i32
    scf.for %scan3A_32 = %scan3A_11 to %scan3A_13 step %scan3A_14  : i32 {
      %mul3A_33 = arith.constant 16 : i32
      %mul3A_34 = arith.muli %scan3A_32, %mul3A_33 : i32
      %add3A = arith.constant 0 : i32
      %add3A_35 = arith.addi %add3A, %mul3A_34 : i32
      %add3A_36 = arith.constant 96 : i32
      %add3A_37 = arith.addi %add3A_36, %add3A_35 : i32
      %get3A = arith.index_cast %add3A_37 : i32 to index
      %get3A_38 = tpu.vector_load %arg7[%get3A] {strides = array<i32>} : memref<10080xi32, #tpu.memory_space<vmem>>, vector<16xi32>,
      %get3A_39 = vector.shape_cast %get3A_38 : vector<16xi32> to vector<16xi32>
      %and3A = arith.constant 131071 : i32
      %and3A_40 = vector.broadcast %and3A : i32 to vector<16xi32>
      %and3A_41 = arith.andi %get3A_39, %and3A_40 : vector<16xi32>
      %add3A_42 = vector.broadcast %mul3A_4 : i32 to vector<16xi32>
      %add3A_43 = arith.addi %and3A_41, %add3A_42 : vector<16xi32>
      %swap3A = arith.index_cast %add3A_35 : i32 to index
      %swap3A_44 = tpu.vector_load %arg9[%swap3A] {strides = array<i32>} : memref<96xi32, #tpu.memory_space<vmem>>, vector<16xi32>,
      %swap3A_45 = vector.shape_cast %swap3A_44 : vector<16xi32> to vector<16xi32>
      %swap3A_46 = vector.shape_cast %add3A_43 : vector<16xi32> to vector<16xi32>
      tpu.vector_store %arg9[%swap3A], %swap3A_46 {strides = array<i32>} : memref<96xi32, #tpu.memory_space<vmem>>, vector<16xi32>,
    }
    %scan3A_15 = arith.constant 6 : i32
    %dma_start3A_16 = arith.constant 0 : i32
    %dma_start3A_17 = arith.constant 0 : i32
    %dma_start3A_18 = tpu.memref_slice %arg2[%dma_start3A_16, %dma_start3A_17] : memref<80000x128xf32, #tpu.memory_space<hbm>> -> memref<80000x128xf32, #tpu.memory_space<hbm>>
    tpu.enqueue_indirect_dma source(%dma_start3A_18 : memref<80000x128xf32, #tpu.memory_space<hbm>>) target(%arg13 : memref<96x128xf32, #tpu.memory_space<vmem>>) offsets(%arg9 : memref<96xi32, #tpu.memory_space<vmem>>) semaphore(%arg17 : memref<!tpu.dma_semaphore, #tpu.memory_space<semaphore_mem>>)
    %scan3A_19 = arith.constant 0 : i32
    %scan3A_20 = arith.constant 35 : i32
    %scan3A_21 = arith.addi %scan3A_19, %scan3A_20 : i32
    %scan3A_22 = arith.constant 1 : i32
    scf.for %scan3A_32 = %scan3A_19 to %scan3A_21 step %scan3A_22  : i32 {
      %mul3A_33 = arith.constant 3 : i32
      %mul3A_34 = arith.muli %scan3A_32, %mul3A_33 : i32
      %add3A = arith.constant 0 : i32
      %add3A_35 = arith.addi %add3A, %mul3A_34 : i32
      %add3A_36 = arith.constant 0 : i32
      %add3A_37 = arith.addi %add3A_35, %add3A_36 : i32
      %add3A_38 = arith.constant 2 : i32
      %add3A_39 = arith.addi %add3A_37, %add3A_38 : i32
      %lt3A = arith.constant 105 : i32
      %lt3A_40 = arith.cmpi slt, %add3A_39, %lt3A : i32
      %convert_element_type3A_41 = arith.extui %lt3A_40 : i1 to i32
      %cond3A_42 = arith.constant 0 : i32
      %cond3A_43 = arith.cmpi ne, %convert_element_type3A_41, %cond3A_42 : i32
      scf.if %cond3A_43 {
        %add3A_85 = arith.constant 2 : i32
        %add3A_86 = arith.addi %add3A_37, %add3A_85 : i32
        %scan3A_87 = arith.constant 0 : i32
        %scan3A_88 = arith.constant 6 : i32
        %scan3A_89 = arith.addi %scan3A_87, %scan3A_88 : i32
        %scan3A_90 = arith.constant 1 : i32
        scf.for %scan3A_95 = %scan3A_87 to %scan3A_89 step %scan3A_90  : i32 {
          %mul3A_96 = arith.constant 16 : i32
          %mul3A_97 = arith.muli %scan3A_95, %mul3A_96 : i32
          %add3A_98 = arith.constant 0 : i32
          %add3A_99 = arith.addi %add3A_98, %mul3A_97 : i32
          %mul3A_100 = arith.constant 96 : i32
          %mul3A_101 = arith.muli %add3A_86, %mul3A_100 : i32
          %add3A_102 = arith.addi %mul3A_101, %add3A_99 : i32
          %get3A = arith.index_cast %add3A_102 : i32 to index
          %get3A_103 = tpu.vector_load %arg7[%get3A] {strides = array<i32>} : memref<10080xi32, #tpu.memory_space<vmem>>, vector<16xi32>,
          %get3A_104 = vector.shape_cast %get3A_103 : vector<16xi32> to vector<16xi32>
          %and3A = arith.constant 131071 : i32
          %and3A_105 = vector.broadcast %and3A : i32 to vector<16xi32>
          %and3A_106 = arith.andi %get3A_104, %and3A_105 : vector<16xi32>
          %add3A_107 = vector.broadcast %mul3A_4 : i32 to vector<16xi32>
          %add3A_108 = arith.addi %and3A_106, %add3A_107 : vector<16xi32>
          %swap3A = arith.index_cast %add3A_99 : i32 to index
          %swap3A_109 = tpu.vector_load %arg10[%swap3A] {strides = array<i32>} : memref<96xi32, #tpu.memory_space<vmem>>, vector<16xi32>,
          %swap3A_110 = vector.shape_cast %swap3A_109 : vector<16xi32> to vector<16xi32>
          %swap3A_111 = vector.shape_cast %add3A_108 : vector<16xi32> to vector<16xi32>
          tpu.vector_store %arg10[%swap3A], %swap3A_111 {strides = array<i32>} : memref<96xi32, #tpu.memory_space<vmem>>, vector<16xi32>,
        }
        %scan3A_91 = arith.constant 6 : i32
        %dma_start3A_92 = arith.constant 0 : i32
        %dma_start3A_93 = arith.constant 0 : i32
        %dma_start3A_94 = tpu.memref_slice %arg2[%dma_start3A_92, %dma_start3A_93] : memref<80000x128xf32, #tpu.memory_space<hbm>> -> memref<80000x128xf32, #tpu.memory_space<hbm>>
        tpu.enqueue_indirect_dma source(%dma_start3A_94 : memref<80000x128xf32, #tpu.memory_space<hbm>>) target(%arg14 : memref<96x128xf32, #tpu.memory_space<vmem>>) offsets(%arg10 : memref<96xi32, #tpu.memory_space<vmem>>) semaphore(%arg18 : memref<!tpu.dma_semaphore, #tpu.memory_space<semaphore_mem>>)
      } else {
      }
      %dma_wait3A = arith.constant 0 : i32
      %dma_wait3A_44 = arith.constant 0 : i32
      %dma_wait3A_45 = tpu.memref_slice %arg2[%dma_wait3A, %dma_wait3A_44] : memref<80000x128xf32, #tpu.memory_space<hbm>> -> memref<80000x128xf32, #tpu.memory_space<hbm>>
      tpu.wait_indirect_dma semaphore(%arg16 : memref<!tpu.dma_semaphore, #tpu.memory_space<semaphore_mem>>) src(%dma_wait3A_45 : memref<80000x128xf32, #tpu.memory_space<hbm>>) dst(%arg12 : memref<96x128xf32, #tpu.memory_space<vmem>>)
      %scan3A_46 = arith.constant 0 : i32
      %scan3A_47 = arith.constant 6 : i32
      %scan3A_48 = arith.addi %scan3A_46, %scan3A_47 : i32
      %scan3A_49 = arith.constant 1 : i32
      scf.for %scan3A_85 = %scan3A_46 to %scan3A_48 step %scan3A_49  : i32 {
        %mul3A_86 = arith.constant 16 : i32
        %mul3A_87 = arith.muli %scan3A_85, %mul3A_86 : i32
        %add3A_88 = arith.constant 0 : i32
        %add3A_89 = arith.addi %add3A_88, %mul3A_87 : i32
        %mul3A_90 = arith.constant 96 : i32
        %mul3A_91 = arith.muli %add3A_37, %mul3A_90 : i32
        %add3A_92 = arith.addi %mul3A_91, %add3A_89 : i32
        %get3A = arith.index_cast %add3A_92 : i32 to index
        %get3A_93 = tpu.vector_load %arg7[%get3A] {strides = array<i32>} : memref<10080xi32, #tpu.memory_space<vmem>>, vector<16xi32>,
        %get3A_94 = vector.shape_cast %get3A_93 : vector<16xi32> to vector<16xi32>
        %shift_right_logical3A = arith.constant 17 : i32
        %shift_right_logical3A_95 = vector.broadcast %shift_right_logical3A : i32 to vector<16xi32>
        %shift_right_logical3A_96 = arith.shrui %get3A_94, %shift_right_logical3A_95 : vector<16xi32>
        %swap3A = arith.index_cast %add3A_89 : i32 to index
        %swap3A_97 = tpu.vector_load %arg11[%swap3A] {strides = array<i32>} : memref<96xi32, #tpu.memory_space<vmem>>, vector<16xi32>,
        %swap3A_98 = vector.shape_cast %swap3A_97 : vector<16xi32> to vector<16xi32>
        %swap3A_99 = vector.shape_cast %shift_right_logical3A_96 : vector<16xi32> to vector<16xi32>
        tpu.vector_store %arg11[%swap3A], %swap3A_99 {strides = array<i32>} : memref<96xi32, #tpu.memory_space<vmem>>, vector<16xi32>,
      }
      %scan3A_50 = arith.constant 6 : i32
      "tpu.region"() ({
        %run_scoped3A = tpu.sem_alloc : memref<!tpu.dma_semaphore, #tpu.memory_space<semaphore_mem>>
        %dma_start3A_85 = arith.constant 0 : i32
        %dma_start3A_86 = arith.constant 0 : i32
        %dma_start3A_87 = tpu.memref_slice %arg15[%dma_start3A_85, %dma_start3A_86] : memref<10112x128xf32, #tpu.memory_space<vmem_shared>> -> memref<10112x128xf32, #tpu.memory_space<vmem_shared>>
        tpu.enqueue_indirect_dma source(%arg12 : memref<96x128xf32, #tpu.memory_space<vmem>>) target(%dma_start3A_87 : memref<10112x128xf32, #tpu.memory_space<vmem_shared>>) offsets(%arg11 : memref<96xi32, #tpu.memory_space<vmem>>) semaphore(%run_scoped3A : memref<!tpu.dma_semaphore, #tpu.memory_space<semaphore_mem>>) {add = true}
        %dma_wait3A_88 = arith.constant 0 : i32
        %dma_wait3A_89 = arith.constant 0 : i32
        %dma_wait3A_90 = tpu.memref_slice %arg15[%dma_wait3A_88, %dma_wait3A_89] : memref<10112x128xf32, #tpu.memory_space<vmem_shared>> -> memref<10112x128xf32, #tpu.memory_space<vmem_shared>>
        tpu.wait_indirect_dma semaphore(%run_scoped3A : memref<!tpu.dma_semaphore, #tpu.memory_space<semaphore_mem>>) src(%arg12 : memref<96x128xf32, #tpu.memory_space<vmem>>) dst(%dma_wait3A_90 : memref<10112x128xf32, #tpu.memory_space<vmem_shared>>)
        tpu.yield
      }) : () -> ()
      %add3A_51 = arith.constant 1 : i32
      %add3A_52 = arith.addi %add3A_35, %add3A_51 : i32
      %add3A_53 = arith.constant 2 : i32
      %add3A_54 = arith.addi %add3A_52, %add3A_53 : i32
      %lt3A_55 = arith.constant 105 : i32
      %lt3A_56 = arith.cmpi slt, %add3A_54, %lt3A_55 : i32
      %convert_element_type3A_57 = arith.extui %lt3A_56 : i1 to i32
      %cond3A_58 = arith.constant 0 : i32
      %cond3A_59 = arith.cmpi ne, %convert_element_type3A_57, %cond3A_58 : i32
      scf.if %cond3A_59 {
        %add3A_85 = arith.constant 2 : i32
        %add3A_86 = arith.addi %add3A_52, %add3A_85 : i32
        %scan3A_87 = arith.constant 0 : i32
        %scan3A_88 = arith.constant 6 : i32
        %scan3A_89 = arith.addi %scan3A_87, %scan3A_88 : i32
        %scan3A_90 = arith.constant 1 : i32
        scf.for %scan3A_95 = %scan3A_87 to %scan3A_89 step %scan3A_90  : i32 {
          %mul3A_96 = arith.constant 16 : i32
          %mul3A_97 = arith.muli %scan3A_95, %mul3A_96 : i32
          %add3A_98 = arith.constant 0 : i32
          %add3A_99 = arith.addi %add3A_98, %mul3A_97 : i32
          %mul3A_100 = arith.constant 96 : i32
          %mul3A_101 = arith.muli %add3A_86, %mul3A_100 : i32
          %add3A_102 = arith.addi %mul3A_101, %add3A_99 : i32
          %get3A = arith.index_cast %add3A_102 : i32 to index
          %get3A_103 = tpu.vector_load %arg7[%get3A] {strides = array<i32>} : memref<10080xi32, #tpu.memory_space<vmem>>, vector<16xi32>,
          %get3A_104 = vector.shape_cast %get3A_103 : vector<16xi32> to vector<16xi32>
          %and3A = arith.constant 131071 : i32
          %and3A_105 = vector.broadcast %and3A : i32 to vector<16xi32>
          %and3A_106 = arith.andi %get3A_104, %and3A_105 : vector<16xi32>
          %add3A_107 = vector.broadcast %mul3A_4 : i32 to vector<16xi32>
          %add3A_108 = arith.addi %and3A_106, %add3A_107 : vector<16xi32>
          %swap3A = arith.index_cast %add3A_99 : i32 to index
          %swap3A_109 = tpu.vector_load %arg8[%swap3A] {strides = array<i32>} : memref<96xi32, #tpu.memory_space<vmem>>, vector<16xi32>,
          %swap3A_110 = vector.shape_cast %swap3A_109 : vector<16xi32> to vector<16xi32>
          %swap3A_111 = vector.shape_cast %add3A_108 : vector<16xi32> to vector<16xi32>
          tpu.vector_store %arg8[%swap3A], %swap3A_111 {strides = array<i32>} : memref<96xi32, #tpu.memory_space<vmem>>, vector<16xi32>,
        }
        %scan3A_91 = arith.constant 6 : i32
        %dma_start3A_92 = arith.constant 0 : i32
        %dma_start3A_93 = arith.constant 0 : i32
        %dma_start3A_94 = tpu.memref_slice %arg2[%dma_start3A_92, %dma_start3A_93] : memref<80000x128xf32, #tpu.memory_space<hbm>> -> memref<80000x128xf32, #tpu.memory_space<hbm>>
        tpu.enqueue_indirect_dma source(%dma_start3A_94 : memref<80000x128xf32, #tpu.memory_space<hbm>>) target(%arg12 : memref<96x128xf32, #tpu.memory_space<vmem>>) offsets(%arg8 : memref<96xi32, #tpu.memory_space<vmem>>) semaphore(%arg16 : memref<!tpu.dma_semaphore, #tpu.memory_space<semaphore_mem>>)
      } else {
      }
      %dma_wait3A_60 = arith.constant 0 : i32
      %dma_wait3A_61 = arith.constant 0 : i32
      %dma_wait3A_62 = tpu.memref_slice %arg2[%dma_wait3A_60, %dma_wait3A_61] : memref<80000x128xf32, #tpu.memory_space<hbm>> -> memref<80000x128xf32, #tpu.memory_space<hbm>>
      tpu.wait_indirect_dma semaphore(%arg17 : memref<!tpu.dma_semaphore, #tpu.memory_space<semaphore_mem>>) src(%dma_wait3A_62 : memref<80000x128xf32, #tpu.memory_space<hbm>>) dst(%arg13 : memref<96x128xf32, #tpu.memory_space<vmem>>)
      %scan3A_63 = arith.constant 0 : i32
      %scan3A_64 = arith.constant 6 : i32
      %scan3A_65 = arith.addi %scan3A_63, %scan3A_64 : i32
      %scan3A_66 = arith.constant 1 : i32
      scf.for %scan3A_85 = %scan3A_63 to %scan3A_65 step %scan3A_66  : i32 {
        %mul3A_86 = arith.constant 16 : i32
        %mul3A_87 = arith.muli %scan3A_85, %mul3A_86 : i32
        %add3A_88 = arith.constant 0 : i32
        %add3A_89 = arith.addi %add3A_88, %mul3A_87 : i32
        %mul3A_90 = arith.constant 96 : i32
        %mul3A_91 = arith.muli %add3A_52, %mul3A_90 : i32
        %add3A_92 = arith.addi %mul3A_91, %add3A_89 : i32
        %get3A = arith.index_cast %add3A_92 : i32 to index
        %get3A_93 = tpu.vector_load %arg7[%get3A] {strides = array<i32>} : memref<10080xi32, #tpu.memory_space<vmem>>, vector<16xi32>,
        %get3A_94 = vector.shape_cast %get3A_93 : vector<16xi32> to vector<16xi32>
        %shift_right_logical3A = arith.constant 17 : i32
        %shift_right_logical3A_95 = vector.broadcast %shift_right_logical3A : i32 to vector<16xi32>
        %shift_right_logical3A_96 = arith.shrui %get3A_94, %shift_right_logical3A_95 : vector<16xi32>
        %swap3A = arith.index_cast %add3A_89 : i32 to index
        %swap3A_97 = tpu.vector_load %arg11[%swap3A] {strides = array<i32>} : memref<96xi32, #tpu.memory_space<vmem>>, vector<16xi32>,
        %swap3A_98 = vector.shape_cast %swap3A_97 : vector<16xi32> to vector<16xi32>
        %swap3A_99 = vector.shape_cast %shift_right_logical3A_96 : vector<16xi32> to vector<16xi32>
        tpu.vector_store %arg11[%swap3A], %swap3A_99 {strides = array<i32>} : memref<96xi32, #tpu.memory_space<vmem>>, vector<16xi32>,
      }
      %scan3A_67 = arith.constant 6 : i32
      "tpu.region"() ({
        %run_scoped3A = tpu.sem_alloc : memref<!tpu.dma_semaphore, #tpu.memory_space<semaphore_mem>>
        %dma_start3A_85 = arith.constant 0 : i32
        %dma_start3A_86 = arith.constant 0 : i32
        %dma_start3A_87 = tpu.memref_slice %arg15[%dma_start3A_85, %dma_start3A_86] : memref<10112x128xf32, #tpu.memory_space<vmem_shared>> -> memref<10112x128xf32, #tpu.memory_space<vmem_shared>>
        tpu.enqueue_indirect_dma source(%arg13 : memref<96x128xf32, #tpu.memory_space<vmem>>) target(%dma_start3A_87 : memref<10112x128xf32, #tpu.memory_space<vmem_shared>>) offsets(%arg11 : memref<96xi32, #tpu.memory_space<vmem>>) semaphore(%run_scoped3A : memref<!tpu.dma_semaphore, #tpu.memory_space<semaphore_mem>>) {add = true}
        %dma_wait3A_88 = arith.constant 0 : i32
        %dma_wait3A_89 = arith.constant 0 : i32
        %dma_wait3A_90 = tpu.memref_slice %arg15[%dma_wait3A_88, %dma_wait3A_89] : memref<10112x128xf32, #tpu.memory_space<vmem_shared>> -> memref<10112x128xf32, #tpu.memory_space<vmem_shared>>
        tpu.wait_indirect_dma semaphore(%run_scoped3A : memref<!tpu.dma_semaphore, #tpu.memory_space<semaphore_mem>>) src(%arg13 : memref<96x128xf32, #tpu.memory_space<vmem>>) dst(%dma_wait3A_90 : memref<10112x128xf32, #tpu.memory_space<vmem_shared>>)
        tpu.yield
      }) : () -> ()
      %add3A_68 = arith.constant 2 : i32
      %add3A_69 = arith.addi %add3A_35, %add3A_68 : i32
      %add3A_70 = arith.constant 2 : i32
      %add3A_71 = arith.addi %add3A_69, %add3A_70 : i32
      %lt3A_72 = arith.constant 105 : i32
      %lt3A_73 = arith.cmpi slt, %add3A_71, %lt3A_72 : i32
      %convert_element_type3A_74 = arith.extui %lt3A_73 : i1 to i32
      %cond3A_75 = arith.constant 0 : i32
      %cond3A_76 = arith.cmpi ne, %convert_element_type3A_74, %cond3A_75 : i32
      scf.if %cond3A_76 {
        %add3A_85 = arith.constant 2 : i32
        %add3A_86 = arith.addi %add3A_69, %add3A_85 : i32
        %scan3A_87 = arith.constant 0 : i32
        %scan3A_88 = arith.constant 6 : i32
        %scan3A_89 = arith.addi %scan3A_87, %scan3A_88 : i32
        %scan3A_90 = arith.constant 1 : i32
        scf.for %scan3A_95 = %scan3A_87 to %scan3A_89 step %scan3A_90  : i32 {
          %mul3A_96 = arith.constant 16 : i32
          %mul3A_97 = arith.muli %scan3A_95, %mul3A_96 : i32
          %add3A_98 = arith.constant 0 : i32
          %add3A_99 = arith.addi %add3A_98, %mul3A_97 : i32
          %mul3A_100 = arith.constant 96 : i32
          %mul3A_101 = arith.muli %add3A_86, %mul3A_100 : i32
          %add3A_102 = arith.addi %mul3A_101, %add3A_99 : i32
          %get3A = arith.index_cast %add3A_102 : i32 to index
          %get3A_103 = tpu.vector_load %arg7[%get3A] {strides = array<i32>} : memref<10080xi32, #tpu.memory_space<vmem>>, vector<16xi32>,
          %get3A_104 = vector.shape_cast %get3A_103 : vector<16xi32> to vector<16xi32>
          %and3A = arith.constant 131071 : i32
          %and3A_105 = vector.broadcast %and3A : i32 to vector<16xi32>
          %and3A_106 = arith.andi %get3A_104, %and3A_105 : vector<16xi32>
          %add3A_107 = vector.broadcast %mul3A_4 : i32 to vector<16xi32>
          %add3A_108 = arith.addi %and3A_106, %add3A_107 : vector<16xi32>
          %swap3A = arith.index_cast %add3A_99 : i32 to index
          %swap3A_109 = tpu.vector_load %arg9[%swap3A] {strides = array<i32>} : memref<96xi32, #tpu.memory_space<vmem>>, vector<16xi32>,
          %swap3A_110 = vector.shape_cast %swap3A_109 : vector<16xi32> to vector<16xi32>
          %swap3A_111 = vector.shape_cast %add3A_108 : vector<16xi32> to vector<16xi32>
          tpu.vector_store %arg9[%swap3A], %swap3A_111 {strides = array<i32>} : memref<96xi32, #tpu.memory_space<vmem>>, vector<16xi32>,
        }
        %scan3A_91 = arith.constant 6 : i32
        %dma_start3A_92 = arith.constant 0 : i32
        %dma_start3A_93 = arith.constant 0 : i32
        %dma_start3A_94 = tpu.memref_slice %arg2[%dma_start3A_92, %dma_start3A_93] : memref<80000x128xf32, #tpu.memory_space<hbm>> -> memref<80000x128xf32, #tpu.memory_space<hbm>>
        tpu.enqueue_indirect_dma source(%dma_start3A_94 : memref<80000x128xf32, #tpu.memory_space<hbm>>) target(%arg13 : memref<96x128xf32, #tpu.memory_space<vmem>>) offsets(%arg9 : memref<96xi32, #tpu.memory_space<vmem>>) semaphore(%arg17 : memref<!tpu.dma_semaphore, #tpu.memory_space<semaphore_mem>>)
      } else {
      }
      %dma_wait3A_77 = arith.constant 0 : i32
      %dma_wait3A_78 = arith.constant 0 : i32
      %dma_wait3A_79 = tpu.memref_slice %arg2[%dma_wait3A_77, %dma_wait3A_78] : memref<80000x128xf32, #tpu.memory_space<hbm>> -> memref<80000x128xf32, #tpu.memory_space<hbm>>
      tpu.wait_indirect_dma semaphore(%arg18 : memref<!tpu.dma_semaphore, #tpu.memory_space<semaphore_mem>>) src(%dma_wait3A_79 : memref<80000x128xf32, #tpu.memory_space<hbm>>) dst(%arg14 : memref<96x128xf32, #tpu.memory_space<vmem>>)
      %scan3A_80 = arith.constant 0 : i32
      %scan3A_81 = arith.constant 6 : i32
      %scan3A_82 = arith.addi %scan3A_80, %scan3A_81 : i32
      %scan3A_83 = arith.constant 1 : i32
      scf.for %scan3A_85 = %scan3A_80 to %scan3A_82 step %scan3A_83  : i32 {
        %mul3A_86 = arith.constant 16 : i32
        %mul3A_87 = arith.muli %scan3A_85, %mul3A_86 : i32
        %add3A_88 = arith.constant 0 : i32
        %add3A_89 = arith.addi %add3A_88, %mul3A_87 : i32
        %mul3A_90 = arith.constant 96 : i32
        %mul3A_91 = arith.muli %add3A_69, %mul3A_90 : i32
        %add3A_92 = arith.addi %mul3A_91, %add3A_89 : i32
        %get3A = arith.index_cast %add3A_92 : i32 to index
        %get3A_93 = tpu.vector_load %arg7[%get3A] {strides = array<i32>} : memref<10080xi32, #tpu.memory_space<vmem>>, vector<16xi32>,
        %get3A_94 = vector.shape_cast %get3A_93 : vector<16xi32> to vector<16xi32>
        %shift_right_logical3A = arith.constant 17 : i32
        %shift_right_logical3A_95 = vector.broadcast %shift_right_logical3A : i32 to vector<16xi32>
        %shift_right_logical3A_96 = arith.shrui %get3A_94, %shift_right_logical3A_95 : vector<16xi32>
        %swap3A = arith.index_cast %add3A_89 : i32 to index
        %swap3A_97 = tpu.vector_load %arg11[%swap3A] {strides = array<i32>} : memref<96xi32, #tpu.memory_space<vmem>>, vector<16xi32>,
        %swap3A_98 = vector.shape_cast %swap3A_97 : vector<16xi32> to vector<16xi32>
        %swap3A_99 = vector.shape_cast %shift_right_logical3A_96 : vector<16xi32> to vector<16xi32>
        tpu.vector_store %arg11[%swap3A], %swap3A_99 {strides = array<i32>} : memref<96xi32, #tpu.memory_space<vmem>>, vector<16xi32>,
      }
      %scan3A_84 = arith.constant 6 : i32
      "tpu.region"() ({
        %run_scoped3A = tpu.sem_alloc : memref<!tpu.dma_semaphore, #tpu.memory_space<semaphore_mem>>
        %dma_start3A_85 = arith.constant 0 : i32
        %dma_start3A_86 = arith.constant 0 : i32
        %dma_start3A_87 = tpu.memref_slice %arg15[%dma_start3A_85, %dma_start3A_86] : memref<10112x128xf32, #tpu.memory_space<vmem_shared>> -> memref<10112x128xf32, #tpu.memory_space<vmem_shared>>
        tpu.enqueue_indirect_dma source(%arg14 : memref<96x128xf32, #tpu.memory_space<vmem>>) target(%dma_start3A_87 : memref<10112x128xf32, #tpu.memory_space<vmem_shared>>) offsets(%arg11 : memref<96xi32, #tpu.memory_space<vmem>>) semaphore(%run_scoped3A : memref<!tpu.dma_semaphore, #tpu.memory_space<semaphore_mem>>) {add = true}
        %dma_wait3A_88 = arith.constant 0 : i32
        %dma_wait3A_89 = arith.constant 0 : i32
        %dma_wait3A_90 = tpu.memref_slice %arg15[%dma_wait3A_88, %dma_wait3A_89] : memref<10112x128xf32, #tpu.memory_space<vmem_shared>> -> memref<10112x128xf32, #tpu.memory_space<vmem_shared>>
        tpu.wait_indirect_dma semaphore(%run_scoped3A : memref<!tpu.dma_semaphore, #tpu.memory_space<semaphore_mem>>) src(%arg14 : memref<96x128xf32, #tpu.memory_space<vmem>>) dst(%dma_wait3A_90 : memref<10112x128xf32, #tpu.memory_space<vmem_shared>>)
        tpu.yield
      }) : () -> ()
    }
    %scan3A_23 = arith.constant 35 : i32
    %barrier3A_24 = arith.constant 0 : index
    tpu.barrier barrier_id(%barrier3A_24)
    %eq3A = arith.constant 0 : i32
    %eq3A_25 = arith.cmpi eq, %arg0, %eq3A : i32
    %convert_element_type3A = arith.extui %eq3A_25 : i1 to i32
    %cond3A = arith.constant 0 : i32
    %cond3A_26 = arith.cmpi ne, %convert_element_type3A, %cond3A : i32
    scf.if %cond3A_26 {
      %mul3A_32 = arith.constant 632 : i32
      %mul3A_33 = arith.muli %arg1, %mul3A_32 : i32
      %mul3A_34 = arith.constant 632 : i32
      %mul3A_35 = arith.muli %arg1, %mul3A_34 : i32
      "tpu.region"() ({
        %run_scoped3A = tpu.sem_alloc : memref<!tpu.dma_semaphore, #tpu.memory_space<semaphore_mem>>
        %dma_start3A_36 = arith.constant 0 : i32
        %dma_start3A_37 = tpu.memref_slice %arg5[%mul3A_35, %dma_start3A_36] : memref<10112x128xf32, #tpu.memory_space<hbm>> -> memref<632x128xf32, #tpu.memory_space<hbm>>
        %dma_start3A_38 = arith.constant 0 : i32
        %dma_start3A_39 = tpu.memref_slice %arg15[%mul3A_33, %dma_start3A_38] : memref<10112x128xf32, #tpu.memory_space<vmem_shared>> -> memref<632x128xf32, #tpu.memory_space<vmem_shared>>
        tpu.enqueue_dma source(%dma_start3A_39 : memref<632x128xf32, #tpu.memory_space<vmem_shared>>) target(%dma_start3A_37 : memref<632x128xf32, #tpu.memory_space<hbm>>) target_semaphore(%run_scoped3A : memref<!tpu.dma_semaphore, #tpu.memory_space<semaphore_mem>>)
        %dma_wait3A = arith.constant 0 : i32
        %dma_wait3A_40 = tpu.memref_slice %arg5[%mul3A_35, %dma_wait3A] : memref<10112x128xf32, #tpu.memory_space<hbm>> -> memref<632x128xf32, #tpu.memory_space<hbm>>
        %dma_wait3A_41 = arith.constant 0 : i32
        %dma_wait3A_42 = tpu.memref_slice %arg15[%mul3A_33, %dma_wait3A_41] : memref<10112x128xf32, #tpu.memory_space<vmem_shared>> -> memref<632x128xf32, #tpu.memory_space<vmem_shared>>
        tpu.wait_dma2 semaphore(%run_scoped3A : memref<!tpu.dma_semaphore, #tpu.memory_space<semaphore_mem>>) src(%dma_wait3A_42 : memref<632x128xf32, #tpu.memory_space<vmem_shared>>) dst(%dma_wait3A_40 : memref<632x128xf32, #tpu.memory_space<hbm>>)
        tpu.yield
      }) : () -> ()
    } else {
    }
    %eq3A_27 = arith.constant 1 : i32
    %eq3A_28 = arith.cmpi eq, %arg0, %eq3A_27 : i32
    %convert_element_type3A_29 = arith.extui %eq3A_28 : i1 to i32
    %cond3A_30 = arith.constant 0 : i32
    %cond3A_31 = arith.cmpi ne, %convert_element_type3A_29, %cond3A_30 : i32
    scf.if %cond3A_31 {
      %mul3A_32 = arith.constant 632 : i32
      %mul3A_33 = arith.muli %arg1, %mul3A_32 : i32
      %mul3A_34 = arith.constant 632 : i32
      %mul3A_35 = arith.muli %arg1, %mul3A_34 : i32
      "tpu.region"() ({
        %run_scoped3A = tpu.sem_alloc : memref<!tpu.dma_semaphore, #tpu.memory_space<semaphore_mem>>
        %dma_start3A_36 = arith.constant 0 : i32
        %dma_start3A_37 = tpu.memref_slice %arg6[%mul3A_35, %dma_start3A_36] : memref<10112x128xf32, #tpu.memory_space<hbm>> -> memref<632x128xf32, #tpu.memory_space<hbm>>
        %dma_start3A_38 = arith.constant 0 : i32
        %dma_start3A_39 = tpu.memref_slice %arg15[%mul3A_33, %dma_start3A_38] : memref<10112x128xf32, #tpu.memory_space<vmem_shared>> -> memref<632x128xf32, #tpu.memory_space<vmem_shared>>
        tpu.enqueue_dma source(%dma_start3A_39 : memref<632x128xf32, #tpu.memory_space<vmem_shared>>) target(%dma_start3A_37 : memref<632x128xf32, #tpu.memory_space<hbm>>) target_semaphore(%run_scoped3A : memref<!tpu.dma_semaphore, #tpu.memory_space<semaphore_mem>>)
        %dma_wait3A = arith.constant 0 : i32
        %dma_wait3A_40 = tpu.memref_slice %arg6[%mul3A_35, %dma_wait3A] : memref<10112x128xf32, #tpu.memory_space<hbm>> -> memref<632x128xf32, #tpu.memory_space<hbm>>
        %dma_wait3A_41 = arith.constant 0 : i32
        %dma_wait3A_42 = tpu.memref_slice %arg15[%mul3A_33, %dma_wait3A_41] : memref<10112x128xf32, #tpu.memory_space<vmem_shared>> -> memref<632x128xf32, #tpu.memory_space<vmem_shared>>
        tpu.wait_dma2 semaphore(%run_scoped3A : memref<!tpu.dma_semaphore, #tpu.memory_space<semaphore_mem>>) src(%dma_wait3A_42 : memref<632x128xf32, #tpu.memory_space<vmem_shared>>) dst(%dma_wait3A_40 : memref<632x128xf32, #tpu.memory_space<hbm>>)
        tpu.yield
      }) : () -> ()
    } else {
    }
    return
  }
}

#map = affine_map<(d0, d1) -> (0, 0)>
#map1 = affine_map<(d0, d1) -> (0)>
module attributes {stable_mosaic.version = 14 : i64} {
  func.func @_sc_agg_body(%arg0: i32, %arg1: i32, %arg2: memref<80000x128xf32, #tpu.memory_space<hbm>>, %arg3: memref<161280xi32, #tpu.memory_space<hbm>>, %arg4: memref<632x128xf32, #tpu.memory_space<hbm>>, %arg5: memref<10112x128xf32, #tpu.memory_space<hbm>>, %arg6: memref<10112x128xf32, #tpu.memory_space<hbm>>, %arg7: memref<10080xi32, #tpu.memory_space<vmem>>, %arg8: memref<96xi32, #tpu.memory_space<vmem>>, %arg9: memref<96xi32, #tpu.memory_space<vmem>>, %arg10: memref<96xi32, #tpu.memory_space<vmem>>, %arg11: memref<96xi32, #tpu.memory_space<vmem>>, %arg12: memref<96x128xf32, #tpu.memory_space<vmem>>, %arg13: memref<96x128xf32, #tpu.memory_space<vmem>>, %arg14: memref<96x128xf32, #tpu.memory_space<vmem>>, %arg15: memref<10112x128xf32, #tpu.memory_space<vmem_shared>>, %arg16: memref<!tpu.dma_semaphore, #tpu.memory_space<semaphore_mem>>, %arg17: memref<!tpu.dma_semaphore, #tpu.memory_space<semaphore_mem>>, %arg18: memref<!tpu.dma_semaphore, #tpu.memory_space<semaphore_mem>>) attributes {dimension_semantics = [#tpu.dimension_semantics<core_parallel>, #tpu.dimension_semantics<subcore_parallel>], iteration_bounds = array<i64: 2, 16>, scalar_prefetch = 0 : i64, scratch_operands = 12 : i64, tpu.core_type = #tpu.core_type<sc_vector_subcore>, window_params = [{transform_indices = #map}, {transform_indices = #map1}, {transform_indices = #map}, {transform_indices = #map}, {transform_indices = #map}]} {
    %mul3A = arith.constant 632 : i32
    %mul3A_0 = arith.muli %arg1, %mul3A : i32
    "tpu.region"() ({
      %run_scoped3A = tpu.sem_alloc : memref<!tpu.dma_semaphore, #tpu.memory_space<semaphore_mem>>
      %dma_start3A_32 = arith.constant 0 : i32
      %dma_start3A_33 = tpu.memref_slice %arg15[%mul3A_0, %dma_start3A_32] : memref<10112x128xf32, #tpu.memory_space<vmem_shared>> -> memref<632x128xf32, #tpu.memory_space<vmem_shared>>
      tpu.enqueue_dma source(%arg4 : memref<632x128xf32, #tpu.memory_space<hbm>>) target(%dma_start3A_33 : memref<632x128xf32, #tpu.memory_space<vmem_shared>>) target_semaphore(%run_scoped3A : memref<!tpu.dma_semaphore, #tpu.memory_space<semaphore_mem>>)
      %dma_wait3A = arith.constant 0 : i32
      %dma_wait3A_34 = tpu.memref_slice %arg15[%mul3A_0, %dma_wait3A] : memref<10112x128xf32, #tpu.memory_space<vmem_shared>> -> memref<632x128xf32, #tpu.memory_space<vmem_shared>>
      tpu.wait_dma2 semaphore(%run_scoped3A : memref<!tpu.dma_semaphore, #tpu.memory_space<semaphore_mem>>) src(%arg4 : memref<632x128xf32, #tpu.memory_space<hbm>>) dst(%dma_wait3A_34 : memref<632x128xf32, #tpu.memory_space<vmem_shared>>)
      tpu.yield
    }) : () -> ()
    %mul3A_1 = arith.constant 10080 : i32
    %mul3A_2 = arith.muli %arg1, %mul3A_1 : i32
    "tpu.region"() ({
      %run_scoped3A = tpu.sem_alloc : memref<!tpu.dma_semaphore, #tpu.memory_space<semaphore_mem>>
      %dma_start3A_32 = tpu.memref_slice %arg3[%mul3A_2] : memref<161280xi32, #tpu.memory_space<hbm>> -> memref<10080xi32, #tpu.memory_space<hbm>>
      %dma_start3A_33 = tpu.memref_slice %arg3[%mul3A_2] : memref<161280xi32, #tpu.memory_space<hbm>> -> memref<10080xi32, #tpu.memory_space<hbm>>
      tpu.enqueue_dma source(%dma_start3A_33 : memref<10080xi32, #tpu.memory_space<hbm>>) target(%arg7 : memref<10080xi32, #tpu.memory_space<vmem>>) target_semaphore(%run_scoped3A : memref<!tpu.dma_semaphore, #tpu.memory_space<semaphore_mem>>)
      %dma_wait3A = tpu.memref_slice %arg3[%mul3A_2] : memref<161280xi32, #tpu.memory_space<hbm>> -> memref<10080xi32, #tpu.memory_space<hbm>>
      %dma_wait3A_34 = tpu.memref_slice %arg3[%mul3A_2] : memref<161280xi32, #tpu.memory_space<hbm>> -> memref<10080xi32, #tpu.memory_space<hbm>>
      tpu.wait_dma2 semaphore(%run_scoped3A : memref<!tpu.dma_semaphore, #tpu.memory_space<semaphore_mem>>) src(%dma_wait3A_34 : memref<10080xi32, #tpu.memory_space<hbm>>) dst(%arg7 : memref<10080xi32, #tpu.memory_space<vmem>>)
      tpu.yield
    }) : () -> ()
    %mul3A_3 = arith.constant 40000 : i32
    %mul3A_4 = arith.muli %arg0, %mul3A_3 : i32
    %barrier3A = arith.constant 0 : index
    tpu.barrier barrier_id(%barrier3A)
    %scan3A = arith.constant 0 : i32
    %scan3A_5 = arith.constant 6 : i32
    %scan3A_6 = arith.addi %scan3A, %scan3A_5 : i32
    %scan3A_7 = arith.constant 1 : i32
    scf.for %scan3A_32 = %scan3A to %scan3A_6 step %scan3A_7  : i32 {
      %mul3A_33 = arith.constant 16 : i32
      %mul3A_34 = arith.muli %scan3A_32, %mul3A_33 : i32
      %add3A = arith.constant 0 : i32
      %add3A_35 = arith.addi %add3A, %mul3A_34 : i32
      %add3A_36 = arith.constant 0 : i32
      %add3A_37 = arith.addi %add3A_36, %add3A_35 : i32
      %get3A = arith.index_cast %add3A_37 : i32 to index
      %get3A_38 = tpu.vector_load %arg7[%get3A] {strides = array<i32>} : memref<10080xi32, #tpu.memory_space<vmem>>, vector<16xi32>,
      %get3A_39 = vector.shape_cast %get3A_38 : vector<16xi32> to vector<16xi32>
      %and3A = arith.constant 131071 : i32
      %and3A_40 = vector.broadcast %and3A : i32 to vector<16xi32>
      %and3A_41 = arith.andi %get3A_39, %and3A_40 : vector<16xi32>
      %add3A_42 = vector.broadcast %mul3A_4 : i32 to vector<16xi32>
      %add3A_43 = arith.addi %and3A_41, %add3A_42 : vector<16xi32>
      %swap3A = arith.index_cast %add3A_35 : i32 to index
      %swap3A_44 = tpu.vector_load %arg8[%swap3A] {strides = array<i32>} : memref<96xi32, #tpu.memory_space<vmem>>, vector<16xi32>,
      %swap3A_45 = vector.shape_cast %swap3A_44 : vector<16xi32> to vector<16xi32>
      %swap3A_46 = vector.shape_cast %add3A_43 : vector<16xi32> to vector<16xi32>
      tpu.vector_store %arg8[%swap3A], %swap3A_46 {strides = array<i32>} : memref<96xi32, #tpu.memory_space<vmem>>, vector<16xi32>,
    }
    %scan3A_8 = arith.constant 6 : i32
    %dma_start3A = arith.constant 0 : i32
    %dma_start3A_9 = arith.constant 0 : i32
    %dma_start3A_10 = tpu.memref_slice %arg2[%dma_start3A, %dma_start3A_9] : memref<80000x128xf32, #tpu.memory_space<hbm>> -> memref<80000x128xf32, #tpu.memory_space<hbm>>
    tpu.enqueue_indirect_dma source(%dma_start3A_10 : memref<80000x128xf32, #tpu.memory_space<hbm>>) target(%arg12 : memref<96x128xf32, #tpu.memory_space<vmem>>) offsets(%arg8 : memref<96xi32, #tpu.memory_space<vmem>>) semaphore(%arg16 : memref<!tpu.dma_semaphore, #tpu.memory_space<semaphore_mem>>)
    %scan3A_11 = arith.constant 0 : i32
    %scan3A_12 = arith.constant 6 : i32
    %scan3A_13 = arith.addi %scan3A_11, %scan3A_12 : i32
    %scan3A_14 = arith.constant 1 : i32
    scf.for %scan3A_32 = %scan3A_11 to %scan3A_13 step %scan3A_14  : i32 {
      %mul3A_33 = arith.constant 16 : i32
      %mul3A_34 = arith.muli %scan3A_32, %mul3A_33 : i32
      %add3A = arith.constant 0 : i32
      %add3A_35 = arith.addi %add3A, %mul3A_34 : i32
      %add3A_36 = arith.constant 96 : i32
      %add3A_37 = arith.addi %add3A_36, %add3A_35 : i32
      %get3A = arith.index_cast %add3A_37 : i32 to index
      %get3A_38 = tpu.vector_load %arg7[%get3A] {strides = array<i32>} : memref<10080xi32, #tpu.memory_space<vmem>>, vector<16xi32>,
      %get3A_39 = vector.shape_cast %get3A_38 : vector<16xi32> to vector<16xi32>
      %and3A = arith.constant 131071 : i32
      %and3A_40 = vector.broadcast %and3A : i32 to vector<16xi32>
      %and3A_41 = arith.andi %get3A_39, %and3A_40 : vector<16xi32>
      %add3A_42 = vector.broadcast %mul3A_4 : i32 to vector<16xi32>
      %add3A_43 = arith.addi %and3A_41, %add3A_42 : vector<16xi32>
      %swap3A = arith.index_cast %add3A_35 : i32 to index
      %swap3A_44 = tpu.vector_load %arg9[%swap3A] {strides = array<i32>} : memref<96xi32, #tpu.memory_space<vmem>>, vector<16xi32>,
      %swap3A_45 = vector.shape_cast %swap3A_44 : vector<16xi32> to vector<16xi32>
      %swap3A_46 = vector.shape_cast %add3A_43 : vector<16xi32> to vector<16xi32>
      tpu.vector_store %arg9[%swap3A], %swap3A_46 {strides = array<i32>} : memref<96xi32, #tpu.memory_space<vmem>>, vector<16xi32>,
    }
    %scan3A_15 = arith.constant 6 : i32
    %dma_start3A_16 = arith.constant 0 : i32
    %dma_start3A_17 = arith.constant 0 : i32
    %dma_start3A_18 = tpu.memref_slice %arg2[%dma_start3A_16, %dma_start3A_17] : memref<80000x128xf32, #tpu.memory_space<hbm>> -> memref<80000x128xf32, #tpu.memory_space<hbm>>
    tpu.enqueue_indirect_dma source(%dma_start3A_18 : memref<80000x128xf32, #tpu.memory_space<hbm>>) target(%arg13 : memref<96x128xf32, #tpu.memory_space<vmem>>) offsets(%arg9 : memref<96xi32, #tpu.memory_space<vmem>>) semaphore(%arg17 : memref<!tpu.dma_semaphore, #tpu.memory_space<semaphore_mem>>)
    %scan3A_19 = arith.constant 0 : i32
    %scan3A_20 = arith.constant 35 : i32
    %scan3A_21 = arith.addi %scan3A_19, %scan3A_20 : i32
    %scan3A_22 = arith.constant 1 : i32
    scf.for %scan3A_32 = %scan3A_19 to %scan3A_21 step %scan3A_22  : i32 {
      %mul3A_33 = arith.constant 3 : i32
      %mul3A_34 = arith.muli %scan3A_32, %mul3A_33 : i32
      %add3A = arith.constant 0 : i32
      %add3A_35 = arith.addi %add3A, %mul3A_34 : i32
      %add3A_36 = arith.constant 0 : i32
      %add3A_37 = arith.addi %add3A_35, %add3A_36 : i32
      %add3A_38 = arith.constant 2 : i32
      %add3A_39 = arith.addi %add3A_37, %add3A_38 : i32
      %lt3A = arith.constant 105 : i32
      %lt3A_40 = arith.cmpi slt, %add3A_39, %lt3A : i32
      %convert_element_type3A_41 = arith.extui %lt3A_40 : i1 to i32
      %cond3A_42 = arith.constant 0 : i32
      %cond3A_43 = arith.cmpi ne, %convert_element_type3A_41, %cond3A_42 : i32
      scf.if %cond3A_43 {
        %add3A_85 = arith.constant 2 : i32
        %add3A_86 = arith.addi %add3A_37, %add3A_85 : i32
        %scan3A_87 = arith.constant 0 : i32
        %scan3A_88 = arith.constant 6 : i32
        %scan3A_89 = arith.addi %scan3A_87, %scan3A_88 : i32
        %scan3A_90 = arith.constant 1 : i32
        scf.for %scan3A_95 = %scan3A_87 to %scan3A_89 step %scan3A_90  : i32 {
          %mul3A_96 = arith.constant 16 : i32
          %mul3A_97 = arith.muli %scan3A_95, %mul3A_96 : i32
          %add3A_98 = arith.constant 0 : i32
          %add3A_99 = arith.addi %add3A_98, %mul3A_97 : i32
          %mul3A_100 = arith.constant 96 : i32
          %mul3A_101 = arith.muli %add3A_86, %mul3A_100 : i32
          %add3A_102 = arith.addi %mul3A_101, %add3A_99 : i32
          %get3A = arith.index_cast %add3A_102 : i32 to index
          %get3A_103 = tpu.vector_load %arg7[%get3A] {strides = array<i32>} : memref<10080xi32, #tpu.memory_space<vmem>>, vector<16xi32>,
          %get3A_104 = vector.shape_cast %get3A_103 : vector<16xi32> to vector<16xi32>
          %and3A = arith.constant 131071 : i32
          %and3A_105 = vector.broadcast %and3A : i32 to vector<16xi32>
          %and3A_106 = arith.andi %get3A_104, %and3A_105 : vector<16xi32>
          %add3A_107 = vector.broadcast %mul3A_4 : i32 to vector<16xi32>
          %add3A_108 = arith.addi %and3A_106, %add3A_107 : vector<16xi32>
          %swap3A = arith.index_cast %add3A_99 : i32 to index
          %swap3A_109 = tpu.vector_load %arg10[%swap3A] {strides = array<i32>} : memref<96xi32, #tpu.memory_space<vmem>>, vector<16xi32>,
          %swap3A_110 = vector.shape_cast %swap3A_109 : vector<16xi32> to vector<16xi32>
          %swap3A_111 = vector.shape_cast %add3A_108 : vector<16xi32> to vector<16xi32>
          tpu.vector_store %arg10[%swap3A], %swap3A_111 {strides = array<i32>} : memref<96xi32, #tpu.memory_space<vmem>>, vector<16xi32>,
        }
        %scan3A_91 = arith.constant 6 : i32
        %dma_start3A_92 = arith.constant 0 : i32
        %dma_start3A_93 = arith.constant 0 : i32
        %dma_start3A_94 = tpu.memref_slice %arg2[%dma_start3A_92, %dma_start3A_93] : memref<80000x128xf32, #tpu.memory_space<hbm>> -> memref<80000x128xf32, #tpu.memory_space<hbm>>
        tpu.enqueue_indirect_dma source(%dma_start3A_94 : memref<80000x128xf32, #tpu.memory_space<hbm>>) target(%arg14 : memref<96x128xf32, #tpu.memory_space<vmem>>) offsets(%arg10 : memref<96xi32, #tpu.memory_space<vmem>>) semaphore(%arg18 : memref<!tpu.dma_semaphore, #tpu.memory_space<semaphore_mem>>)
      } else {
      }
      %dma_wait3A = arith.constant 0 : i32
      %dma_wait3A_44 = arith.constant 0 : i32
      %dma_wait3A_45 = tpu.memref_slice %arg2[%dma_wait3A, %dma_wait3A_44] : memref<80000x128xf32, #tpu.memory_space<hbm>> -> memref<80000x128xf32, #tpu.memory_space<hbm>>
      tpu.wait_indirect_dma semaphore(%arg16 : memref<!tpu.dma_semaphore, #tpu.memory_space<semaphore_mem>>) src(%dma_wait3A_45 : memref<80000x128xf32, #tpu.memory_space<hbm>>) dst(%arg12 : memref<96x128xf32, #tpu.memory_space<vmem>>)
      %scan3A_46 = arith.constant 0 : i32
      %scan3A_47 = arith.constant 6 : i32
      %scan3A_48 = arith.addi %scan3A_46, %scan3A_47 : i32
      %scan3A_49 = arith.constant 1 : i32
      scf.for %scan3A_85 = %scan3A_46 to %scan3A_48 step %scan3A_49  : i32 {
        %mul3A_86 = arith.constant 16 : i32
        %mul3A_87 = arith.muli %scan3A_85, %mul3A_86 : i32
        %add3A_88 = arith.constant 0 : i32
        %add3A_89 = arith.addi %add3A_88, %mul3A_87 : i32
        %mul3A_90 = arith.constant 96 : i32
        %mul3A_91 = arith.muli %add3A_37, %mul3A_90 : i32
        %add3A_92 = arith.addi %mul3A_91, %add3A_89 : i32
        %get3A = arith.index_cast %add3A_92 : i32 to index
        %get3A_93 = tpu.vector_load %arg7[%get3A] {strides = array<i32>} : memref<10080xi32, #tpu.memory_space<vmem>>, vector<16xi32>,
        %get3A_94 = vector.shape_cast %get3A_93 : vector<16xi32> to vector<16xi32>
        %shift_right_logical3A = arith.constant 17 : i32
        %shift_right_logical3A_95 = vector.broadcast %shift_right_logical3A : i32 to vector<16xi32>
        %shift_right_logical3A_96 = arith.shrui %get3A_94, %shift_right_logical3A_95 : vector<16xi32>
        %swap3A = arith.index_cast %add3A_89 : i32 to index
        %swap3A_97 = tpu.vector_load %arg11[%swap3A] {strides = array<i32>} : memref<96xi32, #tpu.memory_space<vmem>>, vector<16xi32>,
        %swap3A_98 = vector.shape_cast %swap3A_97 : vector<16xi32> to vector<16xi32>
        %swap3A_99 = vector.shape_cast %shift_right_logical3A_96 : vector<16xi32> to vector<16xi32>
        tpu.vector_store %arg11[%swap3A], %swap3A_99 {strides = array<i32>} : memref<96xi32, #tpu.memory_space<vmem>>, vector<16xi32>,
      }
      %scan3A_50 = arith.constant 6 : i32
      "tpu.region"() ({
        %run_scoped3A = tpu.sem_alloc : memref<!tpu.dma_semaphore, #tpu.memory_space<semaphore_mem>>
        %dma_start3A_85 = arith.constant 0 : i32
        %dma_start3A_86 = arith.constant 0 : i32
        %dma_start3A_87 = tpu.memref_slice %arg15[%dma_start3A_85, %dma_start3A_86] : memref<10112x128xf32, #tpu.memory_space<vmem_shared>> -> memref<10112x128xf32, #tpu.memory_space<vmem_shared>>
        tpu.enqueue_indirect_dma source(%arg12 : memref<96x128xf32, #tpu.memory_space<vmem>>) target(%dma_start3A_87 : memref<10112x128xf32, #tpu.memory_space<vmem_shared>>) offsets(%arg11 : memref<96xi32, #tpu.memory_space<vmem>>) semaphore(%run_scoped3A : memref<!tpu.dma_semaphore, #tpu.memory_space<semaphore_mem>>) {add = true}
        %dma_wait3A_88 = arith.constant 0 : i32
        %dma_wait3A_89 = arith.constant 0 : i32
        %dma_wait3A_90 = tpu.memref_slice %arg15[%dma_wait3A_88, %dma_wait3A_89] : memref<10112x128xf32, #tpu.memory_space<vmem_shared>> -> memref<10112x128xf32, #tpu.memory_space<vmem_shared>>
        tpu.wait_indirect_dma semaphore(%run_scoped3A : memref<!tpu.dma_semaphore, #tpu.memory_space<semaphore_mem>>) src(%arg12 : memref<96x128xf32, #tpu.memory_space<vmem>>) dst(%dma_wait3A_90 : memref<10112x128xf32, #tpu.memory_space<vmem_shared>>)
        tpu.yield
      }) : () -> ()
      %add3A_51 = arith.constant 1 : i32
      %add3A_52 = arith.addi %add3A_35, %add3A_51 : i32
      %add3A_53 = arith.constant 2 : i32
      %add3A_54 = arith.addi %add3A_52, %add3A_53 : i32
      %lt3A_55 = arith.constant 105 : i32
      %lt3A_56 = arith.cmpi slt, %add3A_54, %lt3A_55 : i32
      %convert_element_type3A_57 = arith.extui %lt3A_56 : i1 to i32
      %cond3A_58 = arith.constant 0 : i32
      %cond3A_59 = arith.cmpi ne, %convert_element_type3A_57, %cond3A_58 : i32
      scf.if %cond3A_59 {
        %add3A_85 = arith.constant 2 : i32
        %add3A_86 = arith.addi %add3A_52, %add3A_85 : i32
        %scan3A_87 = arith.constant 0 : i32
        %scan3A_88 = arith.constant 6 : i32
        %scan3A_89 = arith.addi %scan3A_87, %scan3A_88 : i32
        %scan3A_90 = arith.constant 1 : i32
        scf.for %scan3A_95 = %scan3A_87 to %scan3A_89 step %scan3A_90  : i32 {
          %mul3A_96 = arith.constant 16 : i32
          %mul3A_97 = arith.muli %scan3A_95, %mul3A_96 : i32
          %add3A_98 = arith.constant 0 : i32
          %add3A_99 = arith.addi %add3A_98, %mul3A_97 : i32
          %mul3A_100 = arith.constant 96 : i32
          %mul3A_101 = arith.muli %add3A_86, %mul3A_100 : i32
          %add3A_102 = arith.addi %mul3A_101, %add3A_99 : i32
          %get3A = arith.index_cast %add3A_102 : i32 to index
          %get3A_103 = tpu.vector_load %arg7[%get3A] {strides = array<i32>} : memref<10080xi32, #tpu.memory_space<vmem>>, vector<16xi32>,
          %get3A_104 = vector.shape_cast %get3A_103 : vector<16xi32> to vector<16xi32>
          %and3A = arith.constant 131071 : i32
          %and3A_105 = vector.broadcast %and3A : i32 to vector<16xi32>
          %and3A_106 = arith.andi %get3A_104, %and3A_105 : vector<16xi32>
          %add3A_107 = vector.broadcast %mul3A_4 : i32 to vector<16xi32>
          %add3A_108 = arith.addi %and3A_106, %add3A_107 : vector<16xi32>
          %swap3A = arith.index_cast %add3A_99 : i32 to index
          %swap3A_109 = tpu.vector_load %arg8[%swap3A] {strides = array<i32>} : memref<96xi32, #tpu.memory_space<vmem>>, vector<16xi32>,
          %swap3A_110 = vector.shape_cast %swap3A_109 : vector<16xi32> to vector<16xi32>
          %swap3A_111 = vector.shape_cast %add3A_108 : vector<16xi32> to vector<16xi32>
          tpu.vector_store %arg8[%swap3A], %swap3A_111 {strides = array<i32>} : memref<96xi32, #tpu.memory_space<vmem>>, vector<16xi32>,
        }
        %scan3A_91 = arith.constant 6 : i32
        %dma_start3A_92 = arith.constant 0 : i32
        %dma_start3A_93 = arith.constant 0 : i32
        %dma_start3A_94 = tpu.memref_slice %arg2[%dma_start3A_92, %dma_start3A_93] : memref<80000x128xf32, #tpu.memory_space<hbm>> -> memref<80000x128xf32, #tpu.memory_space<hbm>>
        tpu.enqueue_indirect_dma source(%dma_start3A_94 : memref<80000x128xf32, #tpu.memory_space<hbm>>) target(%arg12 : memref<96x128xf32, #tpu.memory_space<vmem>>) offsets(%arg8 : memref<96xi32, #tpu.memory_space<vmem>>) semaphore(%arg16 : memref<!tpu.dma_semaphore, #tpu.memory_space<semaphore_mem>>)
      } else {
      }
      %dma_wait3A_60 = arith.constant 0 : i32
      %dma_wait3A_61 = arith.constant 0 : i32
      %dma_wait3A_62 = tpu.memref_slice %arg2[%dma_wait3A_60, %dma_wait3A_61] : memref<80000x128xf32, #tpu.memory_space<hbm>> -> memref<80000x128xf32, #tpu.memory_space<hbm>>
      tpu.wait_indirect_dma semaphore(%arg17 : memref<!tpu.dma_semaphore, #tpu.memory_space<semaphore_mem>>) src(%dma_wait3A_62 : memref<80000x128xf32, #tpu.memory_space<hbm>>) dst(%arg13 : memref<96x128xf32, #tpu.memory_space<vmem>>)
      %scan3A_63 = arith.constant 0 : i32
      %scan3A_64 = arith.constant 6 : i32
      %scan3A_65 = arith.addi %scan3A_63, %scan3A_64 : i32
      %scan3A_66 = arith.constant 1 : i32
      scf.for %scan3A_85 = %scan3A_63 to %scan3A_65 step %scan3A_66  : i32 {
        %mul3A_86 = arith.constant 16 : i32
        %mul3A_87 = arith.muli %scan3A_85, %mul3A_86 : i32
        %add3A_88 = arith.constant 0 : i32
        %add3A_89 = arith.addi %add3A_88, %mul3A_87 : i32
        %mul3A_90 = arith.constant 96 : i32
        %mul3A_91 = arith.muli %add3A_52, %mul3A_90 : i32
        %add3A_92 = arith.addi %mul3A_91, %add3A_89 : i32
        %get3A = arith.index_cast %add3A_92 : i32 to index
        %get3A_93 = tpu.vector_load %arg7[%get3A] {strides = array<i32>} : memref<10080xi32, #tpu.memory_space<vmem>>, vector<16xi32>,
        %get3A_94 = vector.shape_cast %get3A_93 : vector<16xi32> to vector<16xi32>
        %shift_right_logical3A = arith.constant 17 : i32
        %shift_right_logical3A_95 = vector.broadcast %shift_right_logical3A : i32 to vector<16xi32>
        %shift_right_logical3A_96 = arith.shrui %get3A_94, %shift_right_logical3A_95 : vector<16xi32>
        %swap3A = arith.index_cast %add3A_89 : i32 to index
        %swap3A_97 = tpu.vector_load %arg11[%swap3A] {strides = array<i32>} : memref<96xi32, #tpu.memory_space<vmem>>, vector<16xi32>,
        %swap3A_98 = vector.shape_cast %swap3A_97 : vector<16xi32> to vector<16xi32>
        %swap3A_99 = vector.shape_cast %shift_right_logical3A_96 : vector<16xi32> to vector<16xi32>
        tpu.vector_store %arg11[%swap3A], %swap3A_99 {strides = array<i32>} : memref<96xi32, #tpu.memory_space<vmem>>, vector<16xi32>,
      }
      %scan3A_67 = arith.constant 6 : i32
      "tpu.region"() ({
        %run_scoped3A = tpu.sem_alloc : memref<!tpu.dma_semaphore, #tpu.memory_space<semaphore_mem>>
        %dma_start3A_85 = arith.constant 0 : i32
        %dma_start3A_86 = arith.constant 0 : i32
        %dma_start3A_87 = tpu.memref_slice %arg15[%dma_start3A_85, %dma_start3A_86] : memref<10112x128xf32, #tpu.memory_space<vmem_shared>> -> memref<10112x128xf32, #tpu.memory_space<vmem_shared>>
        tpu.enqueue_indirect_dma source(%arg13 : memref<96x128xf32, #tpu.memory_space<vmem>>) target(%dma_start3A_87 : memref<10112x128xf32, #tpu.memory_space<vmem_shared>>) offsets(%arg11 : memref<96xi32, #tpu.memory_space<vmem>>) semaphore(%run_scoped3A : memref<!tpu.dma_semaphore, #tpu.memory_space<semaphore_mem>>) {add = true}
        %dma_wait3A_88 = arith.constant 0 : i32
        %dma_wait3A_89 = arith.constant 0 : i32
        %dma_wait3A_90 = tpu.memref_slice %arg15[%dma_wait3A_88, %dma_wait3A_89] : memref<10112x128xf32, #tpu.memory_space<vmem_shared>> -> memref<10112x128xf32, #tpu.memory_space<vmem_shared>>
        tpu.wait_indirect_dma semaphore(%run_scoped3A : memref<!tpu.dma_semaphore, #tpu.memory_space<semaphore_mem>>) src(%arg13 : memref<96x128xf32, #tpu.memory_space<vmem>>) dst(%dma_wait3A_90 : memref<10112x128xf32, #tpu.memory_space<vmem_shared>>)
        tpu.yield
      }) : () -> ()
      %add3A_68 = arith.constant 2 : i32
      %add3A_69 = arith.addi %add3A_35, %add3A_68 : i32
      %add3A_70 = arith.constant 2 : i32
      %add3A_71 = arith.addi %add3A_69, %add3A_70 : i32
      %lt3A_72 = arith.constant 105 : i32
      %lt3A_73 = arith.cmpi slt, %add3A_71, %lt3A_72 : i32
      %convert_element_type3A_74 = arith.extui %lt3A_73 : i1 to i32
      %cond3A_75 = arith.constant 0 : i32
      %cond3A_76 = arith.cmpi ne, %convert_element_type3A_74, %cond3A_75 : i32
      scf.if %cond3A_76 {
        %add3A_85 = arith.constant 2 : i32
        %add3A_86 = arith.addi %add3A_69, %add3A_85 : i32
        %scan3A_87 = arith.constant 0 : i32
        %scan3A_88 = arith.constant 6 : i32
        %scan3A_89 = arith.addi %scan3A_87, %scan3A_88 : i32
        %scan3A_90 = arith.constant 1 : i32
        scf.for %scan3A_95 = %scan3A_87 to %scan3A_89 step %scan3A_90  : i32 {
          %mul3A_96 = arith.constant 16 : i32
          %mul3A_97 = arith.muli %scan3A_95, %mul3A_96 : i32
          %add3A_98 = arith.constant 0 : i32
          %add3A_99 = arith.addi %add3A_98, %mul3A_97 : i32
          %mul3A_100 = arith.constant 96 : i32
          %mul3A_101 = arith.muli %add3A_86, %mul3A_100 : i32
          %add3A_102 = arith.addi %mul3A_101, %add3A_99 : i32
          %get3A = arith.index_cast %add3A_102 : i32 to index
          %get3A_103 = tpu.vector_load %arg7[%get3A] {strides = array<i32>} : memref<10080xi32, #tpu.memory_space<vmem>>, vector<16xi32>,
          %get3A_104 = vector.shape_cast %get3A_103 : vector<16xi32> to vector<16xi32>
          %and3A = arith.constant 131071 : i32
          %and3A_105 = vector.broadcast %and3A : i32 to vector<16xi32>
          %and3A_106 = arith.andi %get3A_104, %and3A_105 : vector<16xi32>
          %add3A_107 = vector.broadcast %mul3A_4 : i32 to vector<16xi32>
          %add3A_108 = arith.addi %and3A_106, %add3A_107 : vector<16xi32>
          %swap3A = arith.index_cast %add3A_99 : i32 to index
          %swap3A_109 = tpu.vector_load %arg9[%swap3A] {strides = array<i32>} : memref<96xi32, #tpu.memory_space<vmem>>, vector<16xi32>,
          %swap3A_110 = vector.shape_cast %swap3A_109 : vector<16xi32> to vector<16xi32>
          %swap3A_111 = vector.shape_cast %add3A_108 : vector<16xi32> to vector<16xi32>
          tpu.vector_store %arg9[%swap3A], %swap3A_111 {strides = array<i32>} : memref<96xi32, #tpu.memory_space<vmem>>, vector<16xi32>,
        }
        %scan3A_91 = arith.constant 6 : i32
        %dma_start3A_92 = arith.constant 0 : i32
        %dma_start3A_93 = arith.constant 0 : i32
        %dma_start3A_94 = tpu.memref_slice %arg2[%dma_start3A_92, %dma_start3A_93] : memref<80000x128xf32, #tpu.memory_space<hbm>> -> memref<80000x128xf32, #tpu.memory_space<hbm>>
        tpu.enqueue_indirect_dma source(%dma_start3A_94 : memref<80000x128xf32, #tpu.memory_space<hbm>>) target(%arg13 : memref<96x128xf32, #tpu.memory_space<vmem>>) offsets(%arg9 : memref<96xi32, #tpu.memory_space<vmem>>) semaphore(%arg17 : memref<!tpu.dma_semaphore, #tpu.memory_space<semaphore_mem>>)
      } else {
      }
      %dma_wait3A_77 = arith.constant 0 : i32
      %dma_wait3A_78 = arith.constant 0 : i32
      %dma_wait3A_79 = tpu.memref_slice %arg2[%dma_wait3A_77, %dma_wait3A_78] : memref<80000x128xf32, #tpu.memory_space<hbm>> -> memref<80000x128xf32, #tpu.memory_space<hbm>>
      tpu.wait_indirect_dma semaphore(%arg18 : memref<!tpu.dma_semaphore, #tpu.memory_space<semaphore_mem>>) src(%dma_wait3A_79 : memref<80000x128xf32, #tpu.memory_space<hbm>>) dst(%arg14 : memref<96x128xf32, #tpu.memory_space<vmem>>)
      %scan3A_80 = arith.constant 0 : i32
      %scan3A_81 = arith.constant 6 : i32
      %scan3A_82 = arith.addi %scan3A_80, %scan3A_81 : i32
      %scan3A_83 = arith.constant 1 : i32
      scf.for %scan3A_85 = %scan3A_80 to %scan3A_82 step %scan3A_83  : i32 {
        %mul3A_86 = arith.constant 16 : i32
        %mul3A_87 = arith.muli %scan3A_85, %mul3A_86 : i32
        %add3A_88 = arith.constant 0 : i32
        %add3A_89 = arith.addi %add3A_88, %mul3A_87 : i32
        %mul3A_90 = arith.constant 96 : i32
        %mul3A_91 = arith.muli %add3A_69, %mul3A_90 : i32
        %add3A_92 = arith.addi %mul3A_91, %add3A_89 : i32
        %get3A = arith.index_cast %add3A_92 : i32 to index
        %get3A_93 = tpu.vector_load %arg7[%get3A] {strides = array<i32>} : memref<10080xi32, #tpu.memory_space<vmem>>, vector<16xi32>,
        %get3A_94 = vector.shape_cast %get3A_93 : vector<16xi32> to vector<16xi32>
        %shift_right_logical3A = arith.constant 17 : i32
        %shift_right_logical3A_95 = vector.broadcast %shift_right_logical3A : i32 to vector<16xi32>
        %shift_right_logical3A_96 = arith.shrui %get3A_94, %shift_right_logical3A_95 : vector<16xi32>
        %swap3A = arith.index_cast %add3A_89 : i32 to index
        %swap3A_97 = tpu.vector_load %arg11[%swap3A] {strides = array<i32>} : memref<96xi32, #tpu.memory_space<vmem>>, vector<16xi32>,
        %swap3A_98 = vector.shape_cast %swap3A_97 : vector<16xi32> to vector<16xi32>
        %swap3A_99 = vector.shape_cast %shift_right_logical3A_96 : vector<16xi32> to vector<16xi32>
        tpu.vector_store %arg11[%swap3A], %swap3A_99 {strides = array<i32>} : memref<96xi32, #tpu.memory_space<vmem>>, vector<16xi32>,
      }
      %scan3A_84 = arith.constant 6 : i32
      "tpu.region"() ({
        %run_scoped3A = tpu.sem_alloc : memref<!tpu.dma_semaphore, #tpu.memory_space<semaphore_mem>>
        %dma_start3A_85 = arith.constant 0 : i32
        %dma_start3A_86 = arith.constant 0 : i32
        %dma_start3A_87 = tpu.memref_slice %arg15[%dma_start3A_85, %dma_start3A_86] : memref<10112x128xf32, #tpu.memory_space<vmem_shared>> -> memref<10112x128xf32, #tpu.memory_space<vmem_shared>>
        tpu.enqueue_indirect_dma source(%arg14 : memref<96x128xf32, #tpu.memory_space<vmem>>) target(%dma_start3A_87 : memref<10112x128xf32, #tpu.memory_space<vmem_shared>>) offsets(%arg11 : memref<96xi32, #tpu.memory_space<vmem>>) semaphore(%run_scoped3A : memref<!tpu.dma_semaphore, #tpu.memory_space<semaphore_mem>>) {add = true}
        %dma_wait3A_88 = arith.constant 0 : i32
        %dma_wait3A_89 = arith.constant 0 : i32
        %dma_wait3A_90 = tpu.memref_slice %arg15[%dma_wait3A_88, %dma_wait3A_89] : memref<10112x128xf32, #tpu.memory_space<vmem_shared>> -> memref<10112x128xf32, #tpu.memory_space<vmem_shared>>
        tpu.wait_indirect_dma semaphore(%run_scoped3A : memref<!tpu.dma_semaphore, #tpu.memory_space<semaphore_mem>>) src(%arg14 : memref<96x128xf32, #tpu.memory_space<vmem>>) dst(%dma_wait3A_90 : memref<10112x128xf32, #tpu.memory_space<vmem_shared>>)
        tpu.yield
      }) : () -> ()
    }
    %scan3A_23 = arith.constant 35 : i32
    %barrier3A_24 = arith.constant 0 : index
    tpu.barrier barrier_id(%barrier3A_24)
    %eq3A = arith.constant 0 : i32
    %eq3A_25 = arith.cmpi eq, %arg0, %eq3A : i32
    %convert_element_type3A = arith.extui %eq3A_25 : i1 to i32
    %cond3A = arith.constant 0 : i32
    %cond3A_26 = arith.cmpi ne, %convert_element_type3A, %cond3A : i32
    scf.if %cond3A_26 {
      %mul3A_32 = arith.constant 632 : i32
      %mul3A_33 = arith.muli %arg1, %mul3A_32 : i32
      %mul3A_34 = arith.constant 632 : i32
      %mul3A_35 = arith.muli %arg1, %mul3A_34 : i32
      "tpu.region"() ({
        %run_scoped3A = tpu.sem_alloc : memref<!tpu.dma_semaphore, #tpu.memory_space<semaphore_mem>>
        %dma_start3A_36 = arith.constant 0 : i32
        %dma_start3A_37 = tpu.memref_slice %arg5[%mul3A_35, %dma_start3A_36] : memref<10112x128xf32, #tpu.memory_space<hbm>> -> memref<632x128xf32, #tpu.memory_space<hbm>>
        %dma_start3A_38 = arith.constant 0 : i32
        %dma_start3A_39 = tpu.memref_slice %arg15[%mul3A_33, %dma_start3A_38] : memref<10112x128xf32, #tpu.memory_space<vmem_shared>> -> memref<632x128xf32, #tpu.memory_space<vmem_shared>>
        tpu.enqueue_dma source(%dma_start3A_39 : memref<632x128xf32, #tpu.memory_space<vmem_shared>>) target(%dma_start3A_37 : memref<632x128xf32, #tpu.memory_space<hbm>>) target_semaphore(%run_scoped3A : memref<!tpu.dma_semaphore, #tpu.memory_space<semaphore_mem>>)
        %dma_wait3A = arith.constant 0 : i32
        %dma_wait3A_40 = tpu.memref_slice %arg5[%mul3A_35, %dma_wait3A] : memref<10112x128xf32, #tpu.memory_space<hbm>> -> memref<632x128xf32, #tpu.memory_space<hbm>>
        %dma_wait3A_41 = arith.constant 0 : i32
        %dma_wait3A_42 = tpu.memref_slice %arg15[%mul3A_33, %dma_wait3A_41] : memref<10112x128xf32, #tpu.memory_space<vmem_shared>> -> memref<632x128xf32, #tpu.memory_space<vmem_shared>>
        tpu.wait_dma2 semaphore(%run_scoped3A : memref<!tpu.dma_semaphore, #tpu.memory_space<semaphore_mem>>) src(%dma_wait3A_42 : memref<632x128xf32, #tpu.memory_space<vmem_shared>>) dst(%dma_wait3A_40 : memref<632x128xf32, #tpu.memory_space<hbm>>)
        tpu.yield
      }) : () -> ()
    } else {
    }
    %eq3A_27 = arith.constant 1 : i32
    %eq3A_28 = arith.cmpi eq, %arg0, %eq3A_27 : i32
    %convert_element_type3A_29 = arith.extui %eq3A_28 : i1 to i32
    %cond3A_30 = arith.constant 0 : i32
    %cond3A_31 = arith.cmpi ne, %convert_element_type3A_29, %cond3A_30 : i32
    scf.if %cond3A_31 {
      %mul3A_32 = arith.constant 632 : i32
      %mul3A_33 = arith.muli %arg1, %mul3A_32 : i32
      %mul3A_34 = arith.constant 632 : i32
      %mul3A_35 = arith.muli %arg1, %mul3A_34 : i32
      "tpu.region"() ({
        %run_scoped3A = tpu.sem_alloc : memref<!tpu.dma_semaphore, #tpu.memory_space<semaphore_mem>>
        %dma_start3A_36 = arith.constant 0 : i32
        %dma_start3A_37 = tpu.memref_slice %arg6[%mul3A_35, %dma_start3A_36] : memref<10112x128xf32, #tpu.memory_space<hbm>> -> memref<632x128xf32, #tpu.memory_space<hbm>>
        %dma_start3A_38 = arith.constant 0 : i32
        %dma_start3A_39 = tpu.memref_slice %arg15[%mul3A_33, %dma_start3A_38] : memref<10112x128xf32, #tpu.memory_space<vmem_shared>> -> memref<632x128xf32, #tpu.memory_space<vmem_shared>>
        tpu.enqueue_dma source(%dma_start3A_39 : memref<632x128xf32, #tpu.memory_space<vmem_shared>>) target(%dma_start3A_37 : memref<632x128xf32, #tpu.memory_space<hbm>>) target_semaphore(%run_scoped3A : memref<!tpu.dma_semaphore, #tpu.memory_space<semaphore_mem>>)
        %dma_wait3A = arith.constant 0 : i32
        %dma_wait3A_40 = tpu.memref_slice %arg6[%mul3A_35, %dma_wait3A] : memref<10112x128xf32, #tpu.memory_space<hbm>> -> memref<632x128xf32, #tpu.memory_space<hbm>>
        %dma_wait3A_41 = arith.constant 0 : i32
        %dma_wait3A_42 = tpu.memref_slice %arg15[%mul3A_33, %dma_wait3A_41] : memref<10112x128xf32, #tpu.memory_space<vmem_shared>> -> memref<632x128xf32, #tpu.memory_space<vmem_shared>>
        tpu.wait_dma2 semaphore(%run_scoped3A : memref<!tpu.dma_semaphore, #tpu.memory_space<semaphore_mem>>) src(%dma_wait3A_42 : memref<632x128xf32, #tpu.memory_space<vmem_shared>>) dst(%dma_wait3A_40 : memref<632x128xf32, #tpu.memory_space<hbm>>)
        tpu.yield
      }) : () -> ()
    } else {
    }
    return
  }
}

module attributes {stable_mosaic.version = 14 : i64} {
  func.func @_initproj_body(%arg0: i32, %arg1: i32, %arg2: i32, %arg3: memref<2000x256xf32, #tpu.memory_space<vmem>>, %arg4: memref<256x256xf32, #tpu.memory_space<vmem>>, %arg5: memref<1x256xf32, #tpu.memory_space<vmem>>, %arg6: memref<1x128x256xf32, #tpu.memory_space<vmem>>, %arg7: memref<8x128xf32, #tpu.memory_space<vmem>>, %arg8: memref<2000x128xf32, #tpu.memory_space<vmem>>, %arg9: memref<2000x256xf32, #tpu.memory_space<vmem>>, %arg10: memref<2000x256xf32, #tpu.memory_space<vmem>>) attributes {dimension_semantics = [#tpu.dimension_semantics<arbitrary>, #tpu.dimension_semantics<arbitrary>, #tpu.dimension_semantics<arbitrary>], iteration_bounds = array<i64: 5, 4, 2>, scalar_prefetch = 0 : i64, scratch_operands = 1 : i64, tpu.core_type = #tpu.core_type<tc>, window_params = [{transform_indices = @transform_0, window_bounds = array<i64: 2000, 256>}, {pipeline_mode = #tpu.pipeline_mode<synchronous>, transform_indices = @transform_1, window_bounds = array<i64: 256, 256>}, {pipeline_mode = #tpu.pipeline_mode<synchronous>, transform_indices = @transform_2, window_bounds = array<i64: 1, 256>}, {transform_indices = @transform_3, window_bounds = array<i64: 1, 128, 256>}, {pipeline_mode = #tpu.pipeline_mode<synchronous>, transform_indices = @transform_4, window_bounds = array<i64: 8, 128>}, {transform_indices = @transform_5, window_bounds = array<i64: 2000, 128>}, {transform_indices = @transform_6, window_bounds = array<i64: 2000, 256>}]} {
    %eq3A = arith.constant 0 : i32
    %eq3A_0 = arith.cmpi eq, %arg1, %eq3A : i32
    %eq3A_1 = arith.constant 0 : i32
    %eq3A_2 = arith.cmpi eq, %arg2, %eq3A_1 : i32
    %and3A = arith.andi %eq3A_0, %eq3A_2 : i1
    %convert_element_type3A = arith.extui %and3A : i1 to i32
    %cond3A = arith.constant 0 : i32
    %cond3A_3 = arith.cmpi ne, %convert_element_type3A, %cond3A : i32
    scf.if %cond3A_3 {
      %get3A_24 = arith.constant 0 : index
      %get3A_25 = arith.constant 0 : index
      %get3A_26 = vector.load %arg3[%get3A_24, %get3A_25] : memref<2000x256xf32, #tpu.memory_space<vmem>>, vector<2000x256xf32>
      %get3A_27 = arith.constant 0 : index
      %get3A_28 = arith.constant 0 : index
      %get3A_29 = vector.load %arg4[%get3A_27, %get3A_28] : memref<256x256xf32, #tpu.memory_space<vmem>>, vector<256x256xf32>
      %dot_general3A_30 = arith.constant dense<0.000000e+00> : vector<2000x256xf32>
      %dot_general3A_31 = tpu.matmul %get3A_26, %get3A_29, %dot_general3A_30 {dimension_numbers = #tpu.dot_dimension_numbers<[1], [1], [0], [0], [0, 0, 1, 0], [], []>, transpose_lhs_hint = false} : vector<2000x256xf32>, vector<256x256xf32>, vector<2000x256xf32> -> vector<2000x256xf32>
      %get3A_32 = arith.constant 0 : index
      %get3A_33 = arith.constant 0 : index
      %get3A_34 = vector.load %arg5[%get3A_32, %get3A_33] : memref<1x256xf32, #tpu.memory_space<vmem>>, vector<1x256xf32>
      %add3A_35 = vector.broadcast %get3A_34 : vector<1x256xf32> to vector<2000x256xf32>
      %add3A_36 = arith.addf %dot_general3A_31, %add3A_35 : vector<2000x256xf32>
      %swap3A_37 = arith.constant 0 : index
      %swap3A_38 = arith.constant 0 : index
      %swap3A_39 = vector.load %arg10[%swap3A_37, %swap3A_38] : memref<2000x256xf32, #tpu.memory_space<vmem>>, vector<2000x256xf32>
      tpu.vector_store %arg10[%swap3A_37, %swap3A_38], %add3A_36 {strides = array<i32>} : memref<2000x256xf32, #tpu.memory_space<vmem>>, vector<2000x256xf32>,
      %swap3A_40 = arith.constant 0 : index
      %swap3A_41 = arith.constant 0 : index
      %swap3A_42 = vector.load %arg9[%swap3A_40, %swap3A_41] : memref<2000x256xf32, #tpu.memory_space<vmem>>, vector<2000x256xf32>
      tpu.vector_store %arg9[%swap3A_40, %swap3A_41], %add3A_36 {strides = array<i32>} : memref<2000x256xf32, #tpu.memory_space<vmem>>, vector<2000x256xf32>,
    } else {
    }
    %get3A = arith.constant 0 : index
    %get3A_4 = arith.constant 0 : index
    %get3A_5 = vector.load %arg10[%get3A, %get3A_4] : memref<2000x256xf32, #tpu.memory_space<vmem>>, vector<2000x256xf32>
    %get3A_6 = arith.constant 0 : index
    %get3A_7 = arith.constant 0 : index
    %get3A_8 = arith.constant 0 : index
    %get3A_9 = vector.load %arg6[%get3A_6, %get3A_7, %get3A_8] : memref<1x128x256xf32, #tpu.memory_space<vmem>>, vector<1x128x256xf32>
    %get3A_10 = vector.shape_cast %get3A_9 : vector<1x128x256xf32> to vector<128x256xf32>
    %dot_general3A = arith.constant dense<0.000000e+00> : vector<2000x128xf32>
    %dot_general3A_11 = tpu.matmul %get3A_5, %get3A_10, %dot_general3A {dimension_numbers = #tpu.dot_dimension_numbers<[1], [1], [0], [0], [0, 0, 1, 0], [], []>, transpose_lhs_hint = false} : vector<2000x256xf32>, vector<128x256xf32>, vector<2000x128xf32> -> vector<2000x128xf32>
    %iota3A = tpu.iota {dimensions = array<i32: 0>} : vector<8x128xi32>
    %mul3A = arith.constant 2 : i32
    %mul3A_12 = arith.muli %arg1, %mul3A : i32
    %add3A = arith.addi %mul3A_12, %arg2 : i32
    %eq3A_13 = vector.broadcast %add3A : i32 to vector<8x128xi32>
    %eq3A_14 = arith.cmpi eq, %iota3A, %eq3A_13 : vector<8x128xi32>
    %get3A_15 = arith.constant 0 : index
    %get3A_16 = arith.constant 0 : index
    %get3A_17 = vector.load %arg7[%get3A_15, %get3A_16] : memref<8x128xf32, #tpu.memory_space<vmem>>, vector<8x128xf32>
    %jit3A = arith.constant 0.000000e+00 : f32
    %broadcast_in_dim3A = vector.broadcast %jit3A : f32 to vector<8x128xf32>
    %select_n3A = arith.select %eq3A_14, %get3A_17, %broadcast_in_dim3A : vector<8x128xi1>, vector<8x128xf32>
    %reduce_sum3A = arith.constant dense<0.000000e+00> : vector<128xf32>
    %reduce_sum3A_18 = vector.multi_reduction <add>, %select_n3A, %reduce_sum3A [0] : vector<8x128xf32> to vector<128xf32>
    %broadcast_in_dim3A_19 = vector.shape_cast %reduce_sum3A_18 : vector<128xf32> to vector<1x128xf32>
    %add3A_20 = vector.broadcast %broadcast_in_dim3A_19 : vector<1x128xf32> to vector<2000x128xf32>
    %add3A_21 = arith.addf %dot_general3A_11, %add3A_20 : vector<2000x128xf32>
    %swap3A = arith.constant 0 : index
    %swap3A_22 = arith.constant 0 : index
    %swap3A_23 = vector.load %arg8[%swap3A, %swap3A_22] : memref<2000x128xf32, #tpu.memory_space<vmem>>, vector<2000x128xf32>
    tpu.vector_store %arg8[%swap3A, %swap3A_22], %add3A_21 {strides = array<i32>} : memref<2000x128xf32, #tpu.memory_space<vmem>>, vector<2000x128xf32>,
    return
  }
  func.func @transform_0(%arg0: i32, %arg1: i32, %arg2: i32) -> (i32, i32) {
    %c0_i32 = arith.constant 0 : i32
    %c0_i32_0 = arith.constant 0 : i32
    return %arg0, %c0_i32 : i32, i32
  }
  func.func @transform_1(%arg0: i32, %arg1: i32, %arg2: i32) -> (i32, i32) {
    %c0_i32 = arith.constant 0 : i32
    %c0_i32_0 = arith.constant 0 : i32
    %c0_i32_1 = arith.constant 0 : i32
    return %c0_i32, %c0_i32_0 : i32, i32
  }
  func.func @transform_2(%arg0: i32, %arg1: i32, %arg2: i32) -> (i32, i32) {
    %c0_i32 = arith.constant 0 : i32
    %c0_i32_0 = arith.constant 0 : i32
    %c0_i32_1 = arith.constant 0 : i32
    return %c0_i32, %c0_i32_0 : i32, i32
  }
  func.func @transform_3(%arg0: i32, %arg1: i32, %arg2: i32) -> (i32, i32, i32) {
    %c0_i32 = arith.constant 0 : i32
    %c0_i32_0 = arith.constant 0 : i32
    return %arg1, %arg2, %c0_i32 : i32, i32, i32
  }
  func.func @transform_4(%arg0: i32, %arg1: i32, %arg2: i32) -> (i32, i32) {
    %c0_i32 = arith.constant 0 : i32
    %c0_i32_0 = arith.constant 0 : i32
    %c0_i32_1 = arith.constant 0 : i32
    return %c0_i32, %c0_i32_0 : i32, i32
  }
  func.func @transform_5(%arg0: i32, %arg1: i32, %arg2: i32) -> (i32, i32) {
    %mul3A = arith.constant 20 : i32
    %mul3A_0 = arith.muli %arg2, %mul3A : i32
    %mul3A_1 = arith.constant 5 : i32
    %mul3A_2 = arith.muli %arg1, %mul3A_1 : i32
    %add3A = arith.addi %mul3A_0, %mul3A_2 : i32
    %add3A_3 = arith.addi %add3A, %arg0 : i32
    %c0_i32 = arith.constant 0 : i32
    %c0_i32_4 = arith.constant 0 : i32
    return %add3A_3, %c0_i32 : i32, i32
  }
  func.func @transform_6(%arg0: i32, %arg1: i32, %arg2: i32) -> (i32, i32) {
    %c0_i32 = arith.constant 0 : i32
    %c0_i32_0 = arith.constant 0 : i32
    return %arg0, %c0_i32 : i32, i32
  }
}

module attributes {stable_mosaic.version = 14 : i64} {
  func.func @_gruproj_body(%arg0: i32, %arg1: i32, %arg2: i32, %arg3: memref<2000x256xf32, #tpu.memory_space<vmem>>, %arg4: memref<2000x128xf32, #tpu.memory_space<vmem>>, %arg5: memref<2000x128xf32, #tpu.memory_space<vmem>>, %arg6: memref<768x256xf32, #tpu.memory_space<vmem>>, %arg7: memref<768x256xf32, #tpu.memory_space<vmem>>, %arg8: memref<1x768xf32, #tpu.memory_space<vmem>>, %arg9: memref<1x768xf32, #tpu.memory_space<vmem>>, %arg10: memref<1x128x256xf32, #tpu.memory_space<vmem>>, %arg11: memref<8x128xf32, #tpu.memory_space<vmem>>, %arg12: memref<2000x128xf32, #tpu.memory_space<vmem>>, %arg13: memref<2000x256xf32, #tpu.memory_space<vmem>>, %arg14: memref<2000x256xf32, #tpu.memory_space<vmem>>) attributes {dimension_semantics = [#tpu.dimension_semantics<arbitrary>, #tpu.dimension_semantics<arbitrary>, #tpu.dimension_semantics<arbitrary>], iteration_bounds = array<i64: 5, 4, 2>, scalar_prefetch = 0 : i64, scratch_operands = 1 : i64, tpu.core_type = #tpu.core_type<tc>, window_params = [{transform_indices = @transform_0, window_bounds = array<i64: 2000, 256>}, {transform_indices = @transform_1, window_bounds = array<i64: 2000, 128>}, {transform_indices = @transform_2, window_bounds = array<i64: 2000, 128>}, {pipeline_mode = #tpu.pipeline_mode<synchronous>, transform_indices = @transform_3, window_bounds = array<i64: 768, 256>}, {pipeline_mode = #tpu.pipeline_mode<synchronous>, transform_indices = @transform_4, window_bounds = array<i64: 768, 256>}, {pipeline_mode = #tpu.pipeline_mode<synchronous>, transform_indices = @transform_5, window_bounds = array<i64: 1, 768>}, {pipeline_mode = #tpu.pipeline_mode<synchronous>, transform_indices = @transform_6, window_bounds = array<i64: 1, 768>}, {transform_indices = @transform_7, window_bounds = array<i64: 1, 128, 256>}, {pipeline_mode = #tpu.pipeline_mode<synchronous>, transform_indices = @transform_8, window_bounds = array<i64: 8, 128>}, {transform_indices = @transform_9, window_bounds = array<i64: 2000, 128>}, {transform_indices = @transform_10, window_bounds = array<i64: 2000, 256>}]} {
    %eq3A = arith.constant 0 : i32
    %eq3A_0 = arith.cmpi eq, %arg1, %eq3A : i32
    %eq3A_1 = arith.constant 0 : i32
    %eq3A_2 = arith.cmpi eq, %arg2, %eq3A_1 : i32
    %and3A = arith.andi %eq3A_0, %eq3A_2 : i1
    %convert_element_type3A = arith.extui %and3A : i1 to i32
    %cond3A = arith.constant 0 : i32
    %cond3A_3 = arith.cmpi ne, %convert_element_type3A, %cond3A : i32
    scf.if %cond3A_3 {
      %get3A_24 = arith.constant 0 : index
      %get3A_25 = arith.constant 0 : index
      %get3A_26 = vector.load %arg4[%get3A_24, %get3A_25] : memref<2000x128xf32, #tpu.memory_space<vmem>>, vector<2000x128xf32>
      %get3A_27 = arith.constant 0 : index
      %get3A_28 = arith.constant 0 : index
      %get3A_29 = vector.load %arg5[%get3A_27, %get3A_28] : memref<2000x128xf32, #tpu.memory_space<vmem>>, vector<2000x128xf32>
      %concatenate3A = tpu.concatenate %get3A_26, %get3A_29 in 1 : vector<2000x128xf32>, vector<2000x128xf32> -> vector<2000x256xf32>
      %get3A_30 = arith.constant 0 : index
      %get3A_31 = arith.constant 0 : index
      %get3A_32 = vector.load %arg3[%get3A_30, %get3A_31] : memref<2000x256xf32, #tpu.memory_space<vmem>>, vector<2000x256xf32>
      %get3A_33 = arith.constant 0 : index
      %get3A_34 = arith.constant 0 : index
      %get3A_35 = vector.load %arg6[%get3A_33, %get3A_34] : memref<768x256xf32, #tpu.memory_space<vmem>>, vector<768x256xf32>
      %dot_general3A_36 = arith.constant dense<0.000000e+00> : vector<2000x768xf32>
      %dot_general3A_37 = tpu.matmul %concatenate3A, %get3A_35, %dot_general3A_36 {dimension_numbers = #tpu.dot_dimension_numbers<[1], [1], [0], [0], [0, 0, 1, 0], [], []>, transpose_lhs_hint = false} : vector<2000x256xf32>, vector<768x256xf32>, vector<2000x768xf32> -> vector<2000x768xf32>
      %get3A_38 = arith.constant 0 : index
      %get3A_39 = arith.constant 0 : index
      %get3A_40 = vector.load %arg8[%get3A_38, %get3A_39] : memref<1x768xf32, #tpu.memory_space<vmem>>, vector<1x768xf32>
      %add3A_41 = vector.broadcast %get3A_40 : vector<1x768xf32> to vector<2000x768xf32>
      %add3A_42 = arith.addf %dot_general3A_37, %add3A_41 : vector<2000x768xf32>
      %get3A_43 = arith.constant 0 : index
      %get3A_44 = arith.constant 0 : index
      %get3A_45 = vector.load %arg7[%get3A_43, %get3A_44] : memref<768x256xf32, #tpu.memory_space<vmem>>, vector<768x256xf32>
      %dot_general3A_46 = arith.constant dense<0.000000e+00> : vector<2000x768xf32>
      %dot_general3A_47 = tpu.matmul %get3A_32, %get3A_45, %dot_general3A_46 {dimension_numbers = #tpu.dot_dimension_numbers<[1], [1], [0], [0], [0, 0, 1, 0], [], []>, transpose_lhs_hint = false} : vector<2000x256xf32>, vector<768x256xf32>, vector<2000x768xf32> -> vector<2000x768xf32>
      %get3A_48 = arith.constant 0 : index
      %get3A_49 = arith.constant 0 : index
      %get3A_50 = vector.load %arg9[%get3A_48, %get3A_49] : memref<1x768xf32, #tpu.memory_space<vmem>>, vector<1x768xf32>
      %add3A_51 = vector.broadcast %get3A_50 : vector<1x768xf32> to vector<2000x768xf32>
      %add3A_52 = arith.addf %dot_general3A_47, %add3A_51 : vector<2000x768xf32>
      %slice3A = vector.extract_strided_slice %add3A_42 {offsets = [0, 0], sizes = [2000, 256], strides = [1, 1]} : vector<2000x768xf32> to vector<2000x256xf32>
      %slice3A_53 = vector.extract_strided_slice %add3A_52 {offsets = [0, 0], sizes = [2000, 256], strides = [1, 1]} : vector<2000x768xf32> to vector<2000x256xf32>
      %add3A_54 = arith.addf %slice3A, %slice3A_53 : vector<2000x256xf32>
      %logistic3A = arith.negf %add3A_54 : vector<2000x256xf32>
      %logistic3A_55 = math.exp %logistic3A : vector<2000x256xf32>
      %logistic3A_56 = arith.constant 1.000000e+00 : f32
      %logistic3A_57 = vector.broadcast %logistic3A_56 : f32 to vector<2000x256xf32>
      %logistic3A_58 = arith.addf %logistic3A_57, %logistic3A_55 : vector<2000x256xf32>
      %logistic3A_59 = arith.divf %logistic3A_57, %logistic3A_58 : vector<2000x256xf32>
      %slice3A_60 = vector.extract_strided_slice %add3A_42 {offsets = [0, 256], sizes = [2000, 256], strides = [1, 1]} : vector<2000x768xf32> to vector<2000x256xf32>
      %slice3A_61 = vector.extract_strided_slice %add3A_52 {offsets = [0, 256], sizes = [2000, 256], strides = [1, 1]} : vector<2000x768xf32> to vector<2000x256xf32>
      %add3A_62 = arith.addf %slice3A_60, %slice3A_61 : vector<2000x256xf32>
      %logistic3A_63 = arith.negf %add3A_62 : vector<2000x256xf32>
      %logistic3A_64 = math.exp %logistic3A_63 : vector<2000x256xf32>
      %logistic3A_65 = arith.constant 1.000000e+00 : f32
      %logistic3A_66 = vector.broadcast %logistic3A_65 : f32 to vector<2000x256xf32>
      %logistic3A_67 = arith.addf %logistic3A_66, %logistic3A_64 : vector<2000x256xf32>
      %logistic3A_68 = arith.divf %logistic3A_66, %logistic3A_67 : vector<2000x256xf32>
      %slice3A_69 = vector.extract_strided_slice %add3A_42 {offsets = [0, 512], sizes = [2000, 256], strides = [1, 1]} : vector<2000x768xf32> to vector<2000x256xf32>
      %slice3A_70 = vector.extract_strided_slice %add3A_52 {offsets = [0, 512], sizes = [2000, 256], strides = [1, 1]} : vector<2000x768xf32> to vector<2000x256xf32>
      %mul3A_71 = arith.mulf %logistic3A_59, %slice3A_70 : vector<2000x256xf32>
      %add3A_72 = arith.addf %slice3A_69, %mul3A_71 : vector<2000x256xf32>
      %tanh3A = math.tanh %add3A_72 : vector<2000x256xf32>
      %sub3A = arith.constant 1.000000e+00 : f32
      %sub3A_73 = vector.broadcast %sub3A : f32 to vector<2000x256xf32>
      %sub3A_74 = arith.subf %sub3A_73, %logistic3A_68 : vector<2000x256xf32>
      %mul3A_75 = arith.mulf %sub3A_74, %tanh3A : vector<2000x256xf32>
      %mul3A_76 = arith.mulf %logistic3A_68, %get3A_32 : vector<2000x256xf32>
      %add3A_77 = arith.addf %mul3A_75, %mul3A_76 : vector<2000x256xf32>
      %swap3A_78 = arith.constant 0 : index
      %swap3A_79 = arith.constant 0 : index
      %swap3A_80 = vector.load %arg14[%swap3A_78, %swap3A_79] : memref<2000x256xf32, #tpu.memory_space<vmem>>, vector<2000x256xf32>
      tpu.vector_store %arg14[%swap3A_78, %swap3A_79], %add3A_77 {strides = array<i32>} : memref<2000x256xf32, #tpu.memory_space<vmem>>, vector<2000x256xf32>,
      %swap3A_81 = arith.constant 0 : index
      %swap3A_82 = arith.constant 0 : index
      %swap3A_83 = vector.load %arg13[%swap3A_81, %swap3A_82] : memref<2000x256xf32, #tpu.memory_space<vmem>>, vector<2000x256xf32>
      tpu.vector_store %arg13[%swap3A_81, %swap3A_82], %add3A_77 {strides = array<i32>} : memref<2000x256xf32, #tpu.memory_space<vmem>>, vector<2000x256xf32>,
    } else {
    }
    %get3A = arith.constant 0 : index
    %get3A_4 = arith.constant 0 : index
    %get3A_5 = vector.load %arg14[%get3A, %get3A_4] : memref<2000x256xf32, #tpu.memory_space<vmem>>, vector<2000x256xf32>
    %get3A_6 = arith.constant 0 : index
    %get3A_7 = arith.constant 0 : index
    %get3A_8 = arith.constant 0 : index
    %get3A_9 = vector.load %arg10[%get3A_6, %get3A_7, %get3A_8] : memref<1x128x256xf32, #tpu.memory_space<vmem>>, vector<1x128x256xf32>
    %get3A_10 = vector.shape_cast %get3A_9 : vector<1x128x256xf32> to vector<128x256xf32>
    %dot_general3A = arith.constant dense<0.000000e+00> : vector<2000x128xf32>
    %dot_general3A_11 = tpu.matmul %get3A_5, %get3A_10, %dot_general3A {dimension_numbers = #tpu.dot_dimension_numbers<[1], [1], [0], [0], [0, 0, 1, 0], [], []>, transpose_lhs_hint = false} : vector<2000x256xf32>, vector<128x256xf32>, vector<2000x128xf32> -> vector<2000x128xf32>
    %iota3A = tpu.iota {dimensions = array<i32: 0>} : vector<8x128xi32>
    %mul3A = arith.constant 2 : i32
    %mul3A_12 = arith.muli %arg1, %mul3A : i32
    %add3A = arith.addi %mul3A_12, %arg2 : i32
    %eq3A_13 = vector.broadcast %add3A : i32 to vector<8x128xi32>
    %eq3A_14 = arith.cmpi eq, %iota3A, %eq3A_13 : vector<8x128xi32>
    %get3A_15 = arith.constant 0 : index
    %get3A_16 = arith.constant 0 : index
    %get3A_17 = vector.load %arg11[%get3A_15, %get3A_16] : memref<8x128xf32, #tpu.memory_space<vmem>>, vector<8x128xf32>
    %jit3A = arith.constant 0.000000e+00 : f32
    %broadcast_in_dim3A = vector.broadcast %jit3A : f32 to vector<8x128xf32>
    %select_n3A = arith.select %eq3A_14, %get3A_17, %broadcast_in_dim3A : vector<8x128xi1>, vector<8x128xf32>
    %reduce_sum3A = arith.constant dense<0.000000e+00> : vector<128xf32>
    %reduce_sum3A_18 = vector.multi_reduction <add>, %select_n3A, %reduce_sum3A [0] : vector<8x128xf32> to vector<128xf32>
    %broadcast_in_dim3A_19 = vector.shape_cast %reduce_sum3A_18 : vector<128xf32> to vector<1x128xf32>
    %add3A_20 = vector.broadcast %broadcast_in_dim3A_19 : vector<1x128xf32> to vector<2000x128xf32>
    %add3A_21 = arith.addf %dot_general3A_11, %add3A_20 : vector<2000x128xf32>
    %swap3A = arith.constant 0 : index
    %swap3A_22 = arith.constant 0 : index
    %swap3A_23 = vector.load %arg12[%swap3A, %swap3A_22] : memref<2000x128xf32, #tpu.memory_space<vmem>>, vector<2000x128xf32>
    tpu.vector_store %arg12[%swap3A, %swap3A_22], %add3A_21 {strides = array<i32>} : memref<2000x128xf32, #tpu.memory_space<vmem>>, vector<2000x128xf32>,
    return
  }
  func.func @transform_0(%arg0: i32, %arg1: i32, %arg2: i32) -> (i32, i32) {
    %c0_i32 = arith.constant 0 : i32
    %c0_i32_0 = arith.constant 0 : i32
    return %arg0, %c0_i32 : i32, i32
  }
  func.func @transform_1(%arg0: i32, %arg1: i32, %arg2: i32) -> (i32, i32) {
    %c0_i32 = arith.constant 0 : i32
    %c0_i32_0 = arith.constant 0 : i32
    return %arg0, %c0_i32 : i32, i32
  }
  func.func @transform_2(%arg0: i32, %arg1: i32, %arg2: i32) -> (i32, i32) {
    %c0_i32 = arith.constant 0 : i32
    %c0_i32_0 = arith.constant 0 : i32
    return %arg0, %c0_i32 : i32, i32
  }
  func.func @transform_3(%arg0: i32, %arg1: i32, %arg2: i32) -> (i32, i32) {
    %c0_i32 = arith.constant 0 : i32
    %c0_i32_0 = arith.constant 0 : i32
    %c0_i32_1 = arith.constant 0 : i32
    return %c0_i32, %c0_i32_0 : i32, i32
  }
  func.func @transform_4(%arg0: i32, %arg1: i32, %arg2: i32) -> (i32, i32) {
    %c0_i32 = arith.constant 0 : i32
    %c0_i32_0 = arith.constant 0 : i32
    %c0_i32_1 = arith.constant 0 : i32
    return %c0_i32, %c0_i32_0 : i32, i32
  }
  func.func @transform_5(%arg0: i32, %arg1: i32, %arg2: i32) -> (i32, i32) {
    %c0_i32 = arith.constant 0 : i32
    %c0_i32_0 = arith.constant 0 : i32
    %c0_i32_1 = arith.constant 0 : i32
    return %c0_i32, %c0_i32_0 : i32, i32
  }
  func.func @transform_6(%arg0: i32, %arg1: i32, %arg2: i32) -> (i32, i32) {
    %c0_i32 = arith.constant 0 : i32
    %c0_i32_0 = arith.constant 0 : i32
    %c0_i32_1 = arith.constant 0 : i32
    return %c0_i32, %c0_i32_0 : i32, i32
  }
  func.func @transform_7(%arg0: i32, %arg1: i32, %arg2: i32) -> (i32, i32, i32) {
    %c0_i32 = arith.constant 0 : i32
    %c0_i32_0 = arith.constant 0 : i32
    return %arg1, %arg2, %c0_i32 : i32, i32, i32
  }
  func.func @transform_8(%arg0: i32, %arg1: i32, %arg2: i32) -> (i32, i32) {
    %c0_i32 = arith.constant 0 : i32
    %c0_i32_0 = arith.constant 0 : i32
    %c0_i32_1 = arith.constant 0 : i32
    return %c0_i32, %c0_i32_0 : i32, i32
  }
  func.func @transform_9(%arg0: i32, %arg1: i32, %arg2: i32) -> (i32, i32) {
    %mul3A = arith.constant 20 : i32
    %mul3A_0 = arith.muli %arg2, %mul3A : i32
    %mul3A_1 = arith.constant 5 : i32
    %mul3A_2 = arith.muli %arg1, %mul3A_1 : i32
    %add3A = arith.addi %mul3A_0, %mul3A_2 : i32
    %add3A_3 = arith.addi %add3A, %arg0 : i32
    %c0_i32 = arith.constant 0 : i32
    %c0_i32_4 = arith.constant 0 : i32
    return %add3A_3, %c0_i32 : i32, i32
  }
  func.func @transform_10(%arg0: i32, %arg1: i32, %arg2: i32) -> (i32, i32) {
    %c0_i32 = arith.constant 0 : i32
    %c0_i32_0 = arith.constant 0 : i32
    return %arg0, %c0_i32 : i32, i32
  }
}

module attributes {stable_mosaic.version = 14 : i64} {
  func.func @_grupool_body(%arg0: i32, %arg1: memref<2000x256xf32, #tpu.memory_space<vmem>>, %arg2: memref<2000x128xf32, #tpu.memory_space<vmem>>, %arg3: memref<2000x128xf32, #tpu.memory_space<vmem>>, %arg4: memref<768x256xf32, #tpu.memory_space<vmem>>, %arg5: memref<768x256xf32, #tpu.memory_space<vmem>>, %arg6: memref<1x768xf32, #tpu.memory_space<vmem>>, %arg7: memref<1x768xf32, #tpu.memory_space<vmem>>, %arg8: memref<1x256xf32, #tpu.memory_space<vmem>>, %arg9: memref<2x256xf32, #tpu.memory_space<vmem>>, %arg10: memref<1x2xf32, #tpu.memory_space<vmem>>, %arg11: memref<1x2xf32, #tpu.memory_space<vmem>>, %arg12: memref<1x1xf32, #tpu.memory_space<smem>>, %arg13: memref<1x1xf32, #tpu.memory_space<smem>>, %arg14: memref<1x256xf32, #tpu.memory_space<vmem>>) attributes {dimension_semantics = [#tpu.dimension_semantics<arbitrary>], iteration_bounds = array<i64: 5>, scalar_prefetch = 0 : i64, scratch_operands = 3 : i64, tpu.core_type = #tpu.core_type<tc>, window_params = [{transform_indices = @transform_0, window_bounds = array<i64: 2000, 256>}, {transform_indices = @transform_1, window_bounds = array<i64: 2000, 128>}, {transform_indices = @transform_2, window_bounds = array<i64: 2000, 128>}, {pipeline_mode = #tpu.pipeline_mode<synchronous>, transform_indices = @transform_3, window_bounds = array<i64: 768, 256>}, {pipeline_mode = #tpu.pipeline_mode<synchronous>, transform_indices = @transform_4, window_bounds = array<i64: 768, 256>}, {pipeline_mode = #tpu.pipeline_mode<synchronous>, transform_indices = @transform_5, window_bounds = array<i64: 1, 768>}, {pipeline_mode = #tpu.pipeline_mode<synchronous>, transform_indices = @transform_6, window_bounds = array<i64: 1, 768>}, {pipeline_mode = #tpu.pipeline_mode<synchronous>, transform_indices = @transform_7, window_bounds = array<i64: 1, 256>}, {pipeline_mode = #tpu.pipeline_mode<synchronous>, transform_indices = @transform_8, window_bounds = array<i64: 2, 256>}, {pipeline_mode = #tpu.pipeline_mode<synchronous>, transform_indices = @transform_9, window_bounds = array<i64: 1, 2>}, {pipeline_mode = #tpu.pipeline_mode<synchronous>, transform_indices = @transform_10, window_bounds = array<i64: 1, 2>}]} {
    %get3A = arith.constant 0 : index
    %get3A_0 = arith.constant 0 : index
    %get3A_1 = vector.load %arg2[%get3A, %get3A_0] : memref<2000x128xf32, #tpu.memory_space<vmem>>, vector<2000x128xf32>
    %get3A_2 = arith.constant 0 : index
    %get3A_3 = arith.constant 0 : index
    %get3A_4 = vector.load %arg3[%get3A_2, %get3A_3] : memref<2000x128xf32, #tpu.memory_space<vmem>>, vector<2000x128xf32>
    %concatenate3A = tpu.concatenate %get3A_1, %get3A_4 in 1 : vector<2000x128xf32>, vector<2000x128xf32> -> vector<2000x256xf32>
    %get3A_5 = arith.constant 0 : index
    %get3A_6 = arith.constant 0 : index
    %get3A_7 = vector.load %arg1[%get3A_5, %get3A_6] : memref<2000x256xf32, #tpu.memory_space<vmem>>, vector<2000x256xf32>
    %get3A_8 = arith.constant 0 : index
    %get3A_9 = arith.constant 0 : index
    %get3A_10 = vector.load %arg4[%get3A_8, %get3A_9] : memref<768x256xf32, #tpu.memory_space<vmem>>, vector<768x256xf32>
    %dot_general3A = arith.constant dense<0.000000e+00> : vector<2000x768xf32>
    %dot_general3A_11 = tpu.matmul %concatenate3A, %get3A_10, %dot_general3A {dimension_numbers = #tpu.dot_dimension_numbers<[1], [1], [0], [0], [0, 0, 1, 0], [], []>, transpose_lhs_hint = false} : vector<2000x256xf32>, vector<768x256xf32>, vector<2000x768xf32> -> vector<2000x768xf32>
    %get3A_12 = arith.constant 0 : index
    %get3A_13 = arith.constant 0 : index
    %get3A_14 = vector.load %arg6[%get3A_12, %get3A_13] : memref<1x768xf32, #tpu.memory_space<vmem>>, vector<1x768xf32>
    %add3A = vector.broadcast %get3A_14 : vector<1x768xf32> to vector<2000x768xf32>
    %add3A_15 = arith.addf %dot_general3A_11, %add3A : vector<2000x768xf32>
    %get3A_16 = arith.constant 0 : index
    %get3A_17 = arith.constant 0 : index
    %get3A_18 = vector.load %arg5[%get3A_16, %get3A_17] : memref<768x256xf32, #tpu.memory_space<vmem>>, vector<768x256xf32>
    %dot_general3A_19 = arith.constant dense<0.000000e+00> : vector<2000x768xf32>
    %dot_general3A_20 = tpu.matmul %get3A_7, %get3A_18, %dot_general3A_19 {dimension_numbers = #tpu.dot_dimension_numbers<[1], [1], [0], [0], [0, 0, 1, 0], [], []>, transpose_lhs_hint = false} : vector<2000x256xf32>, vector<768x256xf32>, vector<2000x768xf32> -> vector<2000x768xf32>
    %get3A_21 = arith.constant 0 : index
    %get3A_22 = arith.constant 0 : index
    %get3A_23 = vector.load %arg7[%get3A_21, %get3A_22] : memref<1x768xf32, #tpu.memory_space<vmem>>, vector<1x768xf32>
    %add3A_24 = vector.broadcast %get3A_23 : vector<1x768xf32> to vector<2000x768xf32>
    %add3A_25 = arith.addf %dot_general3A_20, %add3A_24 : vector<2000x768xf32>
    %slice3A = vector.extract_strided_slice %add3A_15 {offsets = [0, 0], sizes = [2000, 256], strides = [1, 1]} : vector<2000x768xf32> to vector<2000x256xf32>
    %slice3A_26 = vector.extract_strided_slice %add3A_25 {offsets = [0, 0], sizes = [2000, 256], strides = [1, 1]} : vector<2000x768xf32> to vector<2000x256xf32>
    %add3A_27 = arith.addf %slice3A, %slice3A_26 : vector<2000x256xf32>
    %logistic3A = arith.negf %add3A_27 : vector<2000x256xf32>
    %logistic3A_28 = math.exp %logistic3A : vector<2000x256xf32>
    %logistic3A_29 = arith.constant 1.000000e+00 : f32
    %logistic3A_30 = vector.broadcast %logistic3A_29 : f32 to vector<2000x256xf32>
    %logistic3A_31 = arith.addf %logistic3A_30, %logistic3A_28 : vector<2000x256xf32>
    %logistic3A_32 = arith.divf %logistic3A_30, %logistic3A_31 : vector<2000x256xf32>
    %slice3A_33 = vector.extract_strided_slice %add3A_15 {offsets = [0, 256], sizes = [2000, 256], strides = [1, 1]} : vector<2000x768xf32> to vector<2000x256xf32>
    %slice3A_34 = vector.extract_strided_slice %add3A_25 {offsets = [0, 256], sizes = [2000, 256], strides = [1, 1]} : vector<2000x768xf32> to vector<2000x256xf32>
    %add3A_35 = arith.addf %slice3A_33, %slice3A_34 : vector<2000x256xf32>
    %logistic3A_36 = arith.negf %add3A_35 : vector<2000x256xf32>
    %logistic3A_37 = math.exp %logistic3A_36 : vector<2000x256xf32>
    %logistic3A_38 = arith.constant 1.000000e+00 : f32
    %logistic3A_39 = vector.broadcast %logistic3A_38 : f32 to vector<2000x256xf32>
    %logistic3A_40 = arith.addf %logistic3A_39, %logistic3A_37 : vector<2000x256xf32>
    %logistic3A_41 = arith.divf %logistic3A_39, %logistic3A_40 : vector<2000x256xf32>
    %slice3A_42 = vector.extract_strided_slice %add3A_15 {offsets = [0, 512], sizes = [2000, 256], strides = [1, 1]} : vector<2000x768xf32> to vector<2000x256xf32>
    %slice3A_43 = vector.extract_strided_slice %add3A_25 {offsets = [0, 512], sizes = [2000, 256], strides = [1, 1]} : vector<2000x768xf32> to vector<2000x256xf32>
    %mul3A = arith.mulf %logistic3A_32, %slice3A_43 : vector<2000x256xf32>
    %add3A_44 = arith.addf %slice3A_42, %mul3A : vector<2000x256xf32>
    %tanh3A = math.tanh %add3A_44 : vector<2000x256xf32>
    %sub3A = arith.constant 1.000000e+00 : f32
    %sub3A_45 = vector.broadcast %sub3A : f32 to vector<2000x256xf32>
    %sub3A_46 = arith.subf %sub3A_45, %logistic3A_41 : vector<2000x256xf32>
    %mul3A_47 = arith.mulf %sub3A_46, %tanh3A : vector<2000x256xf32>
    %mul3A_48 = arith.mulf %logistic3A_41, %get3A_7 : vector<2000x256xf32>
    %add3A_49 = arith.addf %mul3A_47, %mul3A_48 : vector<2000x256xf32>
    %get3A_50 = arith.constant 0 : index
    %get3A_51 = arith.constant 0 : index
    %get3A_52 = vector.load %arg8[%get3A_50, %get3A_51] : memref<1x256xf32, #tpu.memory_space<vmem>>, vector<1x256xf32>
    %dot_general3A_53 = arith.constant dense<0.000000e+00> : vector<2000x1xf32>
    %dot_general3A_54 = tpu.matmul %add3A_49, %get3A_52, %dot_general3A_53 {dimension_numbers = #tpu.dot_dimension_numbers<[1], [1], [0], [0], [0, 0, 1, 0], [], []>, transpose_lhs_hint = false} : vector<2000x256xf32>, vector<1x256xf32>, vector<2000x1xf32> -> vector<2000x1xf32>
    %eq3A = arith.constant 0 : i32
    %eq3A_55 = arith.cmpi eq, %arg0, %eq3A : i32
    %get3A_56 = arith.constant 0 : index
    %get3A_57 = arith.constant 0 : index
    %get3A_58 = memref.load %arg12[%get3A_56, %get3A_57] : memref<1x1xf32, #tpu.memory_space<smem>>
    %jit3A = arith.constant 0xFF800000 : f32
    %select_n3A = arith.select %eq3A_55, %jit3A, %get3A_58 : f32
    %get3A_59 = arith.constant 0 : index
    %get3A_60 = arith.constant 0 : index
    %get3A_61 = memref.load %arg13[%get3A_59, %get3A_60] : memref<1x1xf32, #tpu.memory_space<smem>>
    %jit3A_62 = arith.constant 0.000000e+00 : f32
    %select_n3A_63 = arith.select %eq3A_55, %jit3A_62, %get3A_61 : f32
    %broadcast_in_dim3A = arith.constant 0.000000e+00 : f32
    %broadcast_in_dim3A_64 = vector.broadcast %broadcast_in_dim3A : f32 to vector<1x256xf32>
    %get3A_65 = arith.constant 0 : index
    %get3A_66 = arith.constant 0 : index
    %get3A_67 = vector.load %arg14[%get3A_65, %get3A_66] : memref<1x256xf32, #tpu.memory_space<vmem>>, vector<1x256xf32>
    %select_n3A_68 = arith.select %eq3A_55, %broadcast_in_dim3A_64, %get3A_67 : vector<1x256xf32>
    %reduce_max3A = vector.shape_cast %dot_general3A_54 : vector<2000x1xf32> to vector<1x2000x1xf32>
    %reduce_max3A_69 = arith.constant dense<0xFF800000> : vector<1xf32>
    %reduce_max3A_70 = vector.multi_reduction <maximumf>, %reduce_max3A, %reduce_max3A_69 [1, 2] : vector<1x2000x1xf32> to vector<1xf32>
    %reduce_max3A_71 = vector.shape_cast %reduce_max3A_70 : vector<1xf32> to vector<1x1x1xf32>
    %reduce_max3A_72 = vector.extract %reduce_max3A_71[0, 0, 0] : f32 from vector<1x1x1xf32>
    %max3A = arith.maximumf %select_n3A, %reduce_max3A_72 : f32
    %sub3A_73 = arith.subf %select_n3A, %max3A : f32
    %exp3A = math.exp %sub3A_73 : f32
    %sub3A_74 = vector.broadcast %max3A : f32 to vector<2000x1xf32>
    %sub3A_75 = arith.subf %dot_general3A_54, %sub3A_74 : vector<2000x1xf32>
    %exp3A_76 = math.exp %sub3A_75 : vector<2000x1xf32>
    %mul3A_77 = arith.mulf %select_n3A_63, %exp3A : f32
    %reduce_sum3A = vector.shape_cast %exp3A_76 : vector<2000x1xf32> to vector<1x2000x1xf32>
    %reduce_sum3A_78 = arith.constant dense<0.000000e+00> : vector<1xf32>
    %reduce_sum3A_79 = vector.multi_reduction <add>, %reduce_sum3A, %reduce_sum3A_78 [1, 2] : vector<1x2000x1xf32> to vector<1xf32>
    %reduce_sum3A_80 = vector.shape_cast %reduce_sum3A_79 : vector<1xf32> to vector<1x1x1xf32>
    %reduce_sum3A_81 = vector.extract %reduce_sum3A_80[0, 0, 0] : f32 from vector<1x1x1xf32>
    %add3A_82 = arith.addf %mul3A_77, %reduce_sum3A_81 : f32
    %dot_general3A_83 = arith.constant dense<0.000000e+00> : vector<1x256xf32>
    %dot_general3A_84 = tpu.matmul %exp3A_76, %add3A_49, %dot_general3A_83 {dimension_numbers = #tpu.dot_dimension_numbers<[0], [0], [1], [1], [0, 1, 1, 1], [], []>, transpose_lhs_hint = false} : vector<2000x1xf32>, vector<2000x256xf32>, vector<1x256xf32> -> vector<1x256xf32>
    %mul3A_85 = vector.broadcast %exp3A : f32 to vector<1x256xf32>
    %mul3A_86 = arith.mulf %select_n3A_68, %mul3A_85 : vector<1x256xf32>
    %add3A_87 = arith.addf %mul3A_86, %dot_general3A_84 : vector<1x256xf32>
    %swap3A = arith.constant 0 : index
    %swap3A_88 = arith.constant 0 : index
    %swap3A_89 = memref.load %arg12[%swap3A, %swap3A_88] : memref<1x1xf32, #tpu.memory_space<smem>>
    memref.store %max3A, %arg12[%swap3A, %swap3A_88] : memref<1x1xf32, #tpu.memory_space<smem>>
    %swap3A_90 = arith.constant 0 : index
    %swap3A_91 = arith.constant 0 : index
    %swap3A_92 = memref.load %arg13[%swap3A_90, %swap3A_91] : memref<1x1xf32, #tpu.memory_space<smem>>
    memref.store %add3A_82, %arg13[%swap3A_90, %swap3A_91] : memref<1x1xf32, #tpu.memory_space<smem>>
    %swap3A_93 = arith.constant 0 : index
    %swap3A_94 = arith.constant 0 : index
    %swap3A_95 = vector.load %arg14[%swap3A_93, %swap3A_94] : memref<1x256xf32, #tpu.memory_space<vmem>>, vector<1x256xf32>
    tpu.vector_store %arg14[%swap3A_93, %swap3A_94], %add3A_87 {strides = array<i32>} : memref<1x256xf32, #tpu.memory_space<vmem>>, vector<1x256xf32>,
    %eq3A_96 = arith.constant 4 : i32
    %eq3A_97 = arith.cmpi eq, %arg0, %eq3A_96 : i32
    %convert_element_type3A = arith.extui %eq3A_97 : i1 to i32
    %cond3A = arith.constant 0 : i32
    %cond3A_98 = arith.cmpi ne, %convert_element_type3A, %cond3A : i32
    scf.if %cond3A_98 {
      %div3A = vector.broadcast %add3A_82 : f32 to vector<1x256xf32>
      %div3A_99 = arith.divf %add3A_87, %div3A : vector<1x256xf32>
      %get3A_100 = arith.constant 0 : index
      %get3A_101 = arith.constant 0 : index
      %get3A_102 = vector.load %arg9[%get3A_100, %get3A_101] : memref<2x256xf32, #tpu.memory_space<vmem>>, vector<2x256xf32>
      %dot_general3A_103 = arith.constant dense<0.000000e+00> : vector<1x2xf32>
      %dot_general3A_104 = tpu.matmul %div3A_99, %get3A_102, %dot_general3A_103 {dimension_numbers = #tpu.dot_dimension_numbers<[1], [1], [0], [0], [0, 0, 1, 0], [], []>, transpose_lhs_hint = false} : vector<1x256xf32>, vector<2x256xf32>, vector<1x2xf32> -> vector<1x2xf32>
      %get3A_105 = arith.constant 0 : index
      %get3A_106 = arith.constant 0 : index
      %get3A_107 = vector.load %arg10[%get3A_105, %get3A_106] : memref<1x2xf32, #tpu.memory_space<vmem>>, vector<1x2xf32>
      %add3A_108 = arith.addf %dot_general3A_104, %get3A_107 : vector<1x2xf32>
      %swap3A_109 = arith.constant 0 : index
      %swap3A_110 = arith.constant 0 : index
      %swap3A_111 = vector.load %arg11[%swap3A_109, %swap3A_110] : memref<1x2xf32, #tpu.memory_space<vmem>>, vector<1x2xf32>
      tpu.vector_store %arg11[%swap3A_109, %swap3A_110], %add3A_108 {strides = array<i32>} : memref<1x2xf32, #tpu.memory_space<vmem>>, vector<1x2xf32>,
    } else {
    }
    return
  }
  func.func @transform_0(%arg0: i32) -> (i32, i32) {
    %c0_i32 = arith.constant 0 : i32
    %c0_i32_0 = arith.constant 0 : i32
    return %arg0, %c0_i32 : i32, i32
  }
  func.func @transform_1(%arg0: i32) -> (i32, i32) {
    %c0_i32 = arith.constant 0 : i32
    %c0_i32_0 = arith.constant 0 : i32
    return %arg0, %c0_i32 : i32, i32
  }
  func.func @transform_2(%arg0: i32) -> (i32, i32) {
    %c0_i32 = arith.constant 0 : i32
    %c0_i32_0 = arith.constant 0 : i32
    return %arg0, %c0_i32 : i32, i32
  }
  func.func @transform_3(%arg0: i32) -> (i32, i32) {
    %c0_i32 = arith.constant 0 : i32
    %c0_i32_0 = arith.constant 0 : i32
    %c0_i32_1 = arith.constant 0 : i32
    return %c0_i32, %c0_i32_0 : i32, i32
  }
  func.func @transform_4(%arg0: i32) -> (i32, i32) {
    %c0_i32 = arith.constant 0 : i32
    %c0_i32_0 = arith.constant 0 : i32
    %c0_i32_1 = arith.constant 0 : i32
    return %c0_i32, %c0_i32_0 : i32, i32
  }
  func.func @transform_5(%arg0: i32) -> (i32, i32) {
    %c0_i32 = arith.constant 0 : i32
    %c0_i32_0 = arith.constant 0 : i32
    %c0_i32_1 = arith.constant 0 : i32
    return %c0_i32, %c0_i32_0 : i32, i32
  }
  func.func @transform_6(%arg0: i32) -> (i32, i32) {
    %c0_i32 = arith.constant 0 : i32
    %c0_i32_0 = arith.constant 0 : i32
    %c0_i32_1 = arith.constant 0 : i32
    return %c0_i32, %c0_i32_0 : i32, i32
  }
  func.func @transform_7(%arg0: i32) -> (i32, i32) {
    %c0_i32 = arith.constant 0 : i32
    %c0_i32_0 = arith.constant 0 : i32
    %c0_i32_1 = arith.constant 0 : i32
    return %c0_i32, %c0_i32_0 : i32, i32
  }
  func.func @transform_8(%arg0: i32) -> (i32, i32) {
    %c0_i32 = arith.constant 0 : i32
    %c0_i32_0 = arith.constant 0 : i32
    %c0_i32_1 = arith.constant 0 : i32
    return %c0_i32, %c0_i32_0 : i32, i32
  }
  func.func @transform_9(%arg0: i32) -> (i32, i32) {
    %c0_i32 = arith.constant 0 : i32
    %c0_i32_0 = arith.constant 0 : i32
    %c0_i32_1 = arith.constant 0 : i32
    return %c0_i32, %c0_i32_0 : i32, i32
  }
  func.func @transform_10(%arg0: i32) -> (i32, i32) {
    %c0_i32 = arith.constant 0 : i32
    %c0_i32_0 = arith.constant 0 : i32
    %c0_i32_1 = arith.constant 0 : i32
    return %c0_i32, %c0_i32_0 : i32, i32
  }
}

</mosaic_0001>

<sc_bundles>
// kernel: kernel.11.cloned.1.call-start
scs
__scs_entry_jumppad:
0x0: {  	(pc) =	sbr.rel $0x88, $3  }
0x1: {  	(tag) =	ssettag $0x0;
	lr =	simm.s32 $0x1  }
0x2: {  	[smem:$0x3F93] =	sst lr;
	_ =	strace $0xD0000000  }
0x3: {  	_ = 	snop  }
0x4: {  	_ = 	snop  }
0x5: {  	_ = 	snop  }
0x6: {  	_ = 	snop  }
0x7: {  	_ = 	snop  }
__scs_overlays_trampoline_lowered:
0x8: {  	[smem:$0x3FA2] =	sst s0  }
0x9: {  	[smem:$0x3FA3] =	sst s1  }
0xa: {  	[smem:$0x3FA4] =	sst s2  }
0xb: {  	[smem:$0x3FA5] =	sst s3  }
0xc: {  	[smem:$0x3FA6] =	sst s4  }
0xd: {  	[smem:$0x3FA7] =	sst s5  }
0xe: {  	[smem:$0x3FA8] =	sst s6  }
0xf: {  	[smem:$0x3FA9] =	sst s7  }
0x10: {  	[smem:$0x3FAA] =	sst s8  }
0x11: {  	[smem:$0x3FAB] =	sst s9;
	s0 =	simm.s32 @!p0 $0x0  }
0x12: {  	s1 =	sld [smem:$0x3F91];
	s0 =	simm.s32 @p0 $0x1  }
0x13: {  	[smem:$0x3FAC] =	sst s0;
	s0 =	simm.s32 @!p1 $0x0  }
0x14: {  	s2 =	sld [smem:$0x3F90];
	s0 =	simm.s32 @p1 $0x1  }
0x15: {  	[smem:$0x3FAD] =	sst s0;
	s0 =	simm.s32 @!p2 $0x0  }
0x16: {  	s3 =	sld [smem:$0x3FDB];
	s0 =	simm.s32 @p2 $0x1  }
0x17: {  	s4 =	simm.s32 $0x1BF5;
	[smem:$0x3FAF] =	sst s0  }
0x18: {  	s0 =	sld [smem:$0x3F92];
	_ =	swait.ge [sflag:s4], $0x0  }
0x19: {  	s7 =	sld [smem:$0x3F93]  }
0x1a: {  	s8 =	sadd.s32 $0xFFFFE003, lr  }
0x1b: {  	s9 =	sadd.s32 $0xFFFFFEF7, lr;
	s5 =	simm.s32 $0xFFFFFFFF;
	p2 =	slt.u32 s8, $0xFFFFF086  }
0x1c: {  	p1 =	slt.u32 s9, $0xF7A;
	s5 =	simm.s32 @!p2 $0x0  }
0x1d: {  	s5 =	simm.s32 @p1 $0x1;
	p0 =	seq.s32 s7, s2  }
0x1e: {  	s7 =	smul.u32 @!p0 $0xF7A, s2;
	p2 =	seq.s32 @!p0 s5, $0x0  }
0x1f: {  	s9 =	smul.u32 $0xF7A, s1;
	s8 =	simm.s32 @!p0 $0x1BF5;
	p2 =	por !p2, p0  }
0x20: {  	[sflag:s8] =	ssyncset.s32 @!p0 $0xFFFFF086;
	s6 =	sadd.s32 @!p0 s3, s7;
	s7 =	simm.s32 @!p0 $0x108  }
0x21: {  	s3 =	sadd.s32 s3, s9;
	s6 =	sadd.s32 @!p0 $0x88, s6;
	s7 =	simm.s32 @p2 $0x1082  }
0x22: {  	[simem:s7], [sflag:s8] =	dma.local @!p0 [hbm:s6], $0xF7A  }
0x23: {  	s9 =	sor.u32 $0xD0000000, s2;
	s6 =	simm.s32 $0x108;
	_ =	swait.ge @!p0 [sflag:s8], $0x0  }
0x24: {  	s3 =	sadd.s32 $0x88, s3;
	s6 =	simm.s32 @!p1 $0x1082;
	[sflag:s4] =	ssyncset.s32 $0xFFFFF086  }
0x25: {  	[simem:s6], [sflag:s4] =	dma.local [hbm:s3], $0xF7A  }
0x26: {  	[smem:$0x3F93] =	sst s1;
	(tag) =	ssettag s2;
	_ =	strace s9  }
0x27: {  	s1 =	sld [smem:$0x3FA3]  }
0x28: {  	s2 =	sld [smem:$0x3FA4]  }
0x29: {  	s4 =	sld [smem:$0x3FA6]  }
0x2a: {  	p0 =	seq.s32 s5, $0x0;
	s5 =	sld [smem:$0x3FA7]  }
0x2b: {  	s6 =	sld [smem:$0x3FA8]  }
0x2c: {  	s7 =	sld [smem:$0x3FA9]  }
0x2d: {  	s3 =	simm.s32 $0x108;
	s8 =	sld [smem:$0x3FAA]  }
0x2e: {  	s3 =	simm.s32 @!p0 $0x1082;
	s9 =	sld [smem:$0x3FAB]  }
0x2f: {  	lr =	sadd.s32 s0, s3;
	s0 =	sld [smem:$0x3FA2]  }
0x30: {  	s3 =	sld [smem:$0x3FA5]  }
0x31: {  	[smem:$0x3FAE] =	sst s10  }
0x32: {  	s10 =	sld [smem:$0x3FAC];
	_ =	sdelay $0x3  }
0x33: {  	p0 =	seq.s32 s10, $0x1;
	s10 =	sld [smem:$0x3FAE];
	_ =	sdelay $0x3  }
0x34: {  	[smem:$0x3FAE] =	sst s10  }
0x35: {  	s10 =	sld [smem:$0x3FAD];
	_ =	sdelay $0x3  }
0x36: {  	p1 =	seq.s32 s10, $0x1;
	s10 =	sld [smem:$0x3FAE];
	_ =	sdelay $0x3  }
0x37: {  	[smem:$0x3FAE] =	sst s10  }
0x38: {  	s10 =	sld [smem:$0x3FAF]  }
0x39: {  	_ = 	snop;
	(pc) =	sbr.ind lr, $3  }
0x3a: {  	_ = 	snop  }
0x3b: {  	_ = 	snop  }
0x3c: {  	p2 =	seq.s32 s10, $0x1;
	s10 =	sld [smem:$0x3FAE]  }
0x3d: {  	_ =	shalt  }
0x3e: {  	_ =	shalt  }
0x3f: {  	_ =	shalt  }
0x40: {  	_ =	shalt  }
0x41: {  	_ =	shalt  }
0x42: {  	_ =	shalt  }
0x43: {  	_ =	shalt  }
0x44: {  	_ =	shalt  }
0x45: {  	_ =	shalt  }
0x46: {  	_ =	shalt  }
0x47: {  	_ =	shalt  }
0x48: {  	_ =	shalt  }
0x49: {  	_ =	shalt  }
0x4a: {  	_ =	shalt  }
0x4b: {  	_ =	shalt  }
0x4c: {  	_ =	shalt  }
0x4d: {  	_ =	shalt  }
0x4e: {  	_ =	shalt  }
0x4f: {  	_ =	shalt  }
0x50: {  	_ =	shalt  }
0x51: {  	_ =	shalt  }
0x52: {  	_ =	shalt  }
0x53: {  	_ =	shalt  }
0x54: {  	_ =	shalt  }
0x55: {  	_ =	shalt  }
0x56: {  	_ =	shalt  }
0x57: {  	_ =	shalt  }
0x58: {  	_ =	shalt  }
0x59: {  	_ =	shalt  }
0x5a: {  	_ =	shalt  }
0x5b: {  	_ =	shalt  }
0x5c: {  	_ =	shalt  }
0x5d: {  	_ =	shalt  }
0x5e: {  	_ =	shalt  }
0x5f: {  	_ =	shalt  }
0x60: {  	_ =	shalt  }
0x61: {  	_ =	shalt  }
0x62: {  	_ =	shalt  }
0x63: {  	_ =	shalt  }
0x64: {  	_ =	shalt  }
0x65: {  	_ =	shalt  }
0x66: {  	_ =	shalt  }
0x67: {  	_ =	shalt  }
0x68: {  	_ =	shalt  }
0x69: {  	_ =	shalt  }
0x6a: {  	_ =	shalt  }
0x6b: {  	_ =	shalt  }
0x6c: {  	_ =	shalt  }
0x6d: {  	_ =	shalt  }
0x6e: {  	_ =	shalt  }
0x6f: {  	_ =	shalt  }
0x70: {  	_ =	shalt  }
0x71: {  	_ =	shalt  }
0x72: {  	_ =	shalt  }
0x73: {  	_ =	shalt  }
0x74: {  	_ =	shalt  }
0x75: {  	_ =	shalt  }
0x76: {  	_ =	shalt  }
0x77: {  	_ =	shalt  }
0x78: {  	_ =	shalt  }
0x79: {  	_ =	shalt  }
0x7a: {  	_ =	shalt  }
0x7b: {  	_ =	shalt  }
0x7c: {  	_ =	shalt  }
0x7d: {  	_ =	shalt  }
0x7e: {  	_ =	shalt  }
0x7f: {  	_ =	shalt  }
0x80: {  	_ =	shalt  }
0x81: {  	_ =	shalt  }
0x82: {  	_ =	shalt  }
0x83: {  	_ =	shalt  }
0x84: {  	_ =	shalt  }
0x85: {  	_ =	shalt  }
0x86: {  	_ =	shalt  }
0x87: {  	_ =	shalt  }
.Lfunc_end0:
.L_simem_size_0:
called_computation_lowered:
.L_overlay_start_0:
0x88: {  	s2 =	sld [smem:$0x3FD9]  }
0x89: {  	s3 =	sld [smem:$0x3FFE];
	_ =	sdelay $0x1  }
0x8a: {  	s1 =	srdreg.scid  }
0x8b: {  	s0 =	sand.u32 $0x1, s1  }
0x8c: {  	s16 =	sshll.u32 s0, $0xA;
	s2 =	sadd.s32 s3, s2  }
0x8d: {  	s2 =	sadd.s32 s2, s16  }
0x8e: {  	[smem:$0x3FBA] =	sst s2  }
0x8f: {  	_ = 	snop  }
0x90: {  	(tm) =	ssettm $0x1  }
0x91: {  	s17 =	sld [smem:$0x3FFB];
	_ =	sdelay $0x3  }
0x92: {  	_ =	strace s17  }
0x93: {  	s2 =	sld [smem:$0x3FFC];
	_ =	sdelay $0x3  }
0x94: {  	_ =	strace s2  }
0x95: {  	s2 =	sld [smem:$0x3FFD];
	_ =	sdelay $0x3  }
0x96: {  	_ =	strace s2  }
0x97: {  	_ =	strace $0x8FFFFFFF  }
0x98: {  	s18 =	sld [smem:$0x3FDB];
	_ =	sdelay $0x1  }
0x99: {  	s19 =	simm.s32 $_scs_section_size  }
0x9a: {  	s4 =	simm.s32 $_size__tile_overlayer_lowered;
	s5 =	simm.s32 $_tile_overlayer_lowered  }
0x9b: {  	s22 =	simm.s32 $0x1BFF;
	s21 =	sshll.u32 s5, $0x1;
	s2 =	sadd.s32 s19, s18  }
0x9c: {  	s6 =	simm.s32 $0x0;
	s20 =	sshll.u32 s4, $0x1;
	s4 =	sadd.s32 s21, s2  }
0x9d: {  	[timem:s6], [sflag:s22] =	dma.local [hbm:s4], s20  }
0x9e: {  	_ =	swait.ge [sflag:s22], s20  }
0x9f: {  	s3 =	ssub.s32 $0x0, s20;
	[sflag:s22] =	ssyncset.done $0x0  }
0xa0: {  	[sflag:s22] =	ssyncadd.s32 s3;
	_ =	sdelay $0x1  }
0xa1: {  	s23 =	simm.s32 $0x1B8B  }
0xa2: {  	_ =	swait.ge [sflag:s23], $0x1  }
0xa3: {  	[sflag:s23] =	ssyncset.done $0x0  }
0xa4: {  	s25 =	simm.s32 $0x1B8E;
	s24 =	sld [smem:$0x3FFE];
	[sflag:s23] =	ssyncadd.s32 $0xFFFFFFFF  }
0xa5: {  	s26 =	simm.s32 $execute0_lowered;
	[smem:$0x3FD2] =	sst s25  }
0xa6: {  	s4 =	sshll.u32 s26, $0x1;
	_ =	strace $0x80000046;
	[dreg:$0x1] =	wrdreg $0xFFFFFFFF  }
0xa7: {  	s28 =	simm.s32 $_size_execute0_lowered;
	s2 =	sadd.s32 s2, s4;
	[dreg:$0x0] =	wrdreg $0x0  }
0xa8: {  	s4 =	sshll.u32 s28, $0x1;
	[dreg:$0x2] =	wrdreg s2  }
0xa9: {  	[dreg:$0x3] =	wrdreg s4  }
0xaa: {  	[dreg:$0x4] =	wrdreg $0xC0  }
0xab: {  	_ =	task [dreg:s6], $0x5FFFF  }
0xac: {  	[dreg:$0x1] =	wrdreg $0xFFFFFFFF  }
0xad: {  	[dreg:$0x0] =	wrdreg $0x60  }
0xae: {  	[dreg:$0x2] =	wrdreg s24  }
0xaf: {  	[dreg:$0x3] =	wrdreg $0xB9800  }
0xb0: {  	[dreg:$0x4] =	wrdreg $0x9  }
0xb1: {  	_ =	task.clear_ibuf [dreg:s6], $0x5FFFF;
	_ =	strace $0x90000046  }
0xb2: {  	s29 =	simm.s32 $0x9;
	_ =	strace $0x80000048  }
0xb3: {  	_ =	swait.ge [sflag:s29], $0x1  }
0xb4: {  	[sflag:s29] =	ssyncadd.s32 $0xFFFFFFFF  }
0xb5: {  	_ =	strace $0x90000048  }
0xb6: {  	_ =	sfence  }
0xb7: {  	s30 =	sld [smem:$0x0];
	_ =	sdelay $0x2  }
0xb8: {  	s31 =	sshll.u32 s1, $0xD;
	s1 =	sshrl.u32 s1, $0x2  }
0xb9: {  	s3 =	sand.u32 $0x4000, s31;
	s1 =	sadd.s32 s1, s30  }
0xba: {  	s0 =	sor.u32 s3, s0;
	s1 =	sshll.u32 s1, $0x11  }
0xbb: {  	s0 =	sor.u32 s1, s0  }
0xbc: {  	s0 =	sadd.s32 $0x8F2B, s0  }
0xbd: {  	[sflag:s0] =	ssyncadd.remote.s32 $0x1  }
0xbe: {  	_ =	sfence.sel $0xFFFF  }
0xbf: {  	[dreg:$0x0] =	wrdreg $0xFFFFFFFF;
	(pc) =	sbr.abs _section_cstart, $3  }
0xc0: {  	[dreg:$0x1] =	wrdreg $0xFFFFFFFF  }
0xc1: {  	_ =	task.clear_ibuf [dreg:s6], $0x2FFFF;
	_ =	strace $0x9FFFFFFF  }
0xc2: {  	(tm) =	ssettm $0x7FFFFFFF  }
0xc3: {  	_ =	shalt  }
tec
execute0_lowered:
.L_overlay_start_1:
0x0: {  	(tag) =	ssettag $0x1  }
0x1: {  	s9 =	rddreg [dreg:$0x0]  }
0x2: {  	s2 =	rddreg [dreg:$0x1]  }
0x3: {  	s0 =	rddreg [dreg:$0x2];
	s3 =	simm.s32 $0x0;
	s1 =	stileid.u32  }
0x4: {  	s4 =	srdreg.scid;
	s12 =	simm.s32 $0x1BAE00;
	s14 =	simm.s32 $0x2980  }
0x5: {  	s15 =	simm.s32 $0x2800;
	s16 =	simm.s32 $0x5980;
	s17 =	simm.s32 $0x2880  }
0x6: {  	s18 =	simm.s32 $0x8980;
	s19 =	simm.s32 $0x1;
	s20 =	simm.s32 $0x2900  }
0x7: {  	s22 =	simm.s32 $0x3;
	s23 =	simm.s32 $0x0;
	s5 =	smul.u32 $0x4EC, s1  }
0x8: {  	[smem:$0x7FF] =	sst s3;
	s8 =	sand.u32 $0x1, s4;
	s6 =	smul.u32 $0x4F000, s1  }
0x9: {  	s4 =	sadd.s32 $0xA400, s9;
	s31 =	sshll.u32 s1, $0x6;
	s13 =	smul.u32 $0x2780, s1  }
0xa: {  	_ =	strace $0x80000047;
	s10 =	ssub.s32 $0x2, s8;
	p0 =	seq.s32 s8, $0x1  }
0xb: {  	s21 =	smul.u32 $0x9C40, s8;
	s7 =	sadd.s32 s5, s9;
	s5 =	sadd.s32 $0x190E00, s9  }
0xc: {  	s11 =	sshrl.u32 s10, $0x1;
	s6 =	sshrl.u32 s6, $0x2;
	s12 =	simm.s32 @!p0 $0x193600  }
0xd: {  	s10 =	ssub.s32 s10, s11;
	s30 =	sadd.s32 s6, s2;
	s6 =	sor.u32 $0x1C04, s31  }
0xe: {  	s7 =	sadd.s32 $0x5400, s7;
	s9 =	sadd.s32 s12, s9;
	s11 =	simm.s32 $0x4  }
0xf: {  	s12 =	simm.s32 $0x60;
	v0 =	vmov s21;
	s21 =	simm.s32 $0x2;
	s8 =	smax.u32 s10, $0x1  }
0x10: {  	s9 =	sadd.s32 s9, s13;
	s10 =	sshrl.u32 s30, $0x3;
	s13 =	simm.s32 $0x2780  }
.LBB2_1:
0x11: {  	[spmem:s10], [sflag:s6] =	dma.local [hbm:s5], $0x2780  }
0x12: {  	_ =	swait.ge [sflag:s11], $0x2780  }
0x13: {  	[sflag:s11] =	ssyncset.done $0x0  }
0x14: {  	[sflag:s11] =	ssyncadd.s32 $0xFFFFD880  }
0x15: {  	[tilespmem:s3], [sflag:$0x4] =	stream.linear.gather [hbm4b:s7+s3], $0x2760, $0x38;
	[tilespmem:$0x1F580] =	vst v63  }
0x16: {  	_ =	swait.ge [sflag:s11], $0x2760  }
0x17: {  	[sflag:s11] =	ssyncset.done $0x0  }
0x18: {  	[sflag:s11] =	ssyncadd.s32 $0xFFFFD8A0  }
0x19: {  	[bflag:$0x0] =	sbarrier.arrive $0xFFFF  }
0x1a: {  	v1 =	vld [tilespmem:$0x0]  }
0x1b: {  	v2 =	vld [tilespmem:$0x10]  }
0x1c: {  	v3 =	vld [tilespmem:$0x20]  }
0x1d: {  	v4 =	vld [tilespmem:$0x30]  }
0x1e: {  	v5 =	vld [tilespmem:$0x40]  }
0x1f: {  	v6 =	vld [tilespmem:$0x50];
	v1 =	vand.u32 $0x1FFFF, v1  }
0x20: {  	v2 =	vand.u32 $0x1FFFF, v2;
	v1 =	vadd.s32 v0, v1  }
0x21: {  	[tilespmem:$0x2780] =	vst v1;
	v1 =	vadd.s32 v0, v2;
	v2 =	vand.u32 $0x1FFFF, v3  }
0x22: {  	[tilespmem:$0x2790] =	vst v1;
	v1 =	vadd.s32 v0, v2;
	v2 =	vand.u32 $0x1FFFF, v4  }
0x23: {  	[tilespmem:$0x27A0] =	vst v1;
	v1 =	vadd.s32 v0, v2;
	v2 =	vand.u32 $0x1FFFF, v5  }
0x24: {  	[tilespmem:$0x27B0] =	vst v1;
	v1 =	vadd.s32 v0, v2;
	v2 =	vand.u32 $0x1FFFF, v6  }
0x25: {  	[tilespmem:$0x27C0] =	vst v1;
	v1 =	vadd.s32 v0, v2  }
0x26: {  	[tilespmem:$0x27D0] =	vst v1  }
0x27: {  	[tilespmem:s14], [sflag:$0x1] =	stream.indirect.gather [hbm4b:s4+s12], $0x80, s13, s12, $0xb8;
	[tilespmem:$0x1F580] =	vst v63  }
0x28: {  	v1 =	vld [tilespmem:$0x60]  }
0x29: {  	v2 =	vld [tilespmem:$0x70]  }
0x2a: {  	v3 =	vld [tilespmem:$0x80]  }
0x2b: {  	v61 =	vld [tilespmem:$0x90]  }
0x2c: {  	v62 =	vld [tilespmem:$0xA0]  }
0x2d: {  	v63 =	vld [tilespmem:$0xB0];
	v1 =	vand.u32 $0x1FFFF, v1  }
0x2e: {  	v2 =	vand.u32 $0x1FFFF, v2;
	v1 =	vadd.s32 v0, v1  }
0x2f: {  	[tilespmem:$0x2800] =	vst v1;
	v1 =	vadd.s32 v0, v2;
	v2 =	vand.u32 $0x1FFFF, v3  }
0x30: {  	[tilespmem:$0x2810] =	vst v1;
	v1 =	vadd.s32 v0, v2;
	v2 =	vand.u32 $0x1FFFF, v61  }
0x31: {  	[tilespmem:$0x2820] =	vst v1;
	v1 =	vadd.s32 v0, v2;
	v2 =	vand.u32 $0x1FFFF, v62  }
0x32: {  	[tilespmem:$0x2830] =	vst v1;
	v1 =	vadd.s32 v0, v2;
	v2 =	vand.u32 $0x1FFFF, v63  }
0x33: {  	[tilespmem:$0x2840] =	vst v1;
	v1 =	vadd.s32 v0, v2  }
0x34: {  	s24 =	simm.s32 $0x0;
	[tilespmem:$0x2850] =	vst v1  }
0x35: {  	[tilespmem:s16], [sflag:$0x2] =	stream.indirect.gather [hbm4b:s4+s12], $0x80, s15, s12, $0xb8;
	[tilespmem:$0x1F580] =	vst v63  }
.LBB2_2:
0x36: {  	s25 =	sshra.s32 s24, $0x2  }
0x37: {  	v1 =	vld [tilespmem:s25+$0xC0];
	_ =	sdelay $0x4  }
0x38: {  	v1 =	vand.u32 $0x1FFFF, v1  }
0x39: {  	v1 =	vadd.s32 v0, v1  }
0x3a: {  	[tilespmem:$0x2880] =	vst v1  }
0x3b: {  	v1 =	vld [tilespmem:s25+$0xD0];
	_ =	sdelay $0x4  }
0x3c: {  	v1 =	vand.u32 $0x1FFFF, v1  }
0x3d: {  	v1 =	vadd.s32 v0, v1  }
0x3e: {  	[tilespmem:$0x2890] =	vst v1  }
0x3f: {  	v1 =	vld [tilespmem:s25+$0xE0];
	_ =	sdelay $0x4  }
0x40: {  	v1 =	vand.u32 $0x1FFFF, v1  }
0x41: {  	v1 =	vadd.s32 v0, v1  }
0x42: {  	[tilespmem:$0x28A0] =	vst v1  }
0x43: {  	v1 =	vld [tilespmem:s25+$0xF0];
	_ =	sdelay $0x4  }
0x44: {  	v1 =	vand.u32 $0x1FFFF, v1  }
0x45: {  	v1 =	vadd.s32 v0, v1  }
0x46: {  	[tilespmem:$0x28B0] =	vst v1  }
0x47: {  	v1 =	vld [tilespmem:s25+$0x100];
	_ =	sdelay $0x4  }
0x48: {  	v1 =	vand.u32 $0x1FFFF, v1  }
0x49: {  	v1 =	vadd.s32 v0, v1  }
0x4a: {  	[tilespmem:$0x28C0] =	vst v1  }
0x4b: {  	v1 =	vld [tilespmem:s25+$0x110];
	_ =	sdelay $0x4  }
0x4c: {  	v1 =	vand.u32 $0x1FFFF, v1  }
0x4d: {  	v1 =	vadd.s32 v0, v1  }
0x4e: {  	[tilespmem:$0x28D0] =	vst v1  }
0x4f: {  	[tilespmem:s18], [sflag:$0x3] =	stream.indirect.gather [hbm4b:s4+s12], $0x80, s17, s12, $0xb8;
	[tilespmem:$0x1F580] =	vst v63  }
0x50: {  	_ =	swait.ge [sflag:s19], $0x3000  }
0x51: {  	[sflag:s19] =	ssyncset.done $0x0  }
0x52: {  	[sflag:s19] =	ssyncadd.s32 $0xFFFFD000  }
0x53: {  	v1 =	vld [tilespmem:s25+$0x0];
	_ =	sdelay $0x4  }
0x54: {  	v1 =	vshrl.u32 v1, $0x11  }
0x55: {  	[tilespmem:$0x2900] =	vst v1  }
0x56: {  	v1 =	vld [tilespmem:s25+$0x10];
	_ =	sdelay $0x4  }
0x57: {  	v1 =	vshrl.u32 v1, $0x11  }
0x58: {  	[tilespmem:$0x2910] =	vst v1  }
0x59: {  	v1 =	vld [tilespmem:s25+$0x20];
	_ =	sdelay $0x4  }
0x5a: {  	v1 =	vshrl.u32 v1, $0x11  }
0x5b: {  	[tilespmem:$0x2920] =	vst v1  }
0x5c: {  	v1 =	vld [tilespmem:s25+$0x30];
	_ =	sdelay $0x4  }
0x5d: {  	v1 =	vshrl.u32 v1, $0x11  }
0x5e: {  	[tilespmem:$0x2930] =	vst v1  }
0x5f: {  	v1 =	vld [tilespmem:s25+$0x40];
	_ =	sdelay $0x4  }
0x60: {  	v1 =	vshrl.u32 v1, $0x11  }
0x61: {  	[tilespmem:$0x2940] =	vst v1  }
0x62: {  	v1 =	vld [tilespmem:s25+$0x50];
	_ =	sdelay $0x4  }
0x63: {  	v1 =	vshrl.u32 v1, $0x11  }
0x64: {  	[tilespmem:$0x2950] =	vst v1  }
0x65: {  	[spmem:s2] =	stream.indirect.scatter.add.f32 [tilespmem:s14], [sflag:$0x4], $0x80, s20, s12, $0xb8;
	[tilespmem:$0x1F580] =	vst v63  }
0x66: {  	_ =	swait.ge [sflag:s11], $0x3000  }
0x67: {  	p0 =	seq.s32 s24, $0x9900;
	[sflag:s11] =	ssyncset.done $0x0  }
0x68: {  	s26 =	sshra.s32 @!p0 s24, $0x2;
	[sflag:s11] =	ssyncadd.s32 $0xFFFFD000  }
0x69: {  	v1 =	vld @!p0 [tilespmem:s26+$0x120];
	_ =	sdelay $0x4  }
0x6a: {  	v1 =	vand.u32 @!p0 $0x1FFFF, v1  }
0x6b: {  	v1 =	vadd.s32 @!p0 v0, v1  }
0x6c: {  	[tilespmem:$0x2780] =	vst @!p0 v1  }
0x6d: {  	v1 =	vld @!p0 [tilespmem:s26+$0x130];
	_ =	sdelay $0x4  }
0x6e: {  	v1 =	vand.u32 @!p0 $0x1FFFF, v1  }
0x6f: {  	v1 =	vadd.s32 @!p0 v0, v1  }
0x70: {  	[tilespmem:$0x2790] =	vst @!p0 v1  }
0x71: {  	v1 =	vld @!p0 [tilespmem:s26+$0x140];
	_ =	sdelay $0x4  }
0x72: {  	v1 =	vand.u32 @!p0 $0x1FFFF, v1  }
0x73: {  	v1 =	vadd.s32 @!p0 v0, v1  }
0x74: {  	[tilespmem:$0x27A0] =	vst @!p0 v1  }
0x75: {  	v1 =	vld @!p0 [tilespmem:s26+$0x150];
	_ =	sdelay $0x4  }
0x76: {  	v1 =	vand.u32 @!p0 $0x1FFFF, v1  }
0x77: {  	v1 =	vadd.s32 @!p0 v0, v1  }
0x78: {  	[tilespmem:$0x27B0] =	vst @!p0 v1  }
0x79: {  	v1 =	vld @!p0 [tilespmem:s26+$0x160];
	_ =	sdelay $0x4  }
0x7a: {  	v1 =	vand.u32 @!p0 $0x1FFFF, v1  }
0x7b: {  	v1 =	vadd.s32 @!p0 v0, v1  }
0x7c: {  	[tilespmem:$0x27C0] =	vst @!p0 v1  }
0x7d: {  	v1 =	vld @!p0 [tilespmem:s26+$0x170];
	_ =	sdelay $0x4  }
0x7e: {  	v1 =	vand.u32 @!p0 $0x1FFFF, v1  }
0x7f: {  	v1 =	vadd.s32 @!p0 v0, v1  }
0x80: {  	s28 =	simm.s32 @!p0 $0x60;
	s29 =	simm.s32 @!p0 $0x2780;
	s30 =	simm.s32 @!p0 $0x2980;
	[tilespmem:$0x27D0] =	vst @!p0 v1  }
0x81: {  	[tilespmem:s30], [sflag:$0x1] =	stream.indirect.gather @!p0 [hbm4b:s4+s28], $0x80, s29, s28, $0xb8;
	[tilespmem:$0x1F580] =	vst v63  }
0x82: {  	_ =	swait.ge [sflag:s21], $0x3000  }
0x83: {  	[sflag:s21] =	ssyncset.done $0x0  }
0x84: {  	[sflag:s21] =	ssyncadd.s32 $0xFFFFD000  }
0x85: {  	v1 =	vld [tilespmem:s25+$0x60];
	_ =	sdelay $0x4  }
0x86: {  	v1 =	vshrl.u32 v1, $0x11  }
0x87: {  	[tilespmem:$0x2900] =	vst v1  }
0x88: {  	v1 =	vld [tilespmem:s25+$0x70];
	_ =	sdelay $0x4  }
0x89: {  	v1 =	vshrl.u32 v1, $0x11  }
0x8a: {  	[tilespmem:$0x2910] =	vst v1  }
0x8b: {  	v1 =	vld [tilespmem:s25+$0x80];
	_ =	sdelay $0x4  }
0x8c: {  	v1 =	vshrl.u32 v1, $0x11  }
0x8d: {  	[tilespmem:$0x2920] =	vst v1  }
0x8e: {  	v1 =	vld [tilespmem:s25+$0x90];
	_ =	sdelay $0x4  }
0x8f: {  	v1 =	vshrl.u32 v1, $0x11  }
0x90: {  	[tilespmem:$0x2930] =	vst v1  }
0x91: {  	v1 =	vld [tilespmem:s25+$0xA0];
	_ =	sdelay $0x4  }
0x92: {  	v1 =	vshrl.u32 v1, $0x11  }
0x93: {  	[tilespmem:$0x2940] =	vst v1  }
0x94: {  	v1 =	vld [tilespmem:s25+$0xB0];
	_ =	sdelay $0x4  }
0x95: {  	v1 =	vshrl.u32 v1, $0x11  }
0x96: {  	[tilespmem:$0x2950] =	vst v1  }
0x97: {  	[spmem:s2] =	stream.indirect.scatter.add.f32 [tilespmem:s16], [sflag:$0x4], $0x80, s20, s12, $0xb8;
	[tilespmem:$0x1F580] =	vst v63  }
0x98: {  	_ =	swait.ge [sflag:s11], $0x3000  }
0x99: {  	[sflag:s11] =	ssyncset.done $0x0  }
0x9a: {  	[sflag:s11] =	ssyncadd.s32 $0xFFFFD000  }
0x9b: {  	v1 =	vld @!p0 [tilespmem:s26+$0x180];
	_ =	sdelay $0x4  }
0x9c: {  	v1 =	vand.u32 @!p0 $0x1FFFF, v1  }
0x9d: {  	v1 =	vadd.s32 @!p0 v0, v1  }
0x9e: {  	[tilespmem:$0x2800] =	vst @!p0 v1  }
0x9f: {  	v1 =	vld @!p0 [tilespmem:s26+$0x190];
	_ =	sdelay $0x4  }
0xa0: {  	v1 =	vand.u32 @!p0 $0x1FFFF, v1  }
0xa1: {  	v1 =	vadd.s32 @!p0 v0, v1  }
0xa2: {  	[tilespmem:$0x2810] =	vst @!p0 v1  }
0xa3: {  	v1 =	vld @!p0 [tilespmem:s26+$0x1A0];
	_ =	sdelay $0x4  }
0xa4: {  	v1 =	vand.u32 @!p0 $0x1FFFF, v1  }
0xa5: {  	v1 =	vadd.s32 @!p0 v0, v1  }
0xa6: {  	[tilespmem:$0x2820] =	vst @!p0 v1  }
0xa7: {  	v1 =	vld @!p0 [tilespmem:s26+$0x1B0];
	_ =	sdelay $0x4  }
0xa8: {  	v1 =	vand.u32 @!p0 $0x1FFFF, v1  }
0xa9: {  	v1 =	vadd.s32 @!p0 v0, v1  }
0xaa: {  	[tilespmem:$0x2830] =	vst @!p0 v1  }
0xab: {  	v1 =	vld @!p0 [tilespmem:s26+$0x1C0];
	_ =	sdelay $0x4  }
0xac: {  	v1 =	vand.u32 @!p0 $0x1FFFF, v1  }
0xad: {  	v1 =	vadd.s32 @!p0 v0, v1  }
0xae: {  	[tilespmem:$0x2840] =	vst @!p0 v1  }
0xaf: {  	v1 =	vld @!p0 [tilespmem:s26+$0x1D0];
	_ =	sdelay $0x4  }
0xb0: {  	v1 =	vand.u32 @!p0 $0x1FFFF, v1  }
0xb1: {  	v1 =	vadd.s32 @!p0 v0, v1  }
0xb2: {  	s29 =	simm.s32 @!p0 $0x5980;
	s26 =	simm.s32 @!p0 $0x2800;
	[tilespmem:$0x2850] =	vst @!p0 v1  }
0xb3: {  	[tilespmem:s29], [sflag:$0x2] =	stream.indirect.gather @!p0 [hbm4b:s4+s28], $0x80, s26, s28, $0xb8;
	[tilespmem:$0x1F580] =	vst v63  }
0xb4: {  	_ =	swait.ge [sflag:s22], $0x3000  }
0xb5: {  	[sflag:s22] =	ssyncset.done $0x0  }
0xb6: {  	[sflag:s22] =	ssyncadd.s32 $0xFFFFD000  }
0xb7: {  	v1 =	vld [tilespmem:s25+$0xC0];
	_ =	sdelay $0x4  }
0xb8: {  	v1 =	vshrl.u32 v1, $0x11  }
0xb9: {  	[tilespmem:$0x2900] =	vst v1  }
0xba: {  	v1 =	vld [tilespmem:s25+$0xD0];
	_ =	sdelay $0x4  }
0xbb: {  	v1 =	vshrl.u32 v1, $0x11  }
0xbc: {  	[tilespmem:$0x2910] =	vst v1  }
0xbd: {  	v1 =	vld [tilespmem:s25+$0xE0];
	_ =	sdelay $0x4  }
0xbe: {  	v1 =	vshrl.u32 v1, $0x11  }
0xbf: {  	[tilespmem:$0x2920] =	vst v1  }
0xc0: {  	v1 =	vld [tilespmem:s25+$0xF0];
	_ =	sdelay $0x4  }
0xc1: {  	v1 =	vshrl.u32 v1, $0x11  }
0xc2: {  	[tilespmem:$0x2930] =	vst v1  }
0xc3: {  	v1 =	vld [tilespmem:s25+$0x100];
	_ =	sdelay $0x4  }
0xc4: {  	v1 =	vshrl.u32 v1, $0x11  }
0xc5: {  	[tilespmem:$0x2940] =	vst v1  }
0xc6: {  	v1 =	vld [tilespmem:s25+$0x110];
	_ =	sdelay $0x3  }
0xc7: {  	s24 =	sadd.s32 $0x480, s24  }
0xc8: {  	p0 =	sne.s32 s24, $0x9D80;
	v1 =	vshrl.u32 v1, $0x11  }
.Ltmp0:
0xc9: {  	[tilespmem:$0x2950] =	vst v1;
	(pc) =	sbr.rel @p0 .LBB2_2-.Ltmp0, $4  }
0xca: {  	[spmem:s2] =	stream.indirect.scatter.add.f32 [tilespmem:s18], [sflag:$0x4], $0x80, s20, s12, $0xb8;
	[tilespmem:$0x1F580] =	vst v63  }
0xcb: {  	_ =	swait.ge [sflag:s11], $0x3000  }
0xcc: {  	[sflag:s11] =	ssyncset.done $0x0  }
0xcd: {  	[sflag:s11] =	ssyncadd.s32 $0xFFFFD000  }
0xce: {  	s23 =	sadd.s32 $0x1, s23  }
0xcf: {  	p0 =	sne.s32 s23, s8  }
.Ltmp1:
0xd0: {  	[bflag:$0x0] =	sbarrier.arrive $0xFFFF;
	(pc) =	sbr.rel @p0 .LBB2_1-.Ltmp1, $4  }
0xd1: {  	[hbm:s9], [sflag:s6] =	dma.local [spmem:s10], $0x2780  }
0xd2: {  	_ =	swait.ge [sflag:s11], $0x2780  }
0xd3: {  	[sflag:s11] =	ssyncset.done $0x0  }
0xd4: {  	[sflag:s11] =	ssyncadd.s32 $0xFFFFD880  }
0xd5: {  	_ =	sfence.sel $0x180000  }
0xd6: {  	[bflag:$0x0] =	sbarrier.arrive $0xFFFF  }
0xd7: {  	p0 =	sne.s32 s1, $0x0;
	_ =	strace $0x90000047  }
0xd8: {  	s0 =	sadd.s32 @!p0 $0x100000, s0;
	[bflag:$0x2] =	sbarrier.arrive $0xFFFF  }
0xd9: {  	[sflag:s0] =	ssyncadd.tile.s32 @!p0 $0x1;
	_ =	shalt  }
.Lfunc_end2:
_tile_overlayer_lowered:
.L_overlay_start_2:
0xda: {  	(tag) =	ssettag $0x2  }
0xdb: {  	s0 =	rddreg [dreg:$0x0];
	s2 =	stileid.u32  }
0xdc: {  	s1 =	rddreg [dreg:$0x1];
	p0 =	sne.s32 s2, $0x0  }
0xdd: {  	s3 =	rddreg [dreg:$0x2];
	[bflag:$0x3] =	sbarrier.arrive $0xFFFF;
	s2 =	simm.s32 @!p0 $0x1C04  }
0xde: {  	[timem:s3], [sflag:s2] =	dma.local @!p0 [hbm:s0], s1  }
0xdf: {  	s0 =	simm.s32 @!p0 $0x4  }
0xe0: {  	_ =	swait.ge @!p0 [sflag:s0], s1  }
0xe1: {  	s1 =	ssub.s32 @!p0 $0x0, s1;
	[sflag:s0] =	ssyncset.done @!p0 $0x0  }
0xe2: {  	[sflag:s0] =	ssyncadd.s32 @!p0 s1  }
0xe3: {  	[bflag:$0x3] =	sbarrier.arrive $0xFFFF  }
0xe4: {  	_ =	shalt  }

// kernel: kernel.14.cloned.1.call-start
scs
__scs_entry_jumppad:
0x0: {  	(pc) =	sbr.rel $0x88, $3  }
0x1: {  	(tag) =	ssettag $0x0;
	lr =	simm.s32 $0x1  }
0x2: {  	[smem:$0x3F93] =	sst lr;
	_ =	strace $0xD0000000  }
0x3: {  	_ = 	snop  }
0x4: {  	_ = 	snop  }
0x5: {  	_ = 	snop  }
0x6: {  	_ = 	snop  }
0x7: {  	_ = 	snop  }
__scs_overlays_trampoline_lowered:
0x8: {  	[smem:$0x3FA2] =	sst s0  }
0x9: {  	[smem:$0x3FA3] =	sst s1  }
0xa: {  	[smem:$0x3FA4] =	sst s2  }
0xb: {  	[smem:$0x3FA5] =	sst s3  }
0xc: {  	[smem:$0x3FA6] =	sst s4  }
0xd: {  	[smem:$0x3FA7] =	sst s5  }
0xe: {  	[smem:$0x3FA8] =	sst s6  }
0xf: {  	[smem:$0x3FA9] =	sst s7  }
0x10: {  	[smem:$0x3FAA] =	sst s8  }
0x11: {  	[smem:$0x3FAB] =	sst s9;
	s0 =	simm.s32 @!p0 $0x0  }
0x12: {  	s1 =	sld [smem:$0x3F91];
	s0 =	simm.s32 @p0 $0x1  }
0x13: {  	[smem:$0x3FAC] =	sst s0;
	s0 =	simm.s32 @!p1 $0x0  }
0x14: {  	s2 =	sld [smem:$0x3F90];
	s0 =	simm.s32 @p1 $0x1  }
0x15: {  	[smem:$0x3FAD] =	sst s0;
	s0 =	simm.s32 @!p2 $0x0  }
0x16: {  	s3 =	sld [smem:$0x3FDB];
	s0 =	simm.s32 @p2 $0x1  }
0x17: {  	s4 =	simm.s32 $0x1BF5;
	[smem:$0x3FAF] =	sst s0  }
0x18: {  	s0 =	sld [smem:$0x3F92];
	_ =	swait.ge [sflag:s4], $0x0  }
0x19: {  	s7 =	sld [smem:$0x3F93]  }
0x1a: {  	s8 =	sadd.s32 $0xFFFFE003, lr  }
0x1b: {  	s9 =	sadd.s32 $0xFFFFFEF7, lr;
	s5 =	simm.s32 $0xFFFFFFFF;
	p2 =	slt.u32 s8, $0xFFFFF086  }
0x1c: {  	p1 =	slt.u32 s9, $0xF7A;
	s5 =	simm.s32 @!p2 $0x0  }
0x1d: {  	s5 =	simm.s32 @p1 $0x1;
	p0 =	seq.s32 s7, s2  }
0x1e: {  	s7 =	smul.u32 @!p0 $0xF7A, s2;
	p2 =	seq.s32 @!p0 s5, $0x0  }
0x1f: {  	s9 =	smul.u32 $0xF7A, s1;
	s8 =	simm.s32 @!p0 $0x1BF5;
	p2 =	por !p2, p0  }
0x20: {  	[sflag:s8] =	ssyncset.s32 @!p0 $0xFFFFF086;
	s6 =	sadd.s32 @!p0 s3, s7;
	s7 =	simm.s32 @!p0 $0x108  }
0x21: {  	s3 =	sadd.s32 s3, s9;
	s6 =	sadd.s32 @!p0 $0x88, s6;
	s7 =	simm.s32 @p2 $0x1082  }
0x22: {  	[simem:s7], [sflag:s8] =	dma.local @!p0 [hbm:s6], $0xF7A  }
0x23: {  	s9 =	sor.u32 $0xD0000000, s2;
	s6 =	simm.s32 $0x108;
	_ =	swait.ge @!p0 [sflag:s8], $0x0  }
0x24: {  	s3 =	sadd.s32 $0x88, s3;
	s6 =	simm.s32 @!p1 $0x1082;
	[sflag:s4] =	ssyncset.s32 $0xFFFFF086  }
0x25: {  	[simem:s6], [sflag:s4] =	dma.local [hbm:s3], $0xF7A  }
0x26: {  	[smem:$0x3F93] =	sst s1;
	(tag) =	ssettag s2;
	_ =	strace s9  }
0x27: {  	s1 =	sld [smem:$0x3FA3]  }
0x28: {  	s2 =	sld [smem:$0x3FA4]  }
0x29: {  	s4 =	sld [smem:$0x3FA6]  }
0x2a: {  	p0 =	seq.s32 s5, $0x0;
	s5 =	sld [smem:$0x3FA7]  }
0x2b: {  	s6 =	sld [smem:$0x3FA8]  }
0x2c: {  	s7 =	sld [smem:$0x3FA9]  }
0x2d: {  	s3 =	simm.s32 $0x108;
	s8 =	sld [smem:$0x3FAA]  }
0x2e: {  	s3 =	simm.s32 @!p0 $0x1082;
	s9 =	sld [smem:$0x3FAB]  }
0x2f: {  	lr =	sadd.s32 s0, s3;
	s0 =	sld [smem:$0x3FA2]  }
0x30: {  	s3 =	sld [smem:$0x3FA5]  }
0x31: {  	[smem:$0x3FAE] =	sst s10  }
0x32: {  	s10 =	sld [smem:$0x3FAC];
	_ =	sdelay $0x3  }
0x33: {  	p0 =	seq.s32 s10, $0x1;
	s10 =	sld [smem:$0x3FAE];
	_ =	sdelay $0x3  }
0x34: {  	[smem:$0x3FAE] =	sst s10  }
0x35: {  	s10 =	sld [smem:$0x3FAD];
	_ =	sdelay $0x3  }
0x36: {  	p1 =	seq.s32 s10, $0x1;
	s10 =	sld [smem:$0x3FAE];
	_ =	sdelay $0x3  }
0x37: {  	[smem:$0x3FAE] =	sst s10  }
0x38: {  	s10 =	sld [smem:$0x3FAF]  }
0x39: {  	_ = 	snop;
	(pc) =	sbr.ind lr, $3  }
0x3a: {  	_ = 	snop  }
0x3b: {  	_ = 	snop  }
0x3c: {  	p2 =	seq.s32 s10, $0x1;
	s10 =	sld [smem:$0x3FAE]  }
0x3d: {  	_ =	shalt  }
0x3e: {  	_ =	shalt  }
0x3f: {  	_ =	shalt  }
0x40: {  	_ =	shalt  }
0x41: {  	_ =	shalt  }
0x42: {  	_ =	shalt  }
0x43: {  	_ =	shalt  }
0x44: {  	_ =	shalt  }
0x45: {  	_ =	shalt  }
0x46: {  	_ =	shalt  }
0x47: {  	_ =	shalt  }
0x48: {  	_ =	shalt  }
0x49: {  	_ =	shalt  }
0x4a: {  	_ =	shalt  }
0x4b: {  	_ =	shalt  }
0x4c: {  	_ =	shalt  }
0x4d: {  	_ =	shalt  }
0x4e: {  	_ =	shalt  }
0x4f: {  	_ =	shalt  }
0x50: {  	_ =	shalt  }
0x51: {  	_ =	shalt  }
0x52: {  	_ =	shalt  }
0x53: {  	_ =	shalt  }
0x54: {  	_ =	shalt  }
0x55: {  	_ =	shalt  }
0x56: {  	_ =	shalt  }
0x57: {  	_ =	shalt  }
0x58: {  	_ =	shalt  }
0x59: {  	_ =	shalt  }
0x5a: {  	_ =	shalt  }
0x5b: {  	_ =	shalt  }
0x5c: {  	_ =	shalt  }
0x5d: {  	_ =	shalt  }
0x5e: {  	_ =	shalt  }
0x5f: {  	_ =	shalt  }
0x60: {  	_ =	shalt  }
0x61: {  	_ =	shalt  }
0x62: {  	_ =	shalt  }
0x63: {  	_ =	shalt  }
0x64: {  	_ =	shalt  }
0x65: {  	_ =	shalt  }
0x66: {  	_ =	shalt  }
0x67: {  	_ =	shalt  }
0x68: {  	_ =	shalt  }
0x69: {  	_ =	shalt  }
0x6a: {  	_ =	shalt  }
0x6b: {  	_ =	shalt  }
0x6c: {  	_ =	shalt  }
0x6d: {  	_ =	shalt  }
0x6e: {  	_ =	shalt  }
0x6f: {  	_ =	shalt  }
0x70: {  	_ =	shalt  }
0x71: {  	_ =	shalt  }
0x72: {  	_ =	shalt  }
0x73: {  	_ =	shalt  }
0x74: {  	_ =	shalt  }
0x75: {  	_ =	shalt  }
0x76: {  	_ =	shalt  }
0x77: {  	_ =	shalt  }
0x78: {  	_ =	shalt  }
0x79: {  	_ =	shalt  }
0x7a: {  	_ =	shalt  }
0x7b: {  	_ =	shalt  }
0x7c: {  	_ =	shalt  }
0x7d: {  	_ =	shalt  }
0x7e: {  	_ =	shalt  }
0x7f: {  	_ =	shalt  }
0x80: {  	_ =	shalt  }
0x81: {  	_ =	shalt  }
0x82: {  	_ =	shalt  }
0x83: {  	_ =	shalt  }
0x84: {  	_ =	shalt  }
0x85: {  	_ =	shalt  }
0x86: {  	_ =	shalt  }
0x87: {  	_ =	shalt  }
.Lfunc_end0:
.L_simem_size_0:
called_computation.1_lowered:
.L_overlay_start_0:
0x88: {  	s2 =	sld [smem:$0x3FD9]  }
0x89: {  	s3 =	sld [smem:$0x3FFE];
	_ =	sdelay $0x1  }
0x8a: {  	s1 =	srdreg.scid  }
0x8b: {  	s0 =	sand.u32 $0x1, s1  }
0x8c: {  	s16 =	sshll.u32 s0, $0xA;
	s2 =	sadd.s32 s3, s2  }
0x8d: {  	s2 =	sadd.s32 s2, s16  }
0x8e: {  	[smem:$0x3FBA] =	sst s2  }
0x8f: {  	_ = 	snop  }
0x90: {  	(tm) =	ssettm $0x1  }
0x91: {  	s17 =	sld [smem:$0x3FFB];
	_ =	sdelay $0x3  }
0x92: {  	_ =	strace s17  }
0x93: {  	s2 =	sld [smem:$0x3FFC];
	_ =	sdelay $0x3  }
0x94: {  	_ =	strace s2  }
0x95: {  	s2 =	sld [smem:$0x3FFD];
	_ =	sdelay $0x3  }
0x96: {  	_ =	strace s2  }
0x97: {  	_ =	strace $0x8FFFFFFF  }
0x98: {  	s18 =	sld [smem:$0x3FDB];
	_ =	sdelay $0x1  }
0x99: {  	s19 =	simm.s32 $_scs_section_size  }
0x9a: {  	s4 =	simm.s32 $_size__tile_overlayer_lowered;
	s5 =	simm.s32 $_tile_overlayer_lowered  }
0x9b: {  	s22 =	simm.s32 $0x1BFF;
	s21 =	sshll.u32 s5, $0x1;
	s2 =	sadd.s32 s19, s18  }
0x9c: {  	s6 =	simm.s32 $0x0;
	s20 =	sshll.u32 s4, $0x1;
	s4 =	sadd.s32 s21, s2  }
0x9d: {  	[timem:s6], [sflag:s22] =	dma.local [hbm:s4], s20  }
0x9e: {  	_ =	swait.ge [sflag:s22], s20  }
0x9f: {  	s3 =	ssub.s32 $0x0, s20;
	[sflag:s22] =	ssyncset.done $0x0  }
0xa0: {  	[sflag:s22] =	ssyncadd.s32 s3;
	_ =	sdelay $0x1  }
0xa1: {  	s23 =	simm.s32 $0x1B8B  }
0xa2: {  	_ =	swait.ge [sflag:s23], $0x1  }
0xa3: {  	[sflag:s23] =	ssyncset.done $0x0  }
0xa4: {  	s25 =	simm.s32 $0x1B8E;
	s24 =	sld [smem:$0x3FFE];
	[sflag:s23] =	ssyncadd.s32 $0xFFFFFFFF  }
0xa5: {  	s26 =	simm.s32 $execute0_lowered;
	[smem:$0x3FD2] =	sst s25  }
0xa6: {  	s4 =	sshll.u32 s26, $0x1;
	_ =	strace $0x80000049;
	[dreg:$0x1] =	wrdreg $0xFFFFFFFF  }
0xa7: {  	s28 =	simm.s32 $_size_execute0_lowered;
	s2 =	sadd.s32 s2, s4;
	[dreg:$0x0] =	wrdreg $0x0  }
0xa8: {  	s4 =	sshll.u32 s28, $0x1;
	[dreg:$0x2] =	wrdreg s2  }
0xa9: {  	[dreg:$0x3] =	wrdreg s4  }
0xaa: {  	[dreg:$0x4] =	wrdreg $0xC0  }
0xab: {  	_ =	task [dreg:s6], $0x5FFFF  }
0xac: {  	[dreg:$0x1] =	wrdreg $0xFFFFFFFF  }
0xad: {  	[dreg:$0x0] =	wrdreg $0x60  }
0xae: {  	[dreg:$0x2] =	wrdreg s24  }
0xaf: {  	[dreg:$0x3] =	wrdreg $0xB9800  }
0xb0: {  	[dreg:$0x4] =	wrdreg $0x9  }
0xb1: {  	_ =	task.clear_ibuf [dreg:s6], $0x5FFFF;
	_ =	strace $0x90000049  }
0xb2: {  	s29 =	simm.s32 $0x9;
	_ =	strace $0x8000004B  }
0xb3: {  	_ =	swait.ge [sflag:s29], $0x1  }
0xb4: {  	[sflag:s29] =	ssyncadd.s32 $0xFFFFFFFF  }
0xb5: {  	_ =	strace $0x9000004B  }
0xb6: {  	_ =	sfence  }
0xb7: {  	s30 =	sld [smem:$0x0];
	_ =	sdelay $0x2  }
0xb8: {  	s31 =	sshll.u32 s1, $0xD;
	s1 =	sshrl.u32 s1, $0x2  }
0xb9: {  	s3 =	sand.u32 $0x4000, s31;
	s1 =	sadd.s32 s1, s30  }
0xba: {  	s0 =	sor.u32 s3, s0;
	s1 =	sshll.u32 s1, $0x11  }
0xbb: {  	s0 =	sor.u32 s1, s0  }
0xbc: {  	s0 =	sadd.s32 $0x8F2B, s0  }
0xbd: {  	[sflag:s0] =	ssyncadd.remote.s32 $0x1  }
0xbe: {  	_ =	sfence.sel $0xFFFF  }
0xbf: {  	[dreg:$0x0] =	wrdreg $0xFFFFFFFF;
	(pc) =	sbr.abs _section_cstart, $3  }
0xc0: {  	[dreg:$0x1] =	wrdreg $0xFFFFFFFF  }
0xc1: {  	_ =	task.clear_ibuf [dreg:s6], $0x2FFFF;
	_ =	strace $0x9FFFFFFF  }
0xc2: {  	(tm) =	ssettm $0x7FFFFFFF  }
0xc3: {  	_ =	shalt  }
tec
execute0_lowered:
.L_overlay_start_1:
0x0: {  	(tag) =	ssettag $0x1  }
0x1: {  	s9 =	rddreg [dreg:$0x0]  }
0x2: {  	s2 =	rddreg [dreg:$0x1]  }
0x3: {  	s0 =	rddreg [dreg:$0x2];
	s3 =	simm.s32 $0x0;
	s1 =	stileid.u32  }
0x4: {  	s4 =	srdreg.scid;
	s12 =	simm.s32 $0x1E1800;
	s14 =	simm.s32 $0x2980  }
0x5: {  	s15 =	simm.s32 $0x2800;
	s16 =	simm.s32 $0x5980;
	s17 =	simm.s32 $0x2880  }
0x6: {  	s18 =	simm.s32 $0x8980;
	s19 =	simm.s32 $0x1;
	s20 =	simm.s32 $0x2900  }
0x7: {  	s22 =	simm.s32 $0x3;
	s23 =	simm.s32 $0x0;
	s5 =	smul.u32 $0x4EC, s1  }
0x8: {  	[smem:$0x7FF] =	sst s3;
	s8 =	sand.u32 $0x1, s4;
	s6 =	smul.u32 $0x4F000, s1  }
0x9: {  	s4 =	sadd.s32 $0xA400, s9;
	s31 =	sshll.u32 s1, $0x6;
	s13 =	smul.u32 $0x2780, s1  }
0xa: {  	_ =	strace $0x8000004A;
	s10 =	ssub.s32 $0x2, s8;
	p0 =	seq.s32 s8, $0x1  }
0xb: {  	s21 =	smul.u32 $0x9C40, s8;
	s7 =	sadd.s32 s5, s9;
	s5 =	sadd.s32 $0x190E00, s9  }
0xc: {  	s11 =	sshrl.u32 s10, $0x1;
	s6 =	sshrl.u32 s6, $0x2;
	s12 =	simm.s32 @!p0 $0x142C00  }
0xd: {  	s10 =	ssub.s32 s10, s11;
	s30 =	sadd.s32 s6, s2;
	s6 =	sor.u32 $0x1C04, s31  }
0xe: {  	s7 =	sadd.s32 $0x5400, s7;
	s9 =	sadd.s32 s12, s9;
	s11 =	simm.s32 $0x4  }
0xf: {  	s12 =	simm.s32 $0x60;
	v0 =	vmov s21;
	s21 =	simm.s32 $0x2;
	s8 =	smax.u32 s10, $0x1  }
0x10: {  	s9 =	sadd.s32 s9, s13;
	s10 =	sshrl.u32 s30, $0x3;
	s13 =	simm.s32 $0x2780  }
.LBB2_1:
0x11: {  	[spmem:s10], [sflag:s6] =	dma.local [hbm:s5], $0x2780  }
0x12: {  	_ =	swait.ge [sflag:s11], $0x2780  }
0x13: {  	[sflag:s11] =	ssyncset.done $0x0  }
0x14: {  	[sflag:s11] =	ssyncadd.s32 $0xFFFFD880  }
0x15: {  	[tilespmem:s3], [sflag:$0x4] =	stream.linear.gather [hbm4b:s7+s3], $0x2760, $0x38;
	[tilespmem:$0x1F580] =	vst v63  }
0x16: {  	_ =	swait.ge [sflag:s11], $0x2760  }
0x17: {  	[sflag:s11] =	ssyncset.done $0x0  }
0x18: {  	[sflag:s11] =	ssyncadd.s32 $0xFFFFD8A0  }
0x19: {  	[bflag:$0x0] =	sbarrier.arrive $0xFFFF  }
0x1a: {  	v1 =	vld [tilespmem:$0x0]  }
0x1b: {  	v2 =	vld [tilespmem:$0x10]  }
0x1c: {  	v3 =	vld [tilespmem:$0x20]  }
0x1d: {  	v4 =	vld [tilespmem:$0x30]  }
0x1e: {  	v5 =	vld [tilespmem:$0x40]  }
0x1f: {  	v6 =	vld [tilespmem:$0x50];
	v1 =	vand.u32 $0x1FFFF, v1  }
0x20: {  	v2 =	vand.u32 $0x1FFFF, v2;
	v1 =	vadd.s32 v0, v1  }
0x21: {  	[tilespmem:$0x2780] =	vst v1;
	v1 =	vadd.s32 v0, v2;
	v2 =	vand.u32 $0x1FFFF, v3  }
0x22: {  	[tilespmem:$0x2790] =	vst v1;
	v1 =	vadd.s32 v0, v2;
	v2 =	vand.u32 $0x1FFFF, v4  }
0x23: {  	[tilespmem:$0x27A0] =	vst v1;
	v1 =	vadd.s32 v0, v2;
	v2 =	vand.u32 $0x1FFFF, v5  }
0x24: {  	[tilespmem:$0x27B0] =	vst v1;
	v1 =	vadd.s32 v0, v2;
	v2 =	vand.u32 $0x1FFFF, v6  }
0x25: {  	[tilespmem:$0x27C0] =	vst v1;
	v1 =	vadd.s32 v0, v2  }
0x26: {  	[tilespmem:$0x27D0] =	vst v1  }
0x27: {  	[tilespmem:s14], [sflag:$0x1] =	stream.indirect.gather [hbm4b:s4+s12], $0x80, s13, s12, $0xb8;
	[tilespmem:$0x1F580] =	vst v63  }
0x28: {  	v1 =	vld [tilespmem:$0x60]  }
0x29: {  	v2 =	vld [tilespmem:$0x70]  }
0x2a: {  	v3 =	vld [tilespmem:$0x80]  }
0x2b: {  	v61 =	vld [tilespmem:$0x90]  }
0x2c: {  	v62 =	vld [tilespmem:$0xA0]  }
0x2d: {  	v63 =	vld [tilespmem:$0xB0];
	v1 =	vand.u32 $0x1FFFF, v1  }
0x2e: {  	v2 =	vand.u32 $0x1FFFF, v2;
	v1 =	vadd.s32 v0, v1  }
0x2f: {  	[tilespmem:$0x2800] =	vst v1;
	v1 =	vadd.s32 v0, v2;
	v2 =	vand.u32 $0x1FFFF, v3  }
0x30: {  	[tilespmem:$0x2810] =	vst v1;
	v1 =	vadd.s32 v0, v2;
	v2 =	vand.u32 $0x1FFFF, v61  }
0x31: {  	[tilespmem:$0x2820] =	vst v1;
	v1 =	vadd.s32 v0, v2;
	v2 =	vand.u32 $0x1FFFF, v62  }
0x32: {  	[tilespmem:$0x2830] =	vst v1;
	v1 =	vadd.s32 v0, v2;
	v2 =	vand.u32 $0x1FFFF, v63  }
0x33: {  	[tilespmem:$0x2840] =	vst v1;
	v1 =	vadd.s32 v0, v2  }
0x34: {  	s24 =	simm.s32 $0x0;
	[tilespmem:$0x2850] =	vst v1  }
0x35: {  	[tilespmem:s16], [sflag:$0x2] =	stream.indirect.gather [hbm4b:s4+s12], $0x80, s15, s12, $0xb8;
	[tilespmem:$0x1F580] =	vst v63  }
.LBB2_2:
0x36: {  	s25 =	sshra.s32 s24, $0x2  }
0x37: {  	v1 =	vld [tilespmem:s25+$0xC0];
	_ =	sdelay $0x4  }
0x38: {  	v1 =	vand.u32 $0x1FFFF, v1  }
0x39: {  	v1 =	vadd.s32 v0, v1  }
0x3a: {  	[tilespmem:$0x2880] =	vst v1  }
0x3b: {  	v1 =	vld [tilespmem:s25+$0xD0];
	_ =	sdelay $0x4  }
0x3c: {  	v1 =	vand.u32 $0x1FFFF, v1  }
0x3d: {  	v1 =	vadd.s32 v0, v1  }
0x3e: {  	[tilespmem:$0x2890] =	vst v1  }
0x3f: {  	v1 =	vld [tilespmem:s25+$0xE0];
	_ =	sdelay $0x4  }
0x40: {  	v1 =	vand.u32 $0x1FFFF, v1  }
0x41: {  	v1 =	vadd.s32 v0, v1  }
0x42: {  	[tilespmem:$0x28A0] =	vst v1  }
0x43: {  	v1 =	vld [tilespmem:s25+$0xF0];
	_ =	sdelay $0x4  }
0x44: {  	v1 =	vand.u32 $0x1FFFF, v1  }
0x45: {  	v1 =	vadd.s32 v0, v1  }
0x46: {  	[tilespmem:$0x28B0] =	vst v1  }
0x47: {  	v1 =	vld [tilespmem:s25+$0x100];
	_ =	sdelay $0x4  }
0x48: {  	v1 =	vand.u32 $0x1FFFF, v1  }
0x49: {  	v1 =	vadd.s32 v0, v1  }
0x4a: {  	[tilespmem:$0x28C0] =	vst v1  }
0x4b: {  	v1 =	vld [tilespmem:s25+$0x110];
	_ =	sdelay $0x4  }
0x4c: {  	v1 =	vand.u32 $0x1FFFF, v1  }
0x4d: {  	v1 =	vadd.s32 v0, v1  }
0x4e: {  	[tilespmem:$0x28D0] =	vst v1  }
0x4f: {  	[tilespmem:s18], [sflag:$0x3] =	stream.indirect.gather [hbm4b:s4+s12], $0x80, s17, s12, $0xb8;
	[tilespmem:$0x1F580] =	vst v63  }
0x50: {  	_ =	swait.ge [sflag:s19], $0x3000  }
0x51: {  	[sflag:s19] =	ssyncset.done $0x0  }
0x52: {  	[sflag:s19] =	ssyncadd.s32 $0xFFFFD000  }
0x53: {  	v1 =	vld [tilespmem:s25+$0x0];
	_ =	sdelay $0x4  }
0x54: {  	v1 =	vshrl.u32 v1, $0x11  }
0x55: {  	[tilespmem:$0x2900] =	vst v1  }
0x56: {  	v1 =	vld [tilespmem:s25+$0x10];
	_ =	sdelay $0x4  }
0x57: {  	v1 =	vshrl.u32 v1, $0x11  }
0x58: {  	[tilespmem:$0x2910] =	vst v1  }
0x59: {  	v1 =	vld [tilespmem:s25+$0x20];
	_ =	sdelay $0x4  }
0x5a: {  	v1 =	vshrl.u32 v1, $0x11  }
0x5b: {  	[tilespmem:$0x2920] =	vst v1  }
0x5c: {  	v1 =	vld [tilespmem:s25+$0x30];
	_ =	sdelay $0x4  }
0x5d: {  	v1 =	vshrl.u32 v1, $0x11  }
0x5e: {  	[tilespmem:$0x2930] =	vst v1  }
0x5f: {  	v1 =	vld [tilespmem:s25+$0x40];
	_ =	sdelay $0x4  }
0x60: {  	v1 =	vshrl.u32 v1, $0x11  }
0x61: {  	[tilespmem:$0x2940] =	vst v1  }
0x62: {  	v1 =	vld [tilespmem:s25+$0x50];
	_ =	sdelay $0x4  }
0x63: {  	v1 =	vshrl.u32 v1, $0x11  }
0x64: {  	[tilespmem:$0x2950] =	vst v1  }
0x65: {  	[spmem:s2] =	stream.indirect.scatter.add.f32 [tilespmem:s14], [sflag:$0x4], $0x80, s20, s12, $0xb8;
	[tilespmem:$0x1F580] =	vst v63  }
0x66: {  	_ =	swait.ge [sflag:s11], $0x3000  }
0x67: {  	p0 =	seq.s32 s24, $0x9900;
	[sflag:s11] =	ssyncset.done $0x0  }
0x68: {  	s26 =	sshra.s32 @!p0 s24, $0x2;
	[sflag:s11] =	ssyncadd.s32 $0xFFFFD000  }
0x69: {  	v1 =	vld @!p0 [tilespmem:s26+$0x120];
	_ =	sdelay $0x4  }
0x6a: {  	v1 =	vand.u32 @!p0 $0x1FFFF, v1  }
0x6b: {  	v1 =	vadd.s32 @!p0 v0, v1  }
0x6c: {  	[tilespmem:$0x2780] =	vst @!p0 v1  }
0x6d: {  	v1 =	vld @!p0 [tilespmem:s26+$0x130];
	_ =	sdelay $0x4  }
0x6e: {  	v1 =	vand.u32 @!p0 $0x1FFFF, v1  }
0x6f: {  	v1 =	vadd.s32 @!p0 v0, v1  }
0x70: {  	[tilespmem:$0x2790] =	vst @!p0 v1  }
0x71: {  	v1 =	vld @!p0 [tilespmem:s26+$0x140];
	_ =	sdelay $0x4  }
0x72: {  	v1 =	vand.u32 @!p0 $0x1FFFF, v1  }
0x73: {  	v1 =	vadd.s32 @!p0 v0, v1  }
0x74: {  	[tilespmem:$0x27A0] =	vst @!p0 v1  }
0x75: {  	v1 =	vld @!p0 [tilespmem:s26+$0x150];
	_ =	sdelay $0x4  }
0x76: {  	v1 =	vand.u32 @!p0 $0x1FFFF, v1  }
0x77: {  	v1 =	vadd.s32 @!p0 v0, v1  }
0x78: {  	[tilespmem:$0x27B0] =	vst @!p0 v1  }
0x79: {  	v1 =	vld @!p0 [tilespmem:s26+$0x160];
	_ =	sdelay $0x4  }
0x7a: {  	v1 =	vand.u32 @!p0 $0x1FFFF, v1  }
0x7b: {  	v1 =	vadd.s32 @!p0 v0, v1  }
0x7c: {  	[tilespmem:$0x27C0] =	vst @!p0 v1  }
0x7d: {  	v1 =	vld @!p0 [tilespmem:s26+$0x170];
	_ =	sdelay $0x4  }
0x7e: {  	v1 =	vand.u32 @!p0 $0x1FFFF, v1  }
0x7f: {  	v1 =	vadd.s32 @!p0 v0, v1  }
0x80: {  	s28 =	simm.s32 @!p0 $0x60;
	s29 =	simm.s32 @!p0 $0x2780;
	s30 =	simm.s32 @!p0 $0x2980;
	[tilespmem:$0x27D0] =	vst @!p0 v1  }
0x81: {  	[tilespmem:s30], [sflag:$0x1] =	stream.indirect.gather @!p0 [hbm4b:s4+s28], $0x80, s29, s28, $0xb8;
	[tilespmem:$0x1F580] =	vst v63  }
0x82: {  	_ =	swait.ge [sflag:s21], $0x3000  }
0x83: {  	[sflag:s21] =	ssyncset.done $0x0  }
0x84: {  	[sflag:s21] =	ssyncadd.s32 $0xFFFFD000  }
0x85: {  	v1 =	vld [tilespmem:s25+$0x60];
	_ =	sdelay $0x4  }
0x86: {  	v1 =	vshrl.u32 v1, $0x11  }
0x87: {  	[tilespmem:$0x2900] =	vst v1  }
0x88: {  	v1 =	vld [tilespmem:s25+$0x70];
	_ =	sdelay $0x4  }
0x89: {  	v1 =	vshrl.u32 v1, $0x11  }
0x8a: {  	[tilespmem:$0x2910] =	vst v1  }
0x8b: {  	v1 =	vld [tilespmem:s25+$0x80];
	_ =	sdelay $0x4  }
0x8c: {  	v1 =	vshrl.u32 v1, $0x11  }
0x8d: {  	[tilespmem:$0x2920] =	vst v1  }
0x8e: {  	v1 =	vld [tilespmem:s25+$0x90];
	_ =	sdelay $0x4  }
0x8f: {  	v1 =	vshrl.u32 v1, $0x11  }
0x90: {  	[tilespmem:$0x2930] =	vst v1  }
0x91: {  	v1 =	vld [tilespmem:s25+$0xA0];
	_ =	sdelay $0x4  }
0x92: {  	v1 =	vshrl.u32 v1, $0x11  }
0x93: {  	[tilespmem:$0x2940] =	vst v1  }
0x94: {  	v1 =	vld [tilespmem:s25+$0xB0];
	_ =	sdelay $0x4  }
0x95: {  	v1 =	vshrl.u32 v1, $0x11  }
0x96: {  	[tilespmem:$0x2950] =	vst v1  }
0x97: {  	[spmem:s2] =	stream.indirect.scatter.add.f32 [tilespmem:s16], [sflag:$0x4], $0x80, s20, s12, $0xb8;
	[tilespmem:$0x1F580] =	vst v63  }
0x98: {  	_ =	swait.ge [sflag:s11], $0x3000  }
0x99: {  	[sflag:s11] =	ssyncset.done $0x0  }
0x9a: {  	[sflag:s11] =	ssyncadd.s32 $0xFFFFD000  }
0x9b: {  	v1 =	vld @!p0 [tilespmem:s26+$0x180];
	_ =	sdelay $0x4  }
0x9c: {  	v1 =	vand.u32 @!p0 $0x1FFFF, v1  }
0x9d: {  	v1 =	vadd.s32 @!p0 v0, v1  }
0x9e: {  	[tilespmem:$0x2800] =	vst @!p0 v1  }
0x9f: {  	v1 =	vld @!p0 [tilespmem:s26+$0x190];
	_ =	sdelay $0x4  }
0xa0: {  	v1 =	vand.u32 @!p0 $0x1FFFF, v1  }
0xa1: {  	v1 =	vadd.s32 @!p0 v0, v1  }
0xa2: {  	[tilespmem:$0x2810] =	vst @!p0 v1  }
0xa3: {  	v1 =	vld @!p0 [tilespmem:s26+$0x1A0];
	_ =	sdelay $0x4  }
0xa4: {  	v1 =	vand.u32 @!p0 $0x1FFFF, v1  }
0xa5: {  	v1 =	vadd.s32 @!p0 v0, v1  }
0xa6: {  	[tilespmem:$0x2820] =	vst @!p0 v1  }
0xa7: {  	v1 =	vld @!p0 [tilespmem:s26+$0x1B0];
	_ =	sdelay $0x4  }
0xa8: {  	v1 =	vand.u32 @!p0 $0x1FFFF, v1  }
0xa9: {  	v1 =	vadd.s32 @!p0 v0, v1  }
0xaa: {  	[tilespmem:$0x2830] =	vst @!p0 v1  }
0xab: {  	v1 =	vld @!p0 [tilespmem:s26+$0x1C0];
	_ =	sdelay $0x4  }
0xac: {  	v1 =	vand.u32 @!p0 $0x1FFFF, v1  }
0xad: {  	v1 =	vadd.s32 @!p0 v0, v1  }
0xae: {  	[tilespmem:$0x2840] =	vst @!p0 v1  }
0xaf: {  	v1 =	vld @!p0 [tilespmem:s26+$0x1D0];
	_ =	sdelay $0x4  }
0xb0: {  	v1 =	vand.u32 @!p0 $0x1FFFF, v1  }
0xb1: {  	v1 =	vadd.s32 @!p0 v0, v1  }
0xb2: {  	s29 =	simm.s32 @!p0 $0x5980;
	s26 =	simm.s32 @!p0 $0x2800;
	[tilespmem:$0x2850] =	vst @!p0 v1  }
0xb3: {  	[tilespmem:s29], [sflag:$0x2] =	stream.indirect.gather @!p0 [hbm4b:s4+s28], $0x80, s26, s28, $0xb8;
	[tilespmem:$0x1F580] =	vst v63  }
0xb4: {  	_ =	swait.ge [sflag:s22], $0x3000  }
0xb5: {  	[sflag:s22] =	ssyncset.done $0x0  }
0xb6: {  	[sflag:s22] =	ssyncadd.s32 $0xFFFFD000  }
0xb7: {  	v1 =	vld [tilespmem:s25+$0xC0];
	_ =	sdelay $0x4  }
0xb8: {  	v1 =	vshrl.u32 v1, $0x11  }
0xb9: {  	[tilespmem:$0x2900] =	vst v1  }
0xba: {  	v1 =	vld [tilespmem:s25+$0xD0];
	_ =	sdelay $0x4  }
0xbb: {  	v1 =	vshrl.u32 v1, $0x11  }
0xbc: {  	[tilespmem:$0x2910] =	vst v1  }
0xbd: {  	v1 =	vld [tilespmem:s25+$0xE0];
	_ =	sdelay $0x4  }
0xbe: {  	v1 =	vshrl.u32 v1, $0x11  }
0xbf: {  	[tilespmem:$0x2920] =	vst v1  }
0xc0: {  	v1 =	vld [tilespmem:s25+$0xF0];
	_ =	sdelay $0x4  }
0xc1: {  	v1 =	vshrl.u32 v1, $0x11  }
0xc2: {  	[tilespmem:$0x2930] =	vst v1  }
0xc3: {  	v1 =	vld [tilespmem:s25+$0x100];
	_ =	sdelay $0x4  }
0xc4: {  	v1 =	vshrl.u32 v1, $0x11  }
0xc5: {  	[tilespmem:$0x2940] =	vst v1  }
0xc6: {  	v1 =	vld [tilespmem:s25+$0x110];
	_ =	sdelay $0x3  }
0xc7: {  	s24 =	sadd.s32 $0x480, s24  }
0xc8: {  	p0 =	sne.s32 s24, $0x9D80;
	v1 =	vshrl.u32 v1, $0x11  }
.Ltmp0:
0xc9: {  	[tilespmem:$0x2950] =	vst v1;
	(pc) =	sbr.rel @p0 .LBB2_2-.Ltmp0, $4  }
0xca: {  	[spmem:s2] =	stream.indirect.scatter.add.f32 [tilespmem:s18], [sflag:$0x4], $0x80, s20, s12, $0xb8;
	[tilespmem:$0x1F580] =	vst v63  }
0xcb: {  	_ =	swait.ge [sflag:s11], $0x3000  }
0xcc: {  	[sflag:s11] =	ssyncset.done $0x0  }
0xcd: {  	[sflag:s11] =	ssyncadd.s32 $0xFFFFD000  }
0xce: {  	s23 =	sadd.s32 $0x1, s23  }
0xcf: {  	p0 =	sne.s32 s23, s8  }
.Ltmp1:
0xd0: {  	[bflag:$0x0] =	sbarrier.arrive $0xFFFF;
	(pc) =	sbr.rel @p0 .LBB2_1-.Ltmp1, $4  }
0xd1: {  	[hbm:s9], [sflag:s6] =	dma.local [spmem:s10], $0x2780  }
0xd2: {  	_ =	swait.ge [sflag:s11], $0x2780  }
0xd3: {  	[sflag:s11] =	ssyncset.done $0x0  }
0xd4: {  	[sflag:s11] =	ssyncadd.s32 $0xFFFFD880  }
0xd5: {  	_ =	sfence.sel $0x180000  }
0xd6: {  	[bflag:$0x0] =	sbarrier.arrive $0xFFFF  }
0xd7: {  	p0 =	sne.s32 s1, $0x0;
	_ =	strace $0x9000004A  }
0xd8: {  	s0 =	sadd.s32 @!p0 $0x100000, s0;
	[bflag:$0x2] =	sbarrier.arrive $0xFFFF  }
0xd9: {  	[sflag:s0] =	ssyncadd.tile.s32 @!p0 $0x1;
	_ =	shalt  }
.Lfunc_end2:
_tile_overlayer_lowered:
.L_overlay_start_2:
0xda: {  	(tag) =	ssettag $0x2  }
0xdb: {  	s0 =	rddreg [dreg:$0x0];
	s2 =	stileid.u32  }
0xdc: {  	s1 =	rddreg [dreg:$0x1];
	p0 =	sne.s32 s2, $0x0  }
0xdd: {  	s3 =	rddreg [dreg:$0x2];
	[bflag:$0x3] =	sbarrier.arrive $0xFFFF;
	s2 =	simm.s32 @!p0 $0x1C04  }
0xde: {  	[timem:s3], [sflag:s2] =	dma.local @!p0 [hbm:s0], s1  }
0xdf: {  	s0 =	simm.s32 @!p0 $0x4  }
0xe0: {  	_ =	swait.ge @!p0 [sflag:s0], s1  }
0xe1: {  	s1 =	ssub.s32 @!p0 $0x0, s1;
	[sflag:s0] =	ssyncset.done @!p0 $0x0  }
0xe2: {  	[sflag:s0] =	ssyncadd.s32 @!p0 s1  }
0xe3: {  	[bflag:$0x3] =	sbarrier.arrive $0xFFFF  }
0xe4: {  	_ =	shalt  }

// kernel: kernel.17.cloned.1.call-start
scs
__scs_entry_jumppad:
0x0: {  	(pc) =	sbr.rel $0x88, $3  }
0x1: {  	(tag) =	ssettag $0x0;
	lr =	simm.s32 $0x1  }
0x2: {  	[smem:$0x3F93] =	sst lr;
	_ =	strace $0xD0000000  }
0x3: {  	_ = 	snop  }
0x4: {  	_ = 	snop  }
0x5: {  	_ = 	snop  }
0x6: {  	_ = 	snop  }
0x7: {  	_ = 	snop  }
__scs_overlays_trampoline_lowered:
0x8: {  	[smem:$0x3FA2] =	sst s0  }
0x9: {  	[smem:$0x3FA3] =	sst s1  }
0xa: {  	[smem:$0x3FA4] =	sst s2  }
0xb: {  	[smem:$0x3FA5] =	sst s3  }
0xc: {  	[smem:$0x3FA6] =	sst s4  }
0xd: {  	[smem:$0x3FA7] =	sst s5  }
0xe: {  	[smem:$0x3FA8] =	sst s6  }
0xf: {  	[smem:$0x3FA9] =	sst s7  }
0x10: {  	[smem:$0x3FAA] =	sst s8  }
0x11: {  	[smem:$0x3FAB] =	sst s9;
	s0 =	simm.s32 @!p0 $0x0  }
0x12: {  	s1 =	sld [smem:$0x3F91];
	s0 =	simm.s32 @p0 $0x1  }
0x13: {  	[smem:$0x3FAC] =	sst s0;
	s0 =	simm.s32 @!p1 $0x0  }
0x14: {  	s2 =	sld [smem:$0x3F90];
	s0 =	simm.s32 @p1 $0x1  }
0x15: {  	[smem:$0x3FAD] =	sst s0;
	s0 =	simm.s32 @!p2 $0x0  }
0x16: {  	s3 =	sld [smem:$0x3FDB];
	s0 =	simm.s32 @p2 $0x1  }
0x17: {  	s4 =	simm.s32 $0x1BF5;
	[smem:$0x3FAF] =	sst s0  }
0x18: {  	s0 =	sld [smem:$0x3F92];
	_ =	swait.ge [sflag:s4], $0x0  }
0x19: {  	s7 =	sld [smem:$0x3F93]  }
0x1a: {  	s8 =	sadd.s32 $0xFFFFE003, lr  }
0x1b: {  	s9 =	sadd.s32 $0xFFFFFEF7, lr;
	s5 =	simm.s32 $0xFFFFFFFF;
	p2 =	slt.u32 s8, $0xFFFFF086  }
0x1c: {  	p1 =	slt.u32 s9, $0xF7A;
	s5 =	simm.s32 @!p2 $0x0  }
0x1d: {  	s5 =	simm.s32 @p1 $0x1;
	p0 =	seq.s32 s7, s2  }
0x1e: {  	s7 =	smul.u32 @!p0 $0xF7A, s2;
	p2 =	seq.s32 @!p0 s5, $0x0  }
0x1f: {  	s9 =	smul.u32 $0xF7A, s1;
	s8 =	simm.s32 @!p0 $0x1BF5;
	p2 =	por !p2, p0  }
0x20: {  	[sflag:s8] =	ssyncset.s32 @!p0 $0xFFFFF086;
	s6 =	sadd.s32 @!p0 s3, s7;
	s7 =	simm.s32 @!p0 $0x108  }
0x21: {  	s3 =	sadd.s32 s3, s9;
	s6 =	sadd.s32 @!p0 $0x88, s6;
	s7 =	simm.s32 @p2 $0x1082  }
0x22: {  	[simem:s7], [sflag:s8] =	dma.local @!p0 [hbm:s6], $0xF7A  }
0x23: {  	s9 =	sor.u32 $0xD0000000, s2;
	s6 =	simm.s32 $0x108;
	_ =	swait.ge @!p0 [sflag:s8], $0x0  }
0x24: {  	s3 =	sadd.s32 $0x88, s3;
	s6 =	simm.s32 @!p1 $0x1082;
	[sflag:s4] =	ssyncset.s32 $0xFFFFF086  }
0x25: {  	[simem:s6], [sflag:s4] =	dma.local [hbm:s3], $0xF7A  }
0x26: {  	[smem:$0x3F93] =	sst s1;
	(tag) =	ssettag s2;
	_ =	strace s9  }
0x27: {  	s1 =	sld [smem:$0x3FA3]  }
0x28: {  	s2 =	sld [smem:$0x3FA4]  }
0x29: {  	s4 =	sld [smem:$0x3FA6]  }
0x2a: {  	p0 =	seq.s32 s5, $0x0;
	s5 =	sld [smem:$0x3FA7]  }
0x2b: {  	s6 =	sld [smem:$0x3FA8]  }
0x2c: {  	s7 =	sld [smem:$0x3FA9]  }
0x2d: {  	s3 =	simm.s32 $0x108;
	s8 =	sld [smem:$0x3FAA]  }
0x2e: {  	s3 =	simm.s32 @!p0 $0x1082;
	s9 =	sld [smem:$0x3FAB]  }
0x2f: {  	lr =	sadd.s32 s0, s3;
	s0 =	sld [smem:$0x3FA2]  }
0x30: {  	s3 =	sld [smem:$0x3FA5]  }
0x31: {  	[smem:$0x3FAE] =	sst s10  }
0x32: {  	s10 =	sld [smem:$0x3FAC];
	_ =	sdelay $0x3  }
0x33: {  	p0 =	seq.s32 s10, $0x1;
	s10 =	sld [smem:$0x3FAE];
	_ =	sdelay $0x3  }
0x34: {  	[smem:$0x3FAE] =	sst s10  }
0x35: {  	s10 =	sld [smem:$0x3FAD];
	_ =	sdelay $0x3  }
0x36: {  	p1 =	seq.s32 s10, $0x1;
	s10 =	sld [smem:$0x3FAE];
	_ =	sdelay $0x3  }
0x37: {  	[smem:$0x3FAE] =	sst s10  }
0x38: {  	s10 =	sld [smem:$0x3FAF]  }
0x39: {  	_ = 	snop;
	(pc) =	sbr.ind lr, $3  }
0x3a: {  	_ = 	snop  }
0x3b: {  	_ = 	snop  }
0x3c: {  	p2 =	seq.s32 s10, $0x1;
	s10 =	sld [smem:$0x3FAE]  }
0x3d: {  	_ =	shalt  }
0x3e: {  	_ =	shalt  }
0x3f: {  	_ =	shalt  }
0x40: {  	_ =	shalt  }
0x41: {  	_ =	shalt  }
0x42: {  	_ =	shalt  }
0x43: {  	_ =	shalt  }
0x44: {  	_ =	shalt  }
0x45: {  	_ =	shalt  }
0x46: {  	_ =	shalt  }
0x47: {  	_ =	shalt  }
0x48: {  	_ =	shalt  }
0x49: {  	_ =	shalt  }
0x4a: {  	_ =	shalt  }
0x4b: {  	_ =	shalt  }
0x4c: {  	_ =	shalt  }
0x4d: {  	_ =	shalt  }
0x4e: {  	_ =	shalt  }
0x4f: {  	_ =	shalt  }
0x50: {  	_ =	shalt  }
0x51: {  	_ =	shalt  }
0x52: {  	_ =	shalt  }
0x53: {  	_ =	shalt  }
0x54: {  	_ =	shalt  }
0x55: {  	_ =	shalt  }
0x56: {  	_ =	shalt  }
0x57: {  	_ =	shalt  }
0x58: {  	_ =	shalt  }
0x59: {  	_ =	shalt  }
0x5a: {  	_ =	shalt  }
0x5b: {  	_ =	shalt  }
0x5c: {  	_ =	shalt  }
0x5d: {  	_ =	shalt  }
0x5e: {  	_ =	shalt  }
0x5f: {  	_ =	shalt  }
0x60: {  	_ =	shalt  }
0x61: {  	_ =	shalt  }
0x62: {  	_ =	shalt  }
0x63: {  	_ =	shalt  }
0x64: {  	_ =	shalt  }
0x65: {  	_ =	shalt  }
0x66: {  	_ =	shalt  }
0x67: {  	_ =	shalt  }
0x68: {  	_ =	shalt  }
0x69: {  	_ =	shalt  }
0x6a: {  	_ =	shalt  }
0x6b: {  	_ =	shalt  }
0x6c: {  	_ =	shalt  }
0x6d: {  	_ =	shalt  }
0x6e: {  	_ =	shalt  }
0x6f: {  	_ =	shalt  }
0x70: {  	_ =	shalt  }
0x71: {  	_ =	shalt  }
0x72: {  	_ =	shalt  }
0x73: {  	_ =	shalt  }
0x74: {  	_ =	shalt  }
0x75: {  	_ =	shalt  }
0x76: {  	_ =	shalt  }
0x77: {  	_ =	shalt  }
0x78: {  	_ =	shalt  }
0x79: {  	_ =	shalt  }
0x7a: {  	_ =	shalt  }
0x7b: {  	_ =	shalt  }
0x7c: {  	_ =	shalt  }
0x7d: {  	_ =	shalt  }
0x7e: {  	_ =	shalt  }
0x7f: {  	_ =	shalt  }
0x80: {  	_ =	shalt  }
0x81: {  	_ =	shalt  }
0x82: {  	_ =	shalt  }
0x83: {  	_ =	shalt  }
0x84: {  	_ =	shalt  }
0x85: {  	_ =	shalt  }
0x86: {  	_ =	shalt  }
0x87: {  	_ =	shalt  }
.Lfunc_end0:
.L_simem_size_0:
called_computation.2_lowered:
.L_overlay_start_0:
0x88: {  	s2 =	sld [smem:$0x3FD9]  }
0x89: {  	s3 =	sld [smem:$0x3FFE];
	_ =	sdelay $0x1  }
0x8a: {  	s1 =	srdreg.scid  }
0x8b: {  	s0 =	sand.u32 $0x1, s1  }
0x8c: {  	s16 =	sshll.u32 s0, $0xA;
	s2 =	sadd.s32 s3, s2  }
0x8d: {  	s2 =	sadd.s32 s2, s16  }
0x8e: {  	[smem:$0x3FBA] =	sst s2  }
0x8f: {  	_ = 	snop  }
0x90: {  	(tm) =	ssettm $0x1  }
0x91: {  	s17 =	sld [smem:$0x3FFB];
	_ =	sdelay $0x3  }
0x92: {  	_ =	strace s17  }
0x93: {  	s2 =	sld [smem:$0x3FFC];
	_ =	sdelay $0x3  }
0x94: {  	_ =	strace s2  }
0x95: {  	s2 =	sld [smem:$0x3FFD];
	_ =	sdelay $0x3  }
0x96: {  	_ =	strace s2  }
0x97: {  	_ =	strace $0x8FFFFFFF  }
0x98: {  	s18 =	sld [smem:$0x3FDB];
	_ =	sdelay $0x1  }
0x99: {  	s19 =	simm.s32 $_scs_section_size  }
0x9a: {  	s4 =	simm.s32 $_size__tile_overlayer_lowered;
	s5 =	simm.s32 $_tile_overlayer_lowered  }
0x9b: {  	s22 =	simm.s32 $0x1BFF;
	s21 =	sshll.u32 s5, $0x1;
	s2 =	sadd.s32 s19, s18  }
0x9c: {  	s6 =	simm.s32 $0x0;
	s20 =	sshll.u32 s4, $0x1;
	s4 =	sadd.s32 s21, s2  }
0x9d: {  	[timem:s6], [sflag:s22] =	dma.local [hbm:s4], s20  }
0x9e: {  	_ =	swait.ge [sflag:s22], s20  }
0x9f: {  	s3 =	ssub.s32 $0x0, s20;
	[sflag:s22] =	ssyncset.done $0x0  }
0xa0: {  	[sflag:s22] =	ssyncadd.s32 s3;
	_ =	sdelay $0x1  }
0xa1: {  	s23 =	simm.s32 $0x1B8B  }
0xa2: {  	_ =	swait.ge [sflag:s23], $0x1  }
0xa3: {  	[sflag:s23] =	ssyncset.done $0x0  }
0xa4: {  	s25 =	simm.s32 $0x1B8E;
	s24 =	sld [smem:$0x3FFE];
	[sflag:s23] =	ssyncadd.s32 $0xFFFFFFFF  }
0xa5: {  	s26 =	simm.s32 $execute0_lowered;
	[smem:$0x3FD2] =	sst s25  }
0xa6: {  	s4 =	sshll.u32 s26, $0x1;
	_ =	strace $0x8000004C;
	[dreg:$0x1] =	wrdreg $0xFFFFFFFF  }
0xa7: {  	s28 =	simm.s32 $_size_execute0_lowered;
	s2 =	sadd.s32 s2, s4;
	[dreg:$0x0] =	wrdreg $0x0  }
0xa8: {  	s4 =	sshll.u32 s28, $0x1;
	[dreg:$0x2] =	wrdreg s2  }
0xa9: {  	[dreg:$0x3] =	wrdreg s4  }
0xaa: {  	[dreg:$0x4] =	wrdreg $0xC0  }
0xab: {  	_ =	task [dreg:s6], $0x5FFFF  }
0xac: {  	[dreg:$0x1] =	wrdreg $0xFFFFFFFF  }
0xad: {  	[dreg:$0x0] =	wrdreg $0x60  }
0xae: {  	[dreg:$0x2] =	wrdreg s24  }
0xaf: {  	[dreg:$0x3] =	wrdreg $0xB9800  }
0xb0: {  	[dreg:$0x4] =	wrdreg $0x9  }
0xb1: {  	_ =	task.clear_ibuf [dreg:s6], $0x5FFFF;
	_ =	strace $0x9000004C  }
0xb2: {  	s29 =	simm.s32 $0x9;
	_ =	strace $0x8000004E  }
0xb3: {  	_ =	swait.ge [sflag:s29], $0x1  }
0xb4: {  	[sflag:s29] =	ssyncadd.s32 $0xFFFFFFFF  }
0xb5: {  	_ =	strace $0x9000004E  }
0xb6: {  	_ =	sfence  }
0xb7: {  	s30 =	sld [smem:$0x0];
	_ =	sdelay $0x2  }
0xb8: {  	s31 =	sshll.u32 s1, $0xD;
	s1 =	sshrl.u32 s1, $0x2  }
0xb9: {  	s3 =	sand.u32 $0x4000, s31;
	s1 =	sadd.s32 s1, s30  }
0xba: {  	s0 =	sor.u32 s3, s0;
	s1 =	sshll.u32 s1, $0x11  }
0xbb: {  	s0 =	sor.u32 s1, s0  }
0xbc: {  	s0 =	sadd.s32 $0x8F2B, s0  }
0xbd: {  	[sflag:s0] =	ssyncadd.remote.s32 $0x1  }
0xbe: {  	_ =	sfence.sel $0xFFFF  }
0xbf: {  	[dreg:$0x0] =	wrdreg $0xFFFFFFFF;
	(pc) =	sbr.abs _section_cstart, $3  }
0xc0: {  	[dreg:$0x1] =	wrdreg $0xFFFFFFFF  }
0xc1: {  	_ =	task.clear_ibuf [dreg:s6], $0x2FFFF;
	_ =	strace $0x9FFFFFFF  }
0xc2: {  	(tm) =	ssettm $0x7FFFFFFF  }
0xc3: {  	_ =	shalt  }
tec
execute0_lowered:
.L_overlay_start_1:
0x0: {  	(tag) =	ssettag $0x1  }
0x1: {  	s9 =	rddreg [dreg:$0x0]  }
0x2: {  	s2 =	rddreg [dreg:$0x1]  }
0x3: {  	s0 =	rddreg [dreg:$0x2];
	s3 =	simm.s32 $0x0;
	s1 =	stileid.u32  }
0x4: {  	s4 =	srdreg.scid;
	s12 =	simm.s32 $0x1BAE00;
	s14 =	simm.s32 $0x2980  }
0x5: {  	s15 =	simm.s32 $0x2800;
	s16 =	simm.s32 $0x5980;
	s17 =	simm.s32 $0x2880  }
0x6: {  	s18 =	simm.s32 $0x8980;
	s19 =	simm.s32 $0x1;
	s20 =	simm.s32 $0x2900  }
0x7: {  	s22 =	simm.s32 $0x3;
	s23 =	simm.s32 $0x0;
	s5 =	smul.u32 $0x4EC, s1  }
0x8: {  	[smem:$0x7FF] =	sst s3;
	s8 =	sand.u32 $0x1, s4;
	s6 =	smul.u32 $0x4F000, s1  }
0x9: {  	s4 =	sadd.s32 $0xA400, s9;
	s31 =	sshll.u32 s1, $0x6;
	s13 =	smul.u32 $0x2780, s1  }
0xa: {  	_ =	strace $0x8000004D;
	s10 =	ssub.s32 $0x2, s8;
	p0 =	seq.s32 s8, $0x1  }
0xb: {  	s21 =	smul.u32 $0x9C40, s8;
	s7 =	sadd.s32 s5, s9;
	s5 =	sadd.s32 $0x190E00, s9  }
0xc: {  	s11 =	sshrl.u32 s10, $0x1;
	s6 =	sshrl.u32 s6, $0x2;
	s12 =	simm.s32 @!p0 $0x193600  }
0xd: {  	s10 =	ssub.s32 s10, s11;
	s30 =	sadd.s32 s6, s2;
	s6 =	sor.u32 $0x1C04, s31  }
0xe: {  	s7 =	sadd.s32 $0x5400, s7;
	s9 =	sadd.s32 s12, s9;
	s11 =	simm.s32 $0x4  }
0xf: {  	s12 =	simm.s32 $0x60;
	v0 =	vmov s21;
	s21 =	simm.s32 $0x2;
	s8 =	smax.u32 s10, $0x1  }
0x10: {  	s9 =	sadd.s32 s9, s13;
	s10 =	sshrl.u32 s30, $0x3;
	s13 =	simm.s32 $0x2780  }
.LBB2_1:
0x11: {  	[spmem:s10], [sflag:s6] =	dma.local [hbm:s5], $0x2780  }
0x12: {  	_ =	swait.ge [sflag:s11], $0x2780  }
0x13: {  	[sflag:s11] =	ssyncset.done $0x0  }
0x14: {  	[sflag:s11] =	ssyncadd.s32 $0xFFFFD880  }
0x15: {  	[tilespmem:s3], [sflag:$0x4] =	stream.linear.gather [hbm4b:s7+s3], $0x2760, $0x38;
	[tilespmem:$0x1F580] =	vst v63  }
0x16: {  	_ =	swait.ge [sflag:s11], $0x2760  }
0x17: {  	[sflag:s11] =	ssyncset.done $0x0  }
0x18: {  	[sflag:s11] =	ssyncadd.s32 $0xFFFFD8A0  }
0x19: {  	[bflag:$0x0] =	sbarrier.arrive $0xFFFF  }
0x1a: {  	v1 =	vld [tilespmem:$0x0]  }
0x1b: {  	v2 =	vld [tilespmem:$0x10]  }
0x1c: {  	v3 =	vld [tilespmem:$0x20]  }
0x1d: {  	v4 =	vld [tilespmem:$0x30]  }
0x1e: {  	v5 =	vld [tilespmem:$0x40]  }
0x1f: {  	v6 =	vld [tilespmem:$0x50];
	v1 =	vand.u32 $0x1FFFF, v1  }
0x20: {  	v2 =	vand.u32 $0x1FFFF, v2;
	v1 =	vadd.s32 v0, v1  }
0x21: {  	[tilespmem:$0x2780] =	vst v1;
	v1 =	vadd.s32 v0, v2;
	v2 =	vand.u32 $0x1FFFF, v3  }
0x22: {  	[tilespmem:$0x2790] =	vst v1;
	v1 =	vadd.s32 v0, v2;
	v2 =	vand.u32 $0x1FFFF, v4  }
0x23: {  	[tilespmem:$0x27A0] =	vst v1;
	v1 =	vadd.s32 v0, v2;
	v2 =	vand.u32 $0x1FFFF, v5  }
0x24: {  	[tilespmem:$0x27B0] =	vst v1;
	v1 =	vadd.s32 v0, v2;
	v2 =	vand.u32 $0x1FFFF, v6  }
0x25: {  	[tilespmem:$0x27C0] =	vst v1;
	v1 =	vadd.s32 v0, v2  }
0x26: {  	[tilespmem:$0x27D0] =	vst v1  }
0x27: {  	[tilespmem:s14], [sflag:$0x1] =	stream.indirect.gather [hbm4b:s4+s12], $0x80, s13, s12, $0xb8;
	[tilespmem:$0x1F580] =	vst v63  }
0x28: {  	v1 =	vld [tilespmem:$0x60]  }
0x29: {  	v2 =	vld [tilespmem:$0x70]  }
0x2a: {  	v3 =	vld [tilespmem:$0x80]  }
0x2b: {  	v61 =	vld [tilespmem:$0x90]  }
0x2c: {  	v62 =	vld [tilespmem:$0xA0]  }
0x2d: {  	v63 =	vld [tilespmem:$0xB0];
	v1 =	vand.u32 $0x1FFFF, v1  }
0x2e: {  	v2 =	vand.u32 $0x1FFFF, v2;
	v1 =	vadd.s32 v0, v1  }
0x2f: {  	[tilespmem:$0x2800] =	vst v1;
	v1 =	vadd.s32 v0, v2;
	v2 =	vand.u32 $0x1FFFF, v3  }
0x30: {  	[tilespmem:$0x2810] =	vst v1;
	v1 =	vadd.s32 v0, v2;
	v2 =	vand.u32 $0x1FFFF, v61  }
0x31: {  	[tilespmem:$0x2820] =	vst v1;
	v1 =	vadd.s32 v0, v2;
	v2 =	vand.u32 $0x1FFFF, v62  }
0x32: {  	[tilespmem:$0x2830] =	vst v1;
	v1 =	vadd.s32 v0, v2;
	v2 =	vand.u32 $0x1FFFF, v63  }
0x33: {  	[tilespmem:$0x2840] =	vst v1;
	v1 =	vadd.s32 v0, v2  }
0x34: {  	s24 =	simm.s32 $0x0;
	[tilespmem:$0x2850] =	vst v1  }
0x35: {  	[tilespmem:s16], [sflag:$0x2] =	stream.indirect.gather [hbm4b:s4+s12], $0x80, s15, s12, $0xb8;
	[tilespmem:$0x1F580] =	vst v63  }
.LBB2_2:
0x36: {  	s25 =	sshra.s32 s24, $0x2  }
0x37: {  	v1 =	vld [tilespmem:s25+$0xC0];
	_ =	sdelay $0x4  }
0x38: {  	v1 =	vand.u32 $0x1FFFF, v1  }
0x39: {  	v1 =	vadd.s32 v0, v1  }
0x3a: {  	[tilespmem:$0x2880] =	vst v1  }
0x3b: {  	v1 =	vld [tilespmem:s25+$0xD0];
	_ =	sdelay $0x4  }
0x3c: {  	v1 =	vand.u32 $0x1FFFF, v1  }
0x3d: {  	v1 =	vadd.s32 v0, v1  }
0x3e: {  	[tilespmem:$0x2890] =	vst v1  }
0x3f: {  	v1 =	vld [tilespmem:s25+$0xE0];
	_ =	sdelay $0x4  }
0x40: {  	v1 =	vand.u32 $0x1FFFF, v1  }
0x41: {  	v1 =	vadd.s32 v0, v1  }
0x42: {  	[tilespmem:$0x28A0] =	vst v1  }
0x43: {  	v1 =	vld [tilespmem:s25+$0xF0];
	_ =	sdelay $0x4  }
0x44: {  	v1 =	vand.u32 $0x1FFFF, v1  }
0x45: {  	v1 =	vadd.s32 v0, v1  }
0x46: {  	[tilespmem:$0x28B0] =	vst v1  }
0x47: {  	v1 =	vld [tilespmem:s25+$0x100];
	_ =	sdelay $0x4  }
0x48: {  	v1 =	vand.u32 $0x1FFFF, v1  }
0x49: {  	v1 =	vadd.s32 v0, v1  }
0x4a: {  	[tilespmem:$0x28C0] =	vst v1  }
0x4b: {  	v1 =	vld [tilespmem:s25+$0x110];
	_ =	sdelay $0x4  }
0x4c: {  	v1 =	vand.u32 $0x1FFFF, v1  }
0x4d: {  	v1 =	vadd.s32 v0, v1  }
0x4e: {  	[tilespmem:$0x28D0] =	vst v1  }
0x4f: {  	[tilespmem:s18], [sflag:$0x3] =	stream.indirect.gather [hbm4b:s4+s12], $0x80, s17, s12, $0xb8;
	[tilespmem:$0x1F580] =	vst v63  }
0x50: {  	_ =	swait.ge [sflag:s19], $0x3000  }
0x51: {  	[sflag:s19] =	ssyncset.done $0x0  }
0x52: {  	[sflag:s19] =	ssyncadd.s32 $0xFFFFD000  }
0x53: {  	v1 =	vld [tilespmem:s25+$0x0];
	_ =	sdelay $0x4  }
0x54: {  	v1 =	vshrl.u32 v1, $0x11  }
0x55: {  	[tilespmem:$0x2900] =	vst v1  }
0x56: {  	v1 =	vld [tilespmem:s25+$0x10];
	_ =	sdelay $0x4  }
0x57: {  	v1 =	vshrl.u32 v1, $0x11  }
0x58: {  	[tilespmem:$0x2910] =	vst v1  }
0x59: {  	v1 =	vld [tilespmem:s25+$0x20];
	_ =	sdelay $0x4  }
0x5a: {  	v1 =	vshrl.u32 v1, $0x11  }
0x5b: {  	[tilespmem:$0x2920] =	vst v1  }
0x5c: {  	v1 =	vld [tilespmem:s25+$0x30];
	_ =	sdelay $0x4  }
0x5d: {  	v1 =	vshrl.u32 v1, $0x11  }
0x5e: {  	[tilespmem:$0x2930] =	vst v1  }
0x5f: {  	v1 =	vld [tilespmem:s25+$0x40];
	_ =	sdelay $0x4  }
0x60: {  	v1 =	vshrl.u32 v1, $0x11  }
0x61: {  	[tilespmem:$0x2940] =	vst v1  }
0x62: {  	v1 =	vld [tilespmem:s25+$0x50];
	_ =	sdelay $0x4  }
0x63: {  	v1 =	vshrl.u32 v1, $0x11  }
0x64: {  	[tilespmem:$0x2950] =	vst v1  }
0x65: {  	[spmem:s2] =	stream.indirect.scatter.add.f32 [tilespmem:s14], [sflag:$0x4], $0x80, s20, s12, $0xb8;
	[tilespmem:$0x1F580] =	vst v63  }
0x66: {  	_ =	swait.ge [sflag:s11], $0x3000  }
0x67: {  	p0 =	seq.s32 s24, $0x9900;
	[sflag:s11] =	ssyncset.done $0x0  }
0x68: {  	s26 =	sshra.s32 @!p0 s24, $0x2;
	[sflag:s11] =	ssyncadd.s32 $0xFFFFD000  }
0x69: {  	v1 =	vld @!p0 [tilespmem:s26+$0x120];
	_ =	sdelay $0x4  }
0x6a: {  	v1 =	vand.u32 @!p0 $0x1FFFF, v1  }
0x6b: {  	v1 =	vadd.s32 @!p0 v0, v1  }
0x6c: {  	[tilespmem:$0x2780] =	vst @!p0 v1  }
0x6d: {  	v1 =	vld @!p0 [tilespmem:s26+$0x130];
	_ =	sdelay $0x4  }
0x6e: {  	v1 =	vand.u32 @!p0 $0x1FFFF, v1  }
0x6f: {  	v1 =	vadd.s32 @!p0 v0, v1  }
0x70: {  	[tilespmem:$0x2790] =	vst @!p0 v1  }
0x71: {  	v1 =	vld @!p0 [tilespmem:s26+$0x140];
	_ =	sdelay $0x4  }
0x72: {  	v1 =	vand.u32 @!p0 $0x1FFFF, v1  }
0x73: {  	v1 =	vadd.s32 @!p0 v0, v1  }
0x74: {  	[tilespmem:$0x27A0] =	vst @!p0 v1  }
0x75: {  	v1 =	vld @!p0 [tilespmem:s26+$0x150];
	_ =	sdelay $0x4  }
0x76: {  	v1 =	vand.u32 @!p0 $0x1FFFF, v1  }
0x77: {  	v1 =	vadd.s32 @!p0 v0, v1  }
0x78: {  	[tilespmem:$0x27B0] =	vst @!p0 v1  }
0x79: {  	v1 =	vld @!p0 [tilespmem:s26+$0x160];
	_ =	sdelay $0x4  }
0x7a: {  	v1 =	vand.u32 @!p0 $0x1FFFF, v1  }
0x7b: {  	v1 =	vadd.s32 @!p0 v0, v1  }
0x7c: {  	[tilespmem:$0x27C0] =	vst @!p0 v1  }
0x7d: {  	v1 =	vld @!p0 [tilespmem:s26+$0x170];
	_ =	sdelay $0x4  }
0x7e: {  	v1 =	vand.u32 @!p0 $0x1FFFF, v1  }
0x7f: {  	v1 =	vadd.s32 @!p0 v0, v1  }
0x80: {  	s28 =	simm.s32 @!p0 $0x60;
	s29 =	simm.s32 @!p0 $0x2780;
	s30 =	simm.s32 @!p0 $0x2980;
	[tilespmem:$0x27D0] =	vst @!p0 v1  }
0x81: {  	[tilespmem:s30], [sflag:$0x1] =	stream.indirect.gather @!p0 [hbm4b:s4+s28], $0x80, s29, s28, $0xb8;
	[tilespmem:$0x1F580] =	vst v63  }
0x82: {  	_ =	swait.ge [sflag:s21], $0x3000  }
0x83: {  	[sflag:s21] =	ssyncset.done $0x0  }
0x84: {  	[sflag:s21] =	ssyncadd.s32 $0xFFFFD000  }
0x85: {  	v1 =	vld [tilespmem:s25+$0x60];
	_ =	sdelay $0x4  }
0x86: {  	v1 =	vshrl.u32 v1, $0x11  }
0x87: {  	[tilespmem:$0x2900] =	vst v1  }
0x88: {  	v1 =	vld [tilespmem:s25+$0x70];
	_ =	sdelay $0x4  }
0x89: {  	v1 =	vshrl.u32 v1, $0x11  }
0x8a: {  	[tilespmem:$0x2910] =	vst v1  }
0x8b: {  	v1 =	vld [tilespmem:s25+$0x80];
	_ =	sdelay $0x4  }
0x8c: {  	v1 =	vshrl.u32 v1, $0x11  }
0x8d: {  	[tilespmem:$0x2920] =	vst v1  }
0x8e: {  	v1 =	vld [tilespmem:s25+$0x90];
	_ =	sdelay $0x4  }
0x8f: {  	v1 =	vshrl.u32 v1, $0x11  }
0x90: {  	[tilespmem:$0x2930] =	vst v1  }
0x91: {  	v1 =	vld [tilespmem:s25+$0xA0];
	_ =	sdelay $0x4  }
0x92: {  	v1 =	vshrl.u32 v1, $0x11  }
0x93: {  	[tilespmem:$0x2940] =	vst v1  }
0x94: {  	v1 =	vld [tilespmem:s25+$0xB0];
	_ =	sdelay $0x4  }
0x95: {  	v1 =	vshrl.u32 v1, $0x11  }
0x96: {  	[tilespmem:$0x2950] =	vst v1  }
0x97: {  	[spmem:s2] =	stream.indirect.scatter.add.f32 [tilespmem:s16], [sflag:$0x4], $0x80, s20, s12, $0xb8;
	[tilespmem:$0x1F580] =	vst v63  }
0x98: {  	_ =	swait.ge [sflag:s11], $0x3000  }
0x99: {  	[sflag:s11] =	ssyncset.done $0x0  }
0x9a: {  	[sflag:s11] =	ssyncadd.s32 $0xFFFFD000  }
0x9b: {  	v1 =	vld @!p0 [tilespmem:s26+$0x180];
	_ =	sdelay $0x4  }
0x9c: {  	v1 =	vand.u32 @!p0 $0x1FFFF, v1  }
0x9d: {  	v1 =	vadd.s32 @!p0 v0, v1  }
0x9e: {  	[tilespmem:$0x2800] =	vst @!p0 v1  }
0x9f: {  	v1 =	vld @!p0 [tilespmem:s26+$0x190];
	_ =	sdelay $0x4  }
0xa0: {  	v1 =	vand.u32 @!p0 $0x1FFFF, v1  }
0xa1: {  	v1 =	vadd.s32 @!p0 v0, v1  }
0xa2: {  	[tilespmem:$0x2810] =	vst @!p0 v1  }
0xa3: {  	v1 =	vld @!p0 [tilespmem:s26+$0x1A0];
	_ =	sdelay $0x4  }
0xa4: {  	v1 =	vand.u32 @!p0 $0x1FFFF, v1  }
0xa5: {  	v1 =	vadd.s32 @!p0 v0, v1  }
0xa6: {  	[tilespmem:$0x2820] =	vst @!p0 v1  }
0xa7: {  	v1 =	vld @!p0 [tilespmem:s26+$0x1B0];
	_ =	sdelay $0x4  }
0xa8: {  	v1 =	vand.u32 @!p0 $0x1FFFF, v1  }
0xa9: {  	v1 =	vadd.s32 @!p0 v0, v1  }
0xaa: {  	[tilespmem:$0x2830] =	vst @!p0 v1  }
0xab: {  	v1 =	vld @!p0 [tilespmem:s26+$0x1C0];
	_ =	sdelay $0x4  }
0xac: {  	v1 =	vand.u32 @!p0 $0x1FFFF, v1  }
0xad: {  	v1 =	vadd.s32 @!p0 v0, v1  }
0xae: {  	[tilespmem:$0x2840] =	vst @!p0 v1  }
0xaf: {  	v1 =	vld @!p0 [tilespmem:s26+$0x1D0];
	_ =	sdelay $0x4  }
0xb0: {  	v1 =	vand.u32 @!p0 $0x1FFFF, v1  }
0xb1: {  	v1 =	vadd.s32 @!p0 v0, v1  }
0xb2: {  	s29 =	simm.s32 @!p0 $0x5980;
	s26 =	simm.s32 @!p0 $0x2800;
	[tilespmem:$0x2850] =	vst @!p0 v1  }
0xb3: {  	[tilespmem:s29], [sflag:$0x2] =	stream.indirect.gather @!p0 [hbm4b:s4+s28], $0x80, s26, s28, $0xb8;
	[tilespmem:$0x1F580] =	vst v63  }
0xb4: {  	_ =	swait.ge [sflag:s22], $0x3000  }
0xb5: {  	[sflag:s22] =	ssyncset.done $0x0  }
0xb6: {  	[sflag:s22] =	ssyncadd.s32 $0xFFFFD000  }
0xb7: {  	v1 =	vld [tilespmem:s25+$0xC0];
	_ =	sdelay $0x4  }
0xb8: {  	v1 =	vshrl.u32 v1, $0x11  }
0xb9: {  	[tilespmem:$0x2900] =	vst v1  }
0xba: {  	v1 =	vld [tilespmem:s25+$0xD0];
	_ =	sdelay $0x4  }
0xbb: {  	v1 =	vshrl.u32 v1, $0x11  }
0xbc: {  	[tilespmem:$0x2910] =	vst v1  }
0xbd: {  	v1 =	vld [tilespmem:s25+$0xE0];
	_ =	sdelay $0x4  }
0xbe: {  	v1 =	vshrl.u32 v1, $0x11  }
0xbf: {  	[tilespmem:$0x2920] =	vst v1  }
0xc0: {  	v1 =	vld [tilespmem:s25+$0xF0];
	_ =	sdelay $0x4  }
0xc1: {  	v1 =	vshrl.u32 v1, $0x11  }
0xc2: {  	[tilespmem:$0x2930] =	vst v1  }
0xc3: {  	v1 =	vld [tilespmem:s25+$0x100];
	_ =	sdelay $0x4  }
0xc4: {  	v1 =	vshrl.u32 v1, $0x11  }
0xc5: {  	[tilespmem:$0x2940] =	vst v1  }
0xc6: {  	v1 =	vld [tilespmem:s25+$0x110];
	_ =	sdelay $0x3  }
0xc7: {  	s24 =	sadd.s32 $0x480, s24  }
0xc8: {  	p0 =	sne.s32 s24, $0x9D80;
	v1 =	vshrl.u32 v1, $0x11  }
.Ltmp0:
0xc9: {  	[tilespmem:$0x2950] =	vst v1;
	(pc) =	sbr.rel @p0 .LBB2_2-.Ltmp0, $4  }
0xca: {  	[spmem:s2] =	stream.indirect.scatter.add.f32 [tilespmem:s18], [sflag:$0x4], $0x80, s20, s12, $0xb8;
	[tilespmem:$0x1F580] =	vst v63  }
0xcb: {  	_ =	swait.ge [sflag:s11], $0x3000  }
0xcc: {  	[sflag:s11] =	ssyncset.done $0x0  }
0xcd: {  	[sflag:s11] =	ssyncadd.s32 $0xFFFFD000  }
0xce: {  	s23 =	sadd.s32 $0x1, s23  }
0xcf: {  	p0 =	sne.s32 s23, s8  }
.Ltmp1:
0xd0: {  	[bflag:$0x0] =	sbarrier.arrive $0xFFFF;
	(pc) =	sbr.rel @p0 .LBB2_1-.Ltmp1, $4  }
0xd1: {  	[hbm:s9], [sflag:s6] =	dma.local [spmem:s10], $0x2780  }
0xd2: {  	_ =	swait.ge [sflag:s11], $0x2780  }
0xd3: {  	[sflag:s11] =	ssyncset.done $0x0  }
0xd4: {  	[sflag:s11] =	ssyncadd.s32 $0xFFFFD880  }
0xd5: {  	_ =	sfence.sel $0x180000  }
0xd6: {  	[bflag:$0x0] =	sbarrier.arrive $0xFFFF  }
0xd7: {  	p0 =	sne.s32 s1, $0x0;
	_ =	strace $0x9000004D  }
0xd8: {  	s0 =	sadd.s32 @!p0 $0x100000, s0;
	[bflag:$0x2] =	sbarrier.arrive $0xFFFF  }
0xd9: {  	[sflag:s0] =	ssyncadd.tile.s32 @!p0 $0x1;
	_ =	shalt  }
.Lfunc_end2:
_tile_overlayer_lowered:
.L_overlay_start_2:
0xda: {  	(tag) =	ssettag $0x2  }
0xdb: {  	s0 =	rddreg [dreg:$0x0];
	s2 =	stileid.u32  }
0xdc: {  	s1 =	rddreg [dreg:$0x1];
	p0 =	sne.s32 s2, $0x0  }
0xdd: {  	s3 =	rddreg [dreg:$0x2];
	[bflag:$0x3] =	sbarrier.arrive $0xFFFF;
	s2 =	simm.s32 @!p0 $0x1C04  }
0xde: {  	[timem:s3], [sflag:s2] =	dma.local @!p0 [hbm:s0], s1  }
0xdf: {  	s0 =	simm.s32 @!p0 $0x4  }
0xe0: {  	_ =	swait.ge @!p0 [sflag:s0], s1  }
0xe1: {  	s1 =	ssub.s32 @!p0 $0x0, s1;
	[sflag:s0] =	ssyncset.done @!p0 $0x0  }
0xe2: {  	[sflag:s0] =	ssyncadd.s32 @!p0 s1  }
0xe3: {  	[bflag:$0x3] =	sbarrier.arrive $0xFFFF  }
0xe4: {  	_ =	shalt  }

// kernel: kernel.20.cloned.1.call-start
scs
__scs_entry_jumppad:
0x0: {  	(pc) =	sbr.rel $0x88, $3  }
0x1: {  	(tag) =	ssettag $0x0;
	lr =	simm.s32 $0x1  }
0x2: {  	[smem:$0x3F93] =	sst lr;
	_ =	strace $0xD0000000  }
0x3: {  	_ = 	snop  }
0x4: {  	_ = 	snop  }
0x5: {  	_ = 	snop  }
0x6: {  	_ = 	snop  }
0x7: {  	_ = 	snop  }
__scs_overlays_trampoline_lowered:
0x8: {  	[smem:$0x3FA2] =	sst s0  }
0x9: {  	[smem:$0x3FA3] =	sst s1  }
0xa: {  	[smem:$0x3FA4] =	sst s2  }
0xb: {  	[smem:$0x3FA5] =	sst s3  }
0xc: {  	[smem:$0x3FA6] =	sst s4  }
0xd: {  	[smem:$0x3FA7] =	sst s5  }
0xe: {  	[smem:$0x3FA8] =	sst s6  }
0xf: {  	[smem:$0x3FA9] =	sst s7  }
0x10: {  	[smem:$0x3FAA] =	sst s8  }
0x11: {  	[smem:$0x3FAB] =	sst s9;
	s0 =	simm.s32 @!p0 $0x0  }
0x12: {  	s1 =	sld [smem:$0x3F91];
	s0 =	simm.s32 @p0 $0x1  }
0x13: {  	[smem:$0x3FAC] =	sst s0;
	s0 =	simm.s32 @!p1 $0x0  }
0x14: {  	s2 =	sld [smem:$0x3F90];
	s0 =	simm.s32 @p1 $0x1  }
0x15: {  	[smem:$0x3FAD] =	sst s0;
	s0 =	simm.s32 @!p2 $0x0  }
0x16: {  	s3 =	sld [smem:$0x3FDB];
	s0 =	simm.s32 @p2 $0x1  }
0x17: {  	s4 =	simm.s32 $0x1BF5;
	[smem:$0x3FAF] =	sst s0  }
0x18: {  	s0 =	sld [smem:$0x3F92];
	_ =	swait.ge [sflag:s4], $0x0  }
0x19: {  	s7 =	sld [smem:$0x3F93]  }
0x1a: {  	s8 =	sadd.s32 $0xFFFFE003, lr  }
0x1b: {  	s9 =	sadd.s32 $0xFFFFFEF7, lr;
	s5 =	simm.s32 $0xFFFFFFFF;
	p2 =	slt.u32 s8, $0xFFFFF086  }
0x1c: {  	p1 =	slt.u32 s9, $0xF7A;
	s5 =	simm.s32 @!p2 $0x0  }
0x1d: {  	s5 =	simm.s32 @p1 $0x1;
	p0 =	seq.s32 s7, s2  }
0x1e: {  	s7 =	smul.u32 @!p0 $0xF7A, s2;
	p2 =	seq.s32 @!p0 s5, $0x0  }
0x1f: {  	s9 =	smul.u32 $0xF7A, s1;
	s8 =	simm.s32 @!p0 $0x1BF5;
	p2 =	por !p2, p0  }
0x20: {  	[sflag:s8] =	ssyncset.s32 @!p0 $0xFFFFF086;
	s6 =	sadd.s32 @!p0 s3, s7;
	s7 =	simm.s32 @!p0 $0x108  }
0x21: {  	s3 =	sadd.s32 s3, s9;
	s6 =	sadd.s32 @!p0 $0x88, s6;
	s7 =	simm.s32 @p2 $0x1082  }
0x22: {  	[simem:s7], [sflag:s8] =	dma.local @!p0 [hbm:s6], $0xF7A  }
0x23: {  	s9 =	sor.u32 $0xD0000000, s2;
	s6 =	simm.s32 $0x108;
	_ =	swait.ge @!p0 [sflag:s8], $0x0  }
0x24: {  	s3 =	sadd.s32 $0x88, s3;
	s6 =	simm.s32 @!p1 $0x1082;
	[sflag:s4] =	ssyncset.s32 $0xFFFFF086  }
0x25: {  	[simem:s6], [sflag:s4] =	dma.local [hbm:s3], $0xF7A  }
0x26: {  	[smem:$0x3F93] =	sst s1;
	(tag) =	ssettag s2;
	_ =	strace s9  }
0x27: {  	s1 =	sld [smem:$0x3FA3]  }
0x28: {  	s2 =	sld [smem:$0x3FA4]  }
0x29: {  	s4 =	sld [smem:$0x3FA6]  }
0x2a: {  	p0 =	seq.s32 s5, $0x0;
	s5 =	sld [smem:$0x3FA7]  }
0x2b: {  	s6 =	sld [smem:$0x3FA8]  }
0x2c: {  	s7 =	sld [smem:$0x3FA9]  }
0x2d: {  	s3 =	simm.s32 $0x108;
	s8 =	sld [smem:$0x3FAA]  }
0x2e: {  	s3 =	simm.s32 @!p0 $0x1082;
	s9 =	sld [smem:$0x3FAB]  }
0x2f: {  	lr =	sadd.s32 s0, s3;
	s0 =	sld [smem:$0x3FA2]  }
0x30: {  	s3 =	sld [smem:$0x3FA5]  }
0x31: {  	[smem:$0x3FAE] =	sst s10  }
0x32: {  	s10 =	sld [smem:$0x3FAC];
	_ =	sdelay $0x3  }
0x33: {  	p0 =	seq.s32 s10, $0x1;
	s10 =	sld [smem:$0x3FAE];
	_ =	sdelay $0x3  }
0x34: {  	[smem:$0x3FAE] =	sst s10  }
0x35: {  	s10 =	sld [smem:$0x3FAD];
	_ =	sdelay $0x3  }
0x36: {  	p1 =	seq.s32 s10, $0x1;
	s10 =	sld [smem:$0x3FAE];
	_ =	sdelay $0x3  }
0x37: {  	[smem:$0x3FAE] =	sst s10  }
0x38: {  	s10 =	sld [smem:$0x3FAF]  }
0x39: {  	_ = 	snop;
	(pc) =	sbr.ind lr, $3  }
0x3a: {  	_ = 	snop  }
0x3b: {  	_ = 	snop  }
0x3c: {  	p2 =	seq.s32 s10, $0x1;
	s10 =	sld [smem:$0x3FAE]  }
0x3d: {  	_ =	shalt  }
0x3e: {  	_ =	shalt  }
0x3f: {  	_ =	shalt  }
0x40: {  	_ =	shalt  }
0x41: {  	_ =	shalt  }
0x42: {  	_ =	shalt  }
0x43: {  	_ =	shalt  }
0x44: {  	_ =	shalt  }
0x45: {  	_ =	shalt  }
0x46: {  	_ =	shalt  }
0x47: {  	_ =	shalt  }
0x48: {  	_ =	shalt  }
0x49: {  	_ =	shalt  }
0x4a: {  	_ =	shalt  }
0x4b: {  	_ =	shalt  }
0x4c: {  	_ =	shalt  }
0x4d: {  	_ =	shalt  }
0x4e: {  	_ =	shalt  }
0x4f: {  	_ =	shalt  }
0x50: {  	_ =	shalt  }
0x51: {  	_ =	shalt  }
0x52: {  	_ =	shalt  }
0x53: {  	_ =	shalt  }
0x54: {  	_ =	shalt  }
0x55: {  	_ =	shalt  }
0x56: {  	_ =	shalt  }
0x57: {  	_ =	shalt  }
0x58: {  	_ =	shalt  }
0x59: {  	_ =	shalt  }
0x5a: {  	_ =	shalt  }
0x5b: {  	_ =	shalt  }
0x5c: {  	_ =	shalt  }
0x5d: {  	_ =	shalt  }
0x5e: {  	_ =	shalt  }
0x5f: {  	_ =	shalt  }
0x60: {  	_ =	shalt  }
0x61: {  	_ =	shalt  }
0x62: {  	_ =	shalt  }
0x63: {  	_ =	shalt  }
0x64: {  	_ =	shalt  }
0x65: {  	_ =	shalt  }
0x66: {  	_ =	shalt  }
0x67: {  	_ =	shalt  }
0x68: {  	_ =	shalt  }
0x69: {  	_ =	shalt  }
0x6a: {  	_ =	shalt  }
0x6b: {  	_ =	shalt  }
0x6c: {  	_ =	shalt  }
0x6d: {  	_ =	shalt  }
0x6e: {  	_ =	shalt  }
0x6f: {  	_ =	shalt  }
0x70: {  	_ =	shalt  }
0x71: {  	_ =	shalt  }
0x72: {  	_ =	shalt  }
0x73: {  	_ =	shalt  }
0x74: {  	_ =	shalt  }
0x75: {  	_ =	shalt  }
0x76: {  	_ =	shalt  }
0x77: {  	_ =	shalt  }
0x78: {  	_ =	shalt  }
0x79: {  	_ =	shalt  }
0x7a: {  	_ =	shalt  }
0x7b: {  	_ =	shalt  }
0x7c: {  	_ =	shalt  }
0x7d: {  	_ =	shalt  }
0x7e: {  	_ =	shalt  }
0x7f: {  	_ =	shalt  }
0x80: {  	_ =	shalt  }
0x81: {  	_ =	shalt  }
0x82: {  	_ =	shalt  }
0x83: {  	_ =	shalt  }
0x84: {  	_ =	shalt  }
0x85: {  	_ =	shalt  }
0x86: {  	_ =	shalt  }
0x87: {  	_ =	shalt  }
.Lfunc_end0:
.L_simem_size_0:
called_computation.3_lowered:
.L_overlay_start_0:
0x88: {  	s2 =	sld [smem:$0x3FD9]  }
0x89: {  	s3 =	sld [smem:$0x3FFE];
	_ =	sdelay $0x1  }
0x8a: {  	s1 =	srdreg.scid  }
0x8b: {  	s0 =	sand.u32 $0x1, s1  }
0x8c: {  	s16 =	sshll.u32 s0, $0xA;
	s2 =	sadd.s32 s3, s2  }
0x8d: {  	s2 =	sadd.s32 s2, s16  }
0x8e: {  	[smem:$0x3FBA] =	sst s2  }
0x8f: {  	_ = 	snop  }
0x90: {  	(tm) =	ssettm $0x1  }
0x91: {  	s17 =	sld [smem:$0x3FFB];
	_ =	sdelay $0x3  }
0x92: {  	_ =	strace s17  }
0x93: {  	s2 =	sld [smem:$0x3FFC];
	_ =	sdelay $0x3  }
0x94: {  	_ =	strace s2  }
0x95: {  	s2 =	sld [smem:$0x3FFD];
	_ =	sdelay $0x3  }
0x96: {  	_ =	strace s2  }
0x97: {  	_ =	strace $0x8FFFFFFF  }
0x98: {  	s18 =	sld [smem:$0x3FDB];
	_ =	sdelay $0x1  }
0x99: {  	s19 =	simm.s32 $_scs_section_size  }
0x9a: {  	s4 =	simm.s32 $_size__tile_overlayer_lowered;
	s5 =	simm.s32 $_tile_overlayer_lowered  }
0x9b: {  	s22 =	simm.s32 $0x1BFF;
	s21 =	sshll.u32 s5, $0x1;
	s2 =	sadd.s32 s19, s18  }
0x9c: {  	s6 =	simm.s32 $0x0;
	s20 =	sshll.u32 s4, $0x1;
	s4 =	sadd.s32 s21, s2  }
0x9d: {  	[timem:s6], [sflag:s22] =	dma.local [hbm:s4], s20  }
0x9e: {  	_ =	swait.ge [sflag:s22], s20  }
0x9f: {  	s3 =	ssub.s32 $0x0, s20;
	[sflag:s22] =	ssyncset.done $0x0  }
0xa0: {  	[sflag:s22] =	ssyncadd.s32 s3;
	_ =	sdelay $0x1  }
0xa1: {  	s23 =	simm.s32 $0x1B8B  }
0xa2: {  	_ =	swait.ge [sflag:s23], $0x1  }
0xa3: {  	[sflag:s23] =	ssyncset.done $0x0  }
0xa4: {  	s25 =	simm.s32 $0x1B8E;
	s24 =	sld [smem:$0x3FFE];
	[sflag:s23] =	ssyncadd.s32 $0xFFFFFFFF  }
0xa5: {  	s26 =	simm.s32 $execute0_lowered;
	[smem:$0x3FD2] =	sst s25  }
0xa6: {  	s4 =	sshll.u32 s26, $0x1;
	_ =	strace $0x8000004F;
	[dreg:$0x1] =	wrdreg $0xFFFFFFFF  }
0xa7: {  	s28 =	simm.s32 $_size_execute0_lowered;
	s2 =	sadd.s32 s2, s4;
	[dreg:$0x0] =	wrdreg $0x0  }
0xa8: {  	s4 =	sshll.u32 s28, $0x1;
	[dreg:$0x2] =	wrdreg s2  }
0xa9: {  	[dreg:$0x3] =	wrdreg s4  }
0xaa: {  	[dreg:$0x4] =	wrdreg $0xC0  }
0xab: {  	_ =	task [dreg:s6], $0x5FFFF  }
0xac: {  	[dreg:$0x1] =	wrdreg $0xFFFFFFFF  }
0xad: {  	[dreg:$0x0] =	wrdreg $0x60  }
0xae: {  	[dreg:$0x2] =	wrdreg s24  }
0xaf: {  	[dreg:$0x3] =	wrdreg $0xB9800  }
0xb0: {  	[dreg:$0x4] =	wrdreg $0x9  }
0xb1: {  	_ =	task.clear_ibuf [dreg:s6], $0x5FFFF;
	_ =	strace $0x9000004F  }
0xb2: {  	s29 =	simm.s32 $0x9;
	_ =	strace $0x80000051  }
0xb3: {  	_ =	swait.ge [sflag:s29], $0x1  }
0xb4: {  	[sflag:s29] =	ssyncadd.s32 $0xFFFFFFFF  }
0xb5: {  	_ =	strace $0x90000051  }
0xb6: {  	_ =	sfence  }
0xb7: {  	s30 =	sld [smem:$0x0];
	_ =	sdelay $0x2  }
0xb8: {  	s31 =	sshll.u32 s1, $0xD;
	s1 =	sshrl.u32 s1, $0x2  }
0xb9: {  	s3 =	sand.u32 $0x4000, s31;
	s1 =	sadd.s32 s1, s30  }
0xba: {  	s0 =	sor.u32 s3, s0;
	s1 =	sshll.u32 s1, $0x11  }
0xbb: {  	s0 =	sor.u32 s1, s0  }
0xbc: {  	s0 =	sadd.s32 $0x8F2B, s0  }
0xbd: {  	[sflag:s0] =	ssyncadd.remote.s32 $0x1  }
0xbe: {  	_ =	sfence.sel $0xFFFF  }
0xbf: {  	[dreg:$0x0] =	wrdreg $0xFFFFFFFF;
	(pc) =	sbr.abs _section_cstart, $3  }
0xc0: {  	[dreg:$0x1] =	wrdreg $0xFFFFFFFF  }
0xc1: {  	_ =	task.clear_ibuf [dreg:s6], $0x2FFFF;
	_ =	strace $0x9FFFFFFF  }
0xc2: {  	(tm) =	ssettm $0x7FFFFFFF  }
0xc3: {  	_ =	shalt  }
tec
execute0_lowered:
.L_overlay_start_1:
0x0: {  	(tag) =	ssettag $0x1  }
0x1: {  	s9 =	rddreg [dreg:$0x0]  }
0x2: {  	s2 =	rddreg [dreg:$0x1]  }
0x3: {  	s0 =	rddreg [dreg:$0x2];
	s3 =	simm.s32 $0x0;
	s1 =	stileid.u32  }
0x4: {  	s4 =	srdreg.scid;
	s12 =	simm.s32 $0x1E1800;
	s14 =	simm.s32 $0x2980  }
0x5: {  	s15 =	simm.s32 $0x2800;
	s16 =	simm.s32 $0x5980;
	s17 =	simm.s32 $0x2880  }
0x6: {  	s18 =	simm.s32 $0x8980;
	s19 =	simm.s32 $0x1;
	s20 =	simm.s32 $0x2900  }
0x7: {  	s22 =	simm.s32 $0x3;
	s23 =	simm.s32 $0x0;
	s5 =	smul.u32 $0x4EC, s1  }
0x8: {  	[smem:$0x7FF] =	sst s3;
	s8 =	sand.u32 $0x1, s4;
	s6 =	smul.u32 $0x4F000, s1  }
0x9: {  	s4 =	sadd.s32 $0xA400, s9;
	s31 =	sshll.u32 s1, $0x6;
	s13 =	smul.u32 $0x2780, s1  }
0xa: {  	_ =	strace $0x80000050;
	s10 =	ssub.s32 $0x2, s8;
	p0 =	seq.s32 s8, $0x1  }
0xb: {  	s21 =	smul.u32 $0x9C40, s8;
	s7 =	sadd.s32 s5, s9;
	s5 =	sadd.s32 $0x190E00, s9  }
0xc: {  	s11 =	sshrl.u32 s10, $0x1;
	s6 =	sshrl.u32 s6, $0x2;
	s12 =	simm.s32 @!p0 $0x142C00  }
0xd: {  	s10 =	ssub.s32 s10, s11;
	s30 =	sadd.s32 s6, s2;
	s6 =	sor.u32 $0x1C04, s31  }
0xe: {  	s7 =	sadd.s32 $0x5400, s7;
	s9 =	sadd.s32 s12, s9;
	s11 =	simm.s32 $0x4  }
0xf: {  	s12 =	simm.s32 $0x60;
	v0 =	vmov s21;
	s21 =	simm.s32 $0x2;
	s8 =	smax.u32 s10, $0x1  }
0x10: {  	s9 =	sadd.s32 s9, s13;
	s10 =	sshrl.u32 s30, $0x3;
	s13 =	simm.s32 $0x2780  }
.LBB2_1:
0x11: {  	[spmem:s10], [sflag:s6] =	dma.local [hbm:s5], $0x2780  }
0x12: {  	_ =	swait.ge [sflag:s11], $0x2780  }
0x13: {  	[sflag:s11] =	ssyncset.done $0x0  }
0x14: {  	[sflag:s11] =	ssyncadd.s32 $0xFFFFD880  }
0x15: {  	[tilespmem:s3], [sflag:$0x4] =	stream.linear.gather [hbm4b:s7+s3], $0x2760, $0x38;
	[tilespmem:$0x1F580] =	vst v63  }
0x16: {  	_ =	swait.ge [sflag:s11], $0x2760  }
0x17: {  	[sflag:s11] =	ssyncset.done $0x0  }
0x18: {  	[sflag:s11] =	ssyncadd.s32 $0xFFFFD8A0  }
0x19: {  	[bflag:$0x0] =	sbarrier.arrive $0xFFFF  }
0x1a: {  	v1 =	vld [tilespmem:$0x0]  }
0x1b: {  	v2 =	vld [tilespmem:$0x10]  }
0x1c: {  	v3 =	vld [tilespmem:$0x20]  }
0x1d: {  	v4 =	vld [tilespmem:$0x30]  }
0x1e: {  	v5 =	vld [tilespmem:$0x40]  }
0x1f: {  	v6 =	vld [tilespmem:$0x50];
	v1 =	vand.u32 $0x1FFFF, v1  }
0x20: {  	v2 =	vand.u32 $0x1FFFF, v2;
	v1 =	vadd.s32 v0, v1  }
0x21: {  	[tilespmem:$0x2780] =	vst v1;
	v1 =	vadd.s32 v0, v2;
	v2 =	vand.u32 $0x1FFFF, v3  }
0x22: {  	[tilespmem:$0x2790] =	vst v1;
	v1 =	vadd.s32 v0, v2;
	v2 =	vand.u32 $0x1FFFF, v4  }
0x23: {  	[tilespmem:$0x27A0] =	vst v1;
	v1 =	vadd.s32 v0, v2;
	v2 =	vand.u32 $0x1FFFF, v5  }
0x24: {  	[tilespmem:$0x27B0] =	vst v1;
	v1 =	vadd.s32 v0, v2;
	v2 =	vand.u32 $0x1FFFF, v6  }
0x25: {  	[tilespmem:$0x27C0] =	vst v1;
	v1 =	vadd.s32 v0, v2  }
0x26: {  	[tilespmem:$0x27D0] =	vst v1  }
0x27: {  	[tilespmem:s14], [sflag:$0x1] =	stream.indirect.gather [hbm4b:s4+s12], $0x80, s13, s12, $0xb8;
	[tilespmem:$0x1F580] =	vst v63  }
0x28: {  	v1 =	vld [tilespmem:$0x60]  }
0x29: {  	v2 =	vld [tilespmem:$0x70]  }
0x2a: {  	v3 =	vld [tilespmem:$0x80]  }
0x2b: {  	v61 =	vld [tilespmem:$0x90]  }
0x2c: {  	v62 =	vld [tilespmem:$0xA0]  }
0x2d: {  	v63 =	vld [tilespmem:$0xB0];
	v1 =	vand.u32 $0x1FFFF, v1  }
0x2e: {  	v2 =	vand.u32 $0x1FFFF, v2;
	v1 =	vadd.s32 v0, v1  }
0x2f: {  	[tilespmem:$0x2800] =	vst v1;
	v1 =	vadd.s32 v0, v2;
	v2 =	vand.u32 $0x1FFFF, v3  }
0x30: {  	[tilespmem:$0x2810] =	vst v1;
	v1 =	vadd.s32 v0, v2;
	v2 =	vand.u32 $0x1FFFF, v61  }
0x31: {  	[tilespmem:$0x2820] =	vst v1;
	v1 =	vadd.s32 v0, v2;
	v2 =	vand.u32 $0x1FFFF, v62  }
0x32: {  	[tilespmem:$0x2830] =	vst v1;
	v1 =	vadd.s32 v0, v2;
	v2 =	vand.u32 $0x1FFFF, v63  }
0x33: {  	[tilespmem:$0x2840] =	vst v1;
	v1 =	vadd.s32 v0, v2  }
0x34: {  	s24 =	simm.s32 $0x0;
	[tilespmem:$0x2850] =	vst v1  }
0x35: {  	[tilespmem:s16], [sflag:$0x2] =	stream.indirect.gather [hbm4b:s4+s12], $0x80, s15, s12, $0xb8;
	[tilespmem:$0x1F580] =	vst v63  }
.LBB2_2:
0x36: {  	s25 =	sshra.s32 s24, $0x2  }
0x37: {  	v1 =	vld [tilespmem:s25+$0xC0];
	_ =	sdelay $0x4  }
0x38: {  	v1 =	vand.u32 $0x1FFFF, v1  }
0x39: {  	v1 =	vadd.s32 v0, v1  }
0x3a: {  	[tilespmem:$0x2880] =	vst v1  }
0x3b: {  	v1 =	vld [tilespmem:s25+$0xD0];
	_ =	sdelay $0x4  }
0x3c: {  	v1 =	vand.u32 $0x1FFFF, v1  }
0x3d: {  	v1 =	vadd.s32 v0, v1  }
0x3e: {  	[tilespmem:$0x2890] =	vst v1  }
0x3f: {  	v1 =	vld [tilespmem:s25+$0xE0];
	_ =	sdelay $0x4  }
0x40: {  	v1 =	vand.u32 $0x1FFFF, v1  }
0x41: {  	v1 =	vadd.s32 v0, v1  }
0x42: {  	[tilespmem:$0x28A0] =	vst v1  }
0x43: {  	v1 =	vld [tilespmem:s25+$0xF0];
	_ =	sdelay $0x4  }
0x44: {  	v1 =	vand.u32 $0x1FFFF, v1  }
0x45: {  	v1 =	vadd.s32 v0, v1  }
0x46: {  	[tilespmem:$0x28B0] =	vst v1  }
0x47: {  	v1 =	vld [tilespmem:s25+$0x100];
	_ =	sdelay $0x4  }
0x48: {  	v1 =	vand.u32 $0x1FFFF, v1  }
0x49: {  	v1 =	vadd.s32 v0, v1  }
0x4a: {  	[tilespmem:$0x28C0] =	vst v1  }
0x4b: {  	v1 =	vld [tilespmem:s25+$0x110];
	_ =	sdelay $0x4  }
0x4c: {  	v1 =	vand.u32 $0x1FFFF, v1  }
0x4d: {  	v1 =	vadd.s32 v0, v1  }
0x4e: {  	[tilespmem:$0x28D0] =	vst v1  }
0x4f: {  	[tilespmem:s18], [sflag:$0x3] =	stream.indirect.gather [hbm4b:s4+s12], $0x80, s17, s12, $0xb8;
	[tilespmem:$0x1F580] =	vst v63  }
0x50: {  	_ =	swait.ge [sflag:s19], $0x3000  }
0x51: {  	[sflag:s19] =	ssyncset.done $0x0  }
0x52: {  	[sflag:s19] =	ssyncadd.s32 $0xFFFFD000  }
0x53: {  	v1 =	vld [tilespmem:s25+$0x0];
	_ =	sdelay $0x4  }
0x54: {  	v1 =	vshrl.u32 v1, $0x11  }
0x55: {  	[tilespmem:$0x2900] =	vst v1  }
0x56: {  	v1 =	vld [tilespmem:s25+$0x10];
	_ =	sdelay $0x4  }
0x57: {  	v1 =	vshrl.u32 v1, $0x11  }
0x58: {  	[tilespmem:$0x2910] =	vst v1  }
0x59: {  	v1 =	vld [tilespmem:s25+$0x20];
	_ =	sdelay $0x4  }
0x5a: {  	v1 =	vshrl.u32 v1, $0x11  }
0x5b: {  	[tilespmem:$0x2920] =	vst v1  }
0x5c: {  	v1 =	vld [tilespmem:s25+$0x30];
	_ =	sdelay $0x4  }
0x5d: {  	v1 =	vshrl.u32 v1, $0x11  }
0x5e: {  	[tilespmem:$0x2930] =	vst v1  }
0x5f: {  	v1 =	vld [tilespmem:s25+$0x40];
	_ =	sdelay $0x4  }
0x60: {  	v1 =	vshrl.u32 v1, $0x11  }
0x61: {  	[tilespmem:$0x2940] =	vst v1  }
0x62: {  	v1 =	vld [tilespmem:s25+$0x50];
	_ =	sdelay $0x4  }
0x63: {  	v1 =	vshrl.u32 v1, $0x11  }
0x64: {  	[tilespmem:$0x2950] =	vst v1  }
0x65: {  	[spmem:s2] =	stream.indirect.scatter.add.f32 [tilespmem:s14], [sflag:$0x4], $0x80, s20, s12, $0xb8;
	[tilespmem:$0x1F580] =	vst v63  }
0x66: {  	_ =	swait.ge [sflag:s11], $0x3000  }
0x67: {  	p0 =	seq.s32 s24, $0x9900;
	[sflag:s11] =	ssyncset.done $0x0  }
0x68: {  	s26 =	sshra.s32 @!p0 s24, $0x2;
	[sflag:s11] =	ssyncadd.s32 $0xFFFFD000  }
0x69: {  	v1 =	vld @!p0 [tilespmem:s26+$0x120];
	_ =	sdelay $0x4  }
0x6a: {  	v1 =	vand.u32 @!p0 $0x1FFFF, v1  }
0x6b: {  	v1 =	vadd.s32 @!p0 v0, v1  }
0x6c: {  	[tilespmem:$0x2780] =	vst @!p0 v1  }
0x6d: {  	v1 =	vld @!p0 [tilespmem:s26+$0x130];
	_ =	sdelay $0x4  }
0x6e: {  	v1 =	vand.u32 @!p0 $0x1FFFF, v1  }
0x6f: {  	v1 =	vadd.s32 @!p0 v0, v1  }
0x70: {  	[tilespmem:$0x2790] =	vst @!p0 v1  }
0x71: {  	v1 =	vld @!p0 [tilespmem:s26+$0x140];
	_ =	sdelay $0x4  }
0x72: {  	v1 =	vand.u32 @!p0 $0x1FFFF, v1  }
0x73: {  	v1 =	vadd.s32 @!p0 v0, v1  }
0x74: {  	[tilespmem:$0x27A0] =	vst @!p0 v1  }
0x75: {  	v1 =	vld @!p0 [tilespmem:s26+$0x150];
	_ =	sdelay $0x4  }
0x76: {  	v1 =	vand.u32 @!p0 $0x1FFFF, v1  }
0x77: {  	v1 =	vadd.s32 @!p0 v0, v1  }
0x78: {  	[tilespmem:$0x27B0] =	vst @!p0 v1  }
0x79: {  	v1 =	vld @!p0 [tilespmem:s26+$0x160];
	_ =	sdelay $0x4  }
0x7a: {  	v1 =	vand.u32 @!p0 $0x1FFFF, v1  }
0x7b: {  	v1 =	vadd.s32 @!p0 v0, v1  }
0x7c: {  	[tilespmem:$0x27C0] =	vst @!p0 v1  }
0x7d: {  	v1 =	vld @!p0 [tilespmem:s26+$0x170];
	_ =	sdelay $0x4  }
0x7e: {  	v1 =	vand.u32 @!p0 $0x1FFFF, v1  }
0x7f: {  	v1 =	vadd.s32 @!p0 v0, v1  }
0x80: {  	s28 =	simm.s32 @!p0 $0x60;
	s29 =	simm.s32 @!p0 $0x2780;
	s30 =	simm.s32 @!p0 $0x2980;
	[tilespmem:$0x27D0] =	vst @!p0 v1  }
0x81: {  	[tilespmem:s30], [sflag:$0x1] =	stream.indirect.gather @!p0 [hbm4b:s4+s28], $0x80, s29, s28, $0xb8;
	[tilespmem:$0x1F580] =	vst v63  }
0x82: {  	_ =	swait.ge [sflag:s21], $0x3000  }
0x83: {  	[sflag:s21] =	ssyncset.done $0x0  }
0x84: {  	[sflag:s21] =	ssyncadd.s32 $0xFFFFD000  }
0x85: {  	v1 =	vld [tilespmem:s25+$0x60];
	_ =	sdelay $0x4  }
0x86: {  	v1 =	vshrl.u32 v1, $0x11  }
0x87: {  	[tilespmem:$0x2900] =	vst v1  }
0x88: {  	v1 =	vld [tilespmem:s25+$0x70];
	_ =	sdelay $0x4  }
0x89: {  	v1 =	vshrl.u32 v1, $0x11  }
0x8a: {  	[tilespmem:$0x2910] =	vst v1  }
0x8b: {  	v1 =	vld [tilespmem:s25+$0x80];
	_ =	sdelay $0x4  }
0x8c: {  	v1 =	vshrl.u32 v1, $0x11  }
0x8d: {  	[tilespmem:$0x2920] =	vst v1  }
0x8e: {  	v1 =	vld [tilespmem:s25+$0x90];
	_ =	sdelay $0x4  }
0x8f: {  	v1 =	vshrl.u32 v1, $0x11  }
0x90: {  	[tilespmem:$0x2930] =	vst v1  }
0x91: {  	v1 =	vld [tilespmem:s25+$0xA0];
	_ =	sdelay $0x4  }
0x92: {  	v1 =	vshrl.u32 v1, $0x11  }
0x93: {  	[tilespmem:$0x2940] =	vst v1  }
0x94: {  	v1 =	vld [tilespmem:s25+$0xB0];
	_ =	sdelay $0x4  }
0x95: {  	v1 =	vshrl.u32 v1, $0x11  }
0x96: {  	[tilespmem:$0x2950] =	vst v1  }
0x97: {  	[spmem:s2] =	stream.indirect.scatter.add.f32 [tilespmem:s16], [sflag:$0x4], $0x80, s20, s12, $0xb8;
	[tilespmem:$0x1F580] =	vst v63  }
0x98: {  	_ =	swait.ge [sflag:s11], $0x3000  }
0x99: {  	[sflag:s11] =	ssyncset.done $0x0  }
0x9a: {  	[sflag:s11] =	ssyncadd.s32 $0xFFFFD000  }
0x9b: {  	v1 =	vld @!p0 [tilespmem:s26+$0x180];
	_ =	sdelay $0x4  }
0x9c: {  	v1 =	vand.u32 @!p0 $0x1FFFF, v1  }
0x9d: {  	v1 =	vadd.s32 @!p0 v0, v1  }
0x9e: {  	[tilespmem:$0x2800] =	vst @!p0 v1  }
0x9f: {  	v1 =	vld @!p0 [tilespmem:s26+$0x190];
	_ =	sdelay $0x4  }
0xa0: {  	v1 =	vand.u32 @!p0 $0x1FFFF, v1  }
0xa1: {  	v1 =	vadd.s32 @!p0 v0, v1  }
0xa2: {  	[tilespmem:$0x2810] =	vst @!p0 v1  }
0xa3: {  	v1 =	vld @!p0 [tilespmem:s26+$0x1A0];
	_ =	sdelay $0x4  }
0xa4: {  	v1 =	vand.u32 @!p0 $0x1FFFF, v1  }
0xa5: {  	v1 =	vadd.s32 @!p0 v0, v1  }
0xa6: {  	[tilespmem:$0x2820] =	vst @!p0 v1  }
0xa7: {  	v1 =	vld @!p0 [tilespmem:s26+$0x1B0];
	_ =	sdelay $0x4  }
0xa8: {  	v1 =	vand.u32 @!p0 $0x1FFFF, v1  }
0xa9: {  	v1 =	vadd.s32 @!p0 v0, v1  }
0xaa: {  	[tilespmem:$0x2830] =	vst @!p0 v1  }
0xab: {  	v1 =	vld @!p0 [tilespmem:s26+$0x1C0];
	_ =	sdelay $0x4  }
0xac: {  	v1 =	vand.u32 @!p0 $0x1FFFF, v1  }
0xad: {  	v1 =	vadd.s32 @!p0 v0, v1  }
0xae: {  	[tilespmem:$0x2840] =	vst @!p0 v1  }
0xaf: {  	v1 =	vld @!p0 [tilespmem:s26+$0x1D0];
	_ =	sdelay $0x4  }
0xb0: {  	v1 =	vand.u32 @!p0 $0x1FFFF, v1  }
0xb1: {  	v1 =	vadd.s32 @!p0 v0, v1  }
0xb2: {  	s29 =	simm.s32 @!p0 $0x5980;
	s26 =	simm.s32 @!p0 $0x2800;
	[tilespmem:$0x2850] =	vst @!p0 v1  }
0xb3: {  	[tilespmem:s29], [sflag:$0x2] =	stream.indirect.gather @!p0 [hbm4b:s4+s28], $0x80, s26, s28, $0xb8;
	[tilespmem:$0x1F580] =	vst v63  }
0xb4: {  	_ =	swait.ge [sflag:s22], $0x3000  }
0xb5: {  	[sflag:s22] =	ssyncset.done $0x0  }
0xb6: {  	[sflag:s22] =	ssyncadd.s32 $0xFFFFD000  }
0xb7: {  	v1 =	vld [tilespmem:s25+$0xC0];
	_ =	sdelay $0x4  }
0xb8: {  	v1 =	vshrl.u32 v1, $0x11  }
0xb9: {  	[tilespmem:$0x2900] =	vst v1  }
0xba: {  	v1 =	vld [tilespmem:s25+$0xD0];
	_ =	sdelay $0x4  }
0xbb: {  	v1 =	vshrl.u32 v1, $0x11  }
0xbc: {  	[tilespmem:$0x2910] =	vst v1  }
0xbd: {  	v1 =	vld [tilespmem:s25+$0xE0];
	_ =	sdelay $0x4  }
0xbe: {  	v1 =	vshrl.u32 v1, $0x11  }
0xbf: {  	[tilespmem:$0x2920] =	vst v1  }
0xc0: {  	v1 =	vld [tilespmem:s25+$0xF0];
	_ =	sdelay $0x4  }
0xc1: {  	v1 =	vshrl.u32 v1, $0x11  }
0xc2: {  	[tilespmem:$0x2930] =	vst v1  }
0xc3: {  	v1 =	vld [tilespmem:s25+$0x100];
	_ =	sdelay $0x4  }
0xc4: {  	v1 =	vshrl.u32 v1, $0x11  }
0xc5: {  	[tilespmem:$0x2940] =	vst v1  }
0xc6: {  	v1 =	vld [tilespmem:s25+$0x110];
	_ =	sdelay $0x3  }
0xc7: {  	s24 =	sadd.s32 $0x480, s24  }
0xc8: {  	p0 =	sne.s32 s24, $0x9D80;
	v1 =	vshrl.u32 v1, $0x11  }
.Ltmp0:
0xc9: {  	[tilespmem:$0x2950] =	vst v1;
	(pc) =	sbr.rel @p0 .LBB2_2-.Ltmp0, $4  }
0xca: {  	[spmem:s2] =	stream.indirect.scatter.add.f32 [tilespmem:s18], [sflag:$0x4], $0x80, s20, s12, $0xb8;
	[tilespmem:$0x1F580] =	vst v63  }
0xcb: {  	_ =	swait.ge [sflag:s11], $0x3000  }
0xcc: {  	[sflag:s11] =	ssyncset.done $0x0  }
0xcd: {  	[sflag:s11] =	ssyncadd.s32 $0xFFFFD000  }
0xce: {  	s23 =	sadd.s32 $0x1, s23  }
0xcf: {  	p0 =	sne.s32 s23, s8  }
.Ltmp1:
0xd0: {  	[bflag:$0x0] =	sbarrier.arrive $0xFFFF;
	(pc) =	sbr.rel @p0 .LBB2_1-.Ltmp1, $4  }
0xd1: {  	[hbm:s9], [sflag:s6] =	dma.local [spmem:s10], $0x2780  }
0xd2: {  	_ =	swait.ge [sflag:s11], $0x2780  }
0xd3: {  	[sflag:s11] =	ssyncset.done $0x0  }
0xd4: {  	[sflag:s11] =	ssyncadd.s32 $0xFFFFD880  }
0xd5: {  	_ =	sfence.sel $0x180000  }
0xd6: {  	[bflag:$0x0] =	sbarrier.arrive $0xFFFF  }
0xd7: {  	p0 =	sne.s32 s1, $0x0;
	_ =	strace $0x90000050  }
0xd8: {  	s0 =	sadd.s32 @!p0 $0x100000, s0;
	[bflag:$0x2] =	sbarrier.arrive $0xFFFF  }
0xd9: {  	[sflag:s0] =	ssyncadd.tile.s32 @!p0 $0x1;
	_ =	shalt  }
.Lfunc_end2:
_tile_overlayer_lowered:
.L_overlay_start_2:
0xda: {  	(tag) =	ssettag $0x2  }
0xdb: {  	s0 =	rddreg [dreg:$0x0];
	s2 =	stileid.u32  }
0xdc: {  	s1 =	rddreg [dreg:$0x1];
	p0 =	sne.s32 s2, $0x0  }
0xdd: {  	s3 =	rddreg [dreg:$0x2];
	[bflag:$0x3] =	sbarrier.arrive $0xFFFF;
	s2 =	simm.s32 @!p0 $0x1C04  }
0xde: {  	[timem:s3], [sflag:s2] =	dma.local @!p0 [hbm:s0], s1  }
0xdf: {  	s0 =	simm.s32 @!p0 $0x4  }
0xe0: {  	_ =	swait.ge @!p0 [sflag:s0], s1  }
0xe1: {  	s1 =	ssub.s32 @!p0 $0x0, s1;
	[sflag:s0] =	ssyncset.done @!p0 $0x0  }
0xe2: {  	[sflag:s0] =	ssyncadd.s32 @!p0 s1  }
0xe3: {  	[bflag:$0x3] =	sbarrier.arrive $0xFFFF  }
0xe4: {  	_ =	shalt  }

</sc_bundles>
